<compile_context>
chip_gen: v7x
topology: tpu7x:2x2x1
jax: 0.10.2.dev20260603
libtpu: 0.0.44.dev20260713+nightly
codegen_flags: <defaults>
</compile_context>

<pallas_src>
import functools

import jax
import jax.numpy as jnp
from jax import lax
from jax.experimental import pallas as pl
from jax.experimental.pallas import tpu as pltpu
from jax.experimental.pallas import tpu_sc as plsc

N = 10000
E = 320000
D = 128
H = D // 2

CHUNK = 64
CHUNKS_PER_TILE = 320
IDX_ROWS = CHUNKS_PER_TILE // 2
E_PAD = 16 * CHUNKS_PER_TILE * CHUNK
N_PAD = 10240
R_ACC = 5024


def _proj_body(x_ref, wk_ref, bk_ref, wq_ref, bq_ref, wv_ref, bv_ref,
               ws_ref, bias_ref, kt_ref, qvh_ref, skip_ref):
    xb = x_ref[...]
    kt_ref[...] = jnp.dot(xb, wk_ref[...], preferred_element_type=jnp.float32) + bk_ref[...]
    qb = jnp.dot(xb, wq_ref[...], preferred_element_type=jnp.float32) + bq_ref[...]
    vb = jnp.dot(xb, wv_ref[...], preferred_element_type=jnp.float32) + bv_ref[...]
    qvh_ref[0, :, :H] = qb[:, :H]
    qvh_ref[0, :, H:] = vb[:, :H]
    qvh_ref[1, :, :H] = qb[:, H:]
    qvh_ref[1, :, H:] = vb[:, H:]
    skip_ref[...] = jnp.dot(xb, ws_ref[...], preferred_element_type=jnp.float32) + bias_ref[...]


def _combine_body(agg_ref, skip_ref, out_ref):
    a0 = agg_ref[0]
    a1 = agg_ref[1]
    out_ref[...] = jnp.concatenate(
        [a0[:, :H], a1[:, :H], a0[:, H:], a1[:, H:]], axis=1) + skip_ref[...]


def _sc_body(kt_hbm, qvh_hbm, dst_hbm, src_hbm, out_hbm,
             dst_v, src_v, kd_v, qv_v, msg_v, msg2_v, dsth_v, dsth2_v, par_v,
             agg_sh, sem_k, sem_qv, sem_s, sem_s2):
    c = lax.axis_index("c")
    s = lax.axis_index("s")

    def _zrow(i, _):
        for j in range(D // 16):
            msg_v[i, pl.ds(j * 16, 16)] = jnp.zeros((16,), jnp.float32)
        return 0
    lax.fori_loop(0, CHUNK, _zrow, 0, unroll=False)
    nzero = R_ACC // 32
    def _zcopy(t, _):
        ci = t * 16 + s
        @pl.when(ci < nzero)
        def _():
            pltpu.sync_copy(msg_v.at[pl.ds(0, 32)],
                            agg_sh.at[pl.ds(ci * 32, 32)])
        return 0
    lax.fori_loop(0, (nzero + 15) // 16, _zcopy, 0, unroll=False)

    pltpu.sync_copy(dst_hbm.at[s], dst_v)
    pltpu.sync_copy(src_hbm.at[s], src_v)

    plsc.subcore_barrier()

    def _dslice(ref, ci):
        return ref.at[ci >> 1, pl.ds((ci & 1) * CHUNK, CHUNK)]

    pltpu.async_copy(kt_hbm.at[_dslice(dst_v, 0)], kd_v.at[0], sem_k.at[0])
    pltpu.async_copy(qvh_hbm.at[c].at[_dslice(src_v, 0)], qv_v.at[0],
                     sem_qv.at[0])

    def _chunk(ci, _):
        buf = ci & 1
        nbuf = (ci + 1) & 1

        @pl.when(ci + 1 < CHUNKS_PER_TILE)
        def _():
            pltpu.async_copy(kt_hbm.at[_dslice(dst_v, ci + 1)],
                             kd_v.at[nbuf], sem_k.at[nbuf])
            pltpu.async_copy(qvh_hbm.at[c].at[_dslice(src_v, ci + 1)],
                             qv_v.at[nbuf], sem_qv.at[nbuf])

        pltpu.make_async_copy(kt_hbm.at[_dslice(dst_v, ci)], kd_v.at[buf],
                              sem_k.at[buf]).wait()
        pltpu.make_async_copy(qvh_hbm.at[c].at[_dslice(src_v, ci)],
                              qv_v.at[buf], sem_qv.at[buf]).wait()

        def _work(msg_r, dsth_r, sem_r):
            @pl.when(ci >= 2)
            def _():
                pltpu.make_async_copy(msg_r, agg_sh.at[dsth_r], sem_r).wait()

            def _pidx(i, _):
                d16 = dst_v[ci >> 1, pl.ds((ci & 1) * CHUNK + i * 16, 16)]
                dsth_r[pl.ds(i * 16, 16)] = lax.shift_right_logical(d16, 1)
                par_v[pl.ds(i * 16, 16)] = (d16 & 1).astype(jnp.float32)
                return 0
            lax.fori_loop(0, CHUNK // 16, _pidx, 0, unroll=False)

            @plsc.parallel_loop(0, CHUNK, unroll=4)
            def _row(e):
                bb = plsc.load_gather(par_v, [jnp.broadcast_to(e, (16,))])
                om = 1.0 - bb
                for j in range(H // 16):
                    kk = kd_v[buf, e, pl.ds(c * H + j * 16, 16)]
                    qq = qv_v[buf, e, pl.ds(j * 16, 16)]
                    vv = qv_v[buf, e, pl.ds(H + j * 16, 16)]
                    mh = vv / (1.0 + jnp.exp(-(kk + qq)))
                    msg_r[e, pl.ds(j * 16, 16)] = mh * om
                    msg_r[e, pl.ds(H + j * 16, 16)] = mh * bb

            pltpu.async_copy(msg_r, agg_sh.at[dsth_r], sem_r, add=True)

        @pl.when(buf == 0)
        def _():
            _work(msg_v, dsth_v, sem_s)

        @pl.when(buf == 1)
        def _():
            _work(msg2_v, dsth2_v, sem_s2)
        return 0
    lax.fori_loop(0, CHUNKS_PER_TILE, _chunk, 0, unroll=False)

    pltpu.make_async_copy(msg_v, agg_sh.at[dsth_v], sem_s).wait()
    pltpu.make_async_copy(msg2_v, agg_sh.at[dsth2_v], sem_s2).wait()

    plsc.subcore_barrier()

    ncopy = (N // 2) // 40
    def _ocopy(t, _):
        ci = t * 16 + s
        @pl.when(ci < ncopy)
        def _():
            pltpu.sync_copy(agg_sh.at[pl.ds(ci * 40, 40)],
                            out_hbm.at[c, pl.ds(ci * 40, 40)])
        return 0
    lax.fori_loop(0, (ncopy + 15) // 16, _ocopy, 0, unroll=False)


_sc_call = functools.partial(
    pl.kernel,
    mesh=plsc.VectorSubcoreMesh(core_axis_name="c", subcore_axis_name="s"),
    out_type=jax.ShapeDtypeStruct((2, N // 2, D), jnp.float32),
    compiler_params=pltpu.CompilerParams(needs_layout_passes=False),
    scratch_types=[
        pltpu.VMEM((IDX_ROWS, 128), jnp.int32),
        pltpu.VMEM((IDX_ROWS, 128), jnp.int32),
        pltpu.VMEM((2, CHUNK, D), jnp.float32),
        pltpu.VMEM((2, CHUNK, 2 * H), jnp.float32),
        pltpu.VMEM((CHUNK, D), jnp.float32),
        pltpu.VMEM((CHUNK, D), jnp.float32),
        pltpu.VMEM((CHUNK,), jnp.int32),
        pltpu.VMEM((CHUNK,), jnp.int32),
        pltpu.VMEM((CHUNK,), jnp.float32),
        pltpu.VMEM_SHARED((R_ACC, D), jnp.float32),
        pltpu.SemaphoreType.DMA((2,)),
        pltpu.SemaphoreType.DMA((2,)),
        pltpu.SemaphoreType.DMA,
        pltpu.SemaphoreType.DMA,
    ],
)(_sc_body)


@jax.jit
def kernel(x, edge_index, Wk, bk, Wq, bq, Wv, bv, Ws, bias):
    src = edge_index[0]
    dst = edge_index[1]
    npad = E_PAD - E
    src_p = jnp.concatenate([src, jnp.zeros((npad,), jnp.int32)])
    dst_p = jnp.concatenate(
        [dst, N + (jnp.arange(npad, dtype=jnp.int32) % (2 * (R_ACC - N // 2)))])
    src_t = src_p.reshape(16, IDX_ROWS, 128)
    dst_t = dst_p.reshape(16, IDX_ROWS, 128)

    xp = jnp.pad(x, ((0, N_PAD - N), (0, 0)))

    rb = 1024
    kt, qvh, skip = pl.pallas_call(
        _proj_body,
        grid=(N_PAD // rb,),
        in_specs=[
            pl.BlockSpec((rb, D), lambda i: (i, 0)),
            pl.BlockSpec((D, D), lambda i: (0, 0)),
            pl.BlockSpec((1, D), lambda i: (0, 0)),
            pl.BlockSpec((D, D), lambda i: (0, 0)),
            pl.BlockSpec((1, D), lambda i: (0, 0)),
            pl.BlockSpec((D, D), lambda i: (0, 0)),
            pl.BlockSpec((1, D), lambda i: (0, 0)),
            pl.BlockSpec((D, D), lambda i: (0, 0)),
            pl.BlockSpec((1, D), lambda i: (0, 0)),
        ],
        out_specs=[
            pl.BlockSpec((rb, D), lambda i: (i, 0)),
            pl.BlockSpec((2, rb, D), lambda i: (0, i, 0)),
            pl.BlockSpec((rb, D), lambda i: (i, 0)),
        ],
        out_shape=[
            jax.ShapeDtypeStruct((N_PAD, D), jnp.float32),
            jax.ShapeDtypeStruct((2, N_PAD, D), jnp.float32),
            jax.ShapeDtypeStruct((N_PAD, D), jnp.float32),
        ],
    )(xp, Wk, bk.reshape(1, D), Wq, bq.reshape(1, D),
      Wv, bv.reshape(1, D), Ws, bias.reshape(1, D))

    agg = _sc_call(kt, qvh, dst_t, src_t)

    rb2 = 1000
    out = pl.pallas_call(
        _combine_body,
        grid=((N // 2) // rb2,),
        in_specs=[
            pl.BlockSpec((2, rb2, D), lambda i: (0, i, 0)),
            pl.BlockSpec((rb2, 2 * D), lambda i: (i, 0)),
        ],
        out_specs=pl.BlockSpec((rb2, 2 * D), lambda i: (i, 0)),
        out_shape=jax.ShapeDtypeStruct((N // 2, 2 * D), jnp.float32),
    )(agg, skip.reshape(N_PAD // 2, 2 * D))
    return out.reshape(N, D)

# --- scband reference (transcript-rebuilt; emitter-appended) ---
"""Pipeline reference for scband-gated-gcn-25804163514907 (READ-ONLY COPY).

The authoritative reference and input builder live on the scoring server;
editing this copy changes nothing except your own understanding.
"""

import jax, jax.numpy as jnp
import numpy as np

N = 10000
E = 320000
D = 128

def setup_inputs(seed: int = 0) -> dict:
    key = jax.random.key(seed)
    ks = jax.random.split(key, 10)
    x = jax.random.normal(ks[0], (N, D), dtype=jnp.float32)
    edge_index = jax.random.randint(ks[1], (2, E), 0, N, dtype=jnp.int32)
    s = 1.0 / np.sqrt(D)
    Wk = jax.random.normal(ks[2], (D, D), dtype=jnp.float32) * s
    bk = jnp.zeros((D,), dtype=jnp.float32)
    Wq = jax.random.normal(ks[3], (D, D), dtype=jnp.float32) * s
    bq = jnp.zeros((D,), dtype=jnp.float32)
    Wv = jax.random.normal(ks[4], (D, D), dtype=jnp.float32) * s
    bv = jnp.zeros((D,), dtype=jnp.float32)
    Ws = jax.random.normal(ks[5], (D, D), dtype=jnp.float32) * s
    bias = jnp.zeros((D,), dtype=jnp.float32)
    return {"x": x, "edge_index": edge_index, "Wk": Wk, "bk": bk, "Wq": Wq, "bq": bq, "Wv": Wv, "bv": bv, "Ws": Ws, "bias": bias}

def reference(x, edge_index, Wk, bk, Wq, bq, Wv, bv, Ws, bias):
    # PyG ResGatedGraphConv:
    #   k = lin_key(x_target), q = lin_query(x_source), v = lin_value(x_source)
    #   message(j->i) = sigmoid(k_i + q_j) * v_j, aggregated by sum at i
    #   out = aggr + lin_skip(x) + bias
    src = edge_index[0]
    dst = edge_index[1]
    k = x @ Wk + bk
    q = x @ Wq + bq
    v = x @ Wv + bv
    eta = jax.nn.sigmoid(k[dst] + q[src])  # gather at dst and src
    msg = eta * v[src]
    agg = jnp.zeros((N, D), dtype=x.dtype).at[dst].add(msg)  # scatter-add
    out = agg + x @ Ws + bias
    return out

if __name__ == "__main__":
    import jax
    _d = setup_inputs()
    print(jax.jit(kernel)(*tuple(_d.values())))

</pallas_src>

<mosaic_0001>
#map = affine_map<(d0, d1) -> (0, 0)>
#map1 = affine_map<(d0, d1) -> (0, 0, 0)>
module attributes {stable_mosaic.version = 14 : i64} {
  func.func @_sc_body(%arg0: i32, %arg1: i32, %arg2: memref<10240x128xf32, #tpu.memory_space<hbm>>, %arg3: memref<2x10240x128xf32, #tpu.memory_space<hbm>>, %arg4: memref<16x160x128xi32, #tpu.memory_space<hbm>>, %arg5: memref<16x160x128xi32, #tpu.memory_space<hbm>>, %arg6: memref<2x5000x128xf32, #tpu.memory_space<hbm>>, %arg7: memref<160x128xi32, #tpu.memory_space<vmem>>, %arg8: memref<160x128xi32, #tpu.memory_space<vmem>>, %arg9: memref<2x64x128xf32, #tpu.memory_space<vmem>>, %arg10: memref<2x64x128xf32, #tpu.memory_space<vmem>>, %arg11: memref<64x128xf32, #tpu.memory_space<vmem>>, %arg12: memref<64x128xf32, #tpu.memory_space<vmem>>, %arg13: memref<64xi32, #tpu.memory_space<vmem>>, %arg14: memref<64xi32, #tpu.memory_space<vmem>>, %arg15: memref<64xf32, #tpu.memory_space<vmem>>, %arg16: memref<5024x128xf32, #tpu.memory_space<vmem_shared>>, %arg17: memref<2x!tpu.dma_semaphore, #tpu.memory_space<semaphore_mem>>, %arg18: memref<2x!tpu.dma_semaphore, #tpu.memory_space<semaphore_mem>>, %arg19: memref<!tpu.dma_semaphore, #tpu.memory_space<semaphore_mem>>, %arg20: memref<!tpu.dma_semaphore, #tpu.memory_space<semaphore_mem>>) attributes {dimension_semantics = [#tpu.dimension_semantics<core_parallel>, #tpu.dimension_semantics<subcore_parallel>], iteration_bounds = array<i64: 2, 16>, scalar_prefetch = 0 : i64, scratch_operands = 14 : i64, tpu.core_type = #tpu.core_type<sc_vector_subcore>, window_params = [{transform_indices = #map}, {transform_indices = #map1}, {transform_indices = #map1}, {transform_indices = #map1}, {transform_indices = #map1}]} {
    %scan3A = arith.constant 0 : i32
    %scan3A_0 = arith.constant 0 : i32
    %scan3A_1 = arith.constant 64 : i32
    %scan3A_2 = arith.addi %scan3A_0, %scan3A_1 : i32
    %scan3A_3 = arith.constant 1 : i32
    %scan3A_4 = scf.for %scan3A_66 = %scan3A_0 to %scan3A_2 step %scan3A_3 iter_args(%scan3A_67 = %scan3A) -> (i32)  : i32 {
      %broadcast_in_dim3A = arith.constant 0.000000e+00 : f32
      %broadcast_in_dim3A_68 = vector.broadcast %broadcast_in_dim3A : f32 to vector<16xf32>
      %swap3A = arith.index_cast %scan3A_66 : i32 to index
      %swap3A_69 = arith.constant 0 : index
      %swap3A_70 = tpu.vector_load %arg11[%swap3A, %swap3A_69] {strides = array<i32>} : memref<64x128xf32, #tpu.memory_space<vmem>>, vector<16xf32>,
      tpu.vector_store %arg11[%swap3A, %swap3A_69], %broadcast_in_dim3A_68 {strides = array<i32>} : memref<64x128xf32, #tpu.memory_space<vmem>>, vector<16xf32>,
      %broadcast_in_dim3A_71 = arith.constant 0.000000e+00 : f32
      %broadcast_in_dim3A_72 = vector.broadcast %broadcast_in_dim3A_71 : f32 to vector<16xf32>
      %swap3A_73 = arith.index_cast %scan3A_66 : i32 to index
      %swap3A_74 = arith.constant 16 : index
      %swap3A_75 = tpu.vector_load %arg11[%swap3A_73, %swap3A_74] {strides = array<i32>} : memref<64x128xf32, #tpu.memory_space<vmem>>, vector<16xf32>,
      tpu.vector_store %arg11[%swap3A_73, %swap3A_74], %broadcast_in_dim3A_72 {strides = array<i32>} : memref<64x128xf32, #tpu.memory_space<vmem>>, vector<16xf32>,
      %broadcast_in_dim3A_76 = arith.constant 0.000000e+00 : f32
      %broadcast_in_dim3A_77 = vector.broadcast %broadcast_in_dim3A_76 : f32 to vector<16xf32>
      %swap3A_78 = arith.index_cast %scan3A_66 : i32 to index
      %swap3A_79 = arith.constant 32 : index
      %swap3A_80 = tpu.vector_load %arg11[%swap3A_78, %swap3A_79] {strides = array<i32>} : memref<64x128xf32, #tpu.memory_space<vmem>>, vector<16xf32>,
      tpu.vector_store %arg11[%swap3A_78, %swap3A_79], %broadcast_in_dim3A_77 {strides = array<i32>} : memref<64x128xf32, #tpu.memory_space<vmem>>, vector<16xf32>,
      %broadcast_in_dim3A_81 = arith.constant 0.000000e+00 : f32
      %broadcast_in_dim3A_82 = vector.broadcast %broadcast_in_dim3A_81 : f32 to vector<16xf32>
      %swap3A_83 = arith.index_cast %scan3A_66 : i32 to index
      %swap3A_84 = arith.constant 48 : index
      %swap3A_85 = tpu.vector_load %arg11[%swap3A_83, %swap3A_84] {strides = array<i32>} : memref<64x128xf32, #tpu.memory_space<vmem>>, vector<16xf32>,
      tpu.vector_store %arg11[%swap3A_83, %swap3A_84], %broadcast_in_dim3A_82 {strides = array<i32>} : memref<64x128xf32, #tpu.memory_space<vmem>>, vector<16xf32>,
      %broadcast_in_dim3A_86 = arith.constant 0.000000e+00 : f32
      %broadcast_in_dim3A_87 = vector.broadcast %broadcast_in_dim3A_86 : f32 to vector<16xf32>
      %swap3A_88 = arith.index_cast %scan3A_66 : i32 to index
      %swap3A_89 = arith.constant 64 : index
      %swap3A_90 = tpu.vector_load %arg11[%swap3A_88, %swap3A_89] {strides = array<i32>} : memref<64x128xf32, #tpu.memory_space<vmem>>, vector<16xf32>,
      tpu.vector_store %arg11[%swap3A_88, %swap3A_89], %broadcast_in_dim3A_87 {strides = array<i32>} : memref<64x128xf32, #tpu.memory_space<vmem>>, vector<16xf32>,
      %broadcast_in_dim3A_91 = arith.constant 0.000000e+00 : f32
      %broadcast_in_dim3A_92 = vector.broadcast %broadcast_in_dim3A_91 : f32 to vector<16xf32>
      %swap3A_93 = arith.index_cast %scan3A_66 : i32 to index
      %swap3A_94 = arith.constant 80 : index
      %swap3A_95 = tpu.vector_load %arg11[%swap3A_93, %swap3A_94] {strides = array<i32>} : memref<64x128xf32, #tpu.memory_space<vmem>>, vector<16xf32>,
      tpu.vector_store %arg11[%swap3A_93, %swap3A_94], %broadcast_in_dim3A_92 {strides = array<i32>} : memref<64x128xf32, #tpu.memory_space<vmem>>, vector<16xf32>,
      %broadcast_in_dim3A_96 = arith.constant 0.000000e+00 : f32
      %broadcast_in_dim3A_97 = vector.broadcast %broadcast_in_dim3A_96 : f32 to vector<16xf32>
      %swap3A_98 = arith.index_cast %scan3A_66 : i32 to index
      %swap3A_99 = arith.constant 96 : index
      %swap3A_100 = tpu.vector_load %arg11[%swap3A_98, %swap3A_99] {strides = array<i32>} : memref<64x128xf32, #tpu.memory_space<vmem>>, vector<16xf32>,
      tpu.vector_store %arg11[%swap3A_98, %swap3A_99], %broadcast_in_dim3A_97 {strides = array<i32>} : memref<64x128xf32, #tpu.memory_space<vmem>>, vector<16xf32>,
      %broadcast_in_dim3A_101 = arith.constant 0.000000e+00 : f32
      %broadcast_in_dim3A_102 = vector.broadcast %broadcast_in_dim3A_101 : f32 to vector<16xf32>
      %swap3A_103 = arith.index_cast %scan3A_66 : i32 to index
      %swap3A_104 = arith.constant 112 : index
      %swap3A_105 = tpu.vector_load %arg11[%swap3A_103, %swap3A_104] {strides = array<i32>} : memref<64x128xf32, #tpu.memory_space<vmem>>, vector<16xf32>,
      tpu.vector_store %arg11[%swap3A_103, %swap3A_104], %broadcast_in_dim3A_102 {strides = array<i32>} : memref<64x128xf32, #tpu.memory_space<vmem>>, vector<16xf32>,
      %scan3A_106 = arith.constant 0 : i32
      scf.yield %scan3A_106 : i32
    }
    %scan3A_5 = arith.constant 64 : i32
    %scan3A_6 = arith.constant 0 : i32
    %scan3A_7 = arith.constant 0 : i32
    %scan3A_8 = arith.constant 10 : i32
    %scan3A_9 = arith.addi %scan3A_7, %scan3A_8 : i32
    %scan3A_10 = arith.constant 1 : i32
    %scan3A_11 = scf.for %scan3A_66 = %scan3A_7 to %scan3A_9 step %scan3A_10 iter_args(%scan3A_67 = %scan3A_6) -> (i32)  : i32 {
      %mul3A = arith.constant 16 : i32
      %mul3A_68 = arith.muli %scan3A_66, %mul3A : i32
      %add3A = arith.addi %mul3A_68, %arg1 : i32
      %lt3A = arith.constant 157 : i32
      %lt3A_69 = arith.cmpi slt, %add3A, %lt3A : i32
      %convert_element_type3A = arith.extui %lt3A_69 : i1 to i32
      %cond3A = arith.constant 0 : i32
      %cond3A_70 = arith.cmpi ne, %convert_element_type3A, %cond3A : i32
      scf.if %cond3A_70 {
        %mul3A_72 = arith.constant 32 : i32
        %mul3A_73 = arith.muli %add3A, %mul3A_72 : i32
        "tpu.region"() ({
          %run_scoped3A = tpu.sem_alloc : memref<!tpu.dma_semaphore, #tpu.memory_space<semaphore_mem>>
          %dma_start3A_74 = arith.constant 0 : i32
          %dma_start3A_75 = arith.constant 0 : i32
          %dma_start3A_76 = tpu.memref_slice %arg11[%dma_start3A_74, %dma_start3A_75] : memref<64x128xf32, #tpu.memory_space<vmem>> -> memref<32x128xf32, #tpu.memory_space<vmem>>
          %dma_start3A_77 = arith.constant 0 : i32
          %dma_start3A_78 = tpu.memref_slice %arg16[%mul3A_73, %dma_start3A_77] : memref<5024x128xf32, #tpu.memory_space<vmem_shared>> -> memref<32x128xf32, #tpu.memory_space<vmem_shared>>
          %dma_start3A_79 = arith.constant 0 : i32
          %dma_start3A_80 = tpu.memref_slice %arg16[%mul3A_73, %dma_start3A_79] : memref<5024x128xf32, #tpu.memory_space<vmem_shared>> -> memref<32x128xf32, #tpu.memory_space<vmem_shared>>
          %dma_start3A_81 = arith.constant 0 : i32
          %dma_start3A_82 = arith.constant 0 : i32
          %dma_start3A_83 = tpu.memref_slice %arg11[%dma_start3A_81, %dma_start3A_82] : memref<64x128xf32, #tpu.memory_space<vmem>> -> memref<32x128xf32, #tpu.memory_space<vmem>>
          tpu.enqueue_dma source(%dma_start3A_83 : memref<32x128xf32, #tpu.memory_space<vmem>>) target(%dma_start3A_80 : memref<32x128xf32, #tpu.memory_space<vmem_shared>>) target_semaphore(%run_scoped3A : memref<!tpu.dma_semaphore, #tpu.memory_space<semaphore_mem>>)
          %dma_wait3A_84 = arith.constant 0 : i32
          %dma_wait3A_85 = arith.constant 0 : i32
          %dma_wait3A_86 = tpu.memref_slice %arg11[%dma_wait3A_84, %dma_wait3A_85] : memref<64x128xf32, #tpu.memory_space<vmem>> -> memref<32x128xf32, #tpu.memory_space<vmem>>
          %dma_wait3A_87 = arith.constant 0 : i32
          %dma_wait3A_88 = tpu.memref_slice %arg16[%mul3A_73, %dma_wait3A_87] : memref<5024x128xf32, #tpu.memory_space<vmem_shared>> -> memref<32x128xf32, #tpu.memory_space<vmem_shared>>
          %dma_wait3A_89 = arith.constant 0 : i32
          %dma_wait3A_90 = tpu.memref_slice %arg16[%mul3A_73, %dma_wait3A_89] : memref<5024x128xf32, #tpu.memory_space<vmem_shared>> -> memref<32x128xf32, #tpu.memory_space<vmem_shared>>
          %dma_wait3A_91 = arith.constant 0 : i32
          %dma_wait3A_92 = arith.constant 0 : i32
          %dma_wait3A_93 = tpu.memref_slice %arg11[%dma_wait3A_91, %dma_wait3A_92] : memref<64x128xf32, #tpu.memory_space<vmem>> -> memref<32x128xf32, #tpu.memory_space<vmem>>
          tpu.wait_dma2 semaphore(%run_scoped3A : memref<!tpu.dma_semaphore, #tpu.memory_space<semaphore_mem>>) src(%dma_wait3A_93 : memref<32x128xf32, #tpu.memory_space<vmem>>) dst(%dma_wait3A_90 : memref<32x128xf32, #tpu.memory_space<vmem_shared>>)
          tpu.yield
        }) : () -> ()
      } else {
      }
      %scan3A_71 = arith.constant 0 : i32
      scf.yield %scan3A_71 : i32
    }
    %scan3A_12 = arith.constant 10 : i32
    "tpu.region"() ({
      %run_scoped3A = tpu.sem_alloc : memref<!tpu.dma_semaphore, #tpu.memory_space<semaphore_mem>>
      %dma_start3A_66 = arith.constant 0 : i32
      %dma_start3A_67 = arith.constant 0 : i32
      %dma_start3A_68 = tpu.memref_slice %arg4[%arg1, %dma_start3A_66, %dma_start3A_67] : memref<16x160x128xi32, #tpu.memory_space<hbm>> -> memref<1x160x128xi32, #tpu.memory_space<hbm>>
      %dma_start3A_69 = tpu.memref_squeeze %dma_start3A_68 : memref<1x160x128xi32, #tpu.memory_space<hbm>> -> memref<160x128xi32, #tpu.memory_space<hbm>>
      %dma_start3A_70 = arith.constant 0 : i32
      %dma_start3A_71 = arith.constant 0 : i32
      %dma_start3A_72 = tpu.memref_slice %arg4[%arg1, %dma_start3A_70, %dma_start3A_71] : memref<16x160x128xi32, #tpu.memory_space<hbm>> -> memref<1x160x128xi32, #tpu.memory_space<hbm>>
      %dma_start3A_73 = tpu.memref_squeeze %dma_start3A_72 : memref<1x160x128xi32, #tpu.memory_space<hbm>> -> memref<160x128xi32, #tpu.memory_space<hbm>>
      tpu.enqueue_dma source(%dma_start3A_73 : memref<160x128xi32, #tpu.memory_space<hbm>>) target(%arg7 : memref<160x128xi32, #tpu.memory_space<vmem>>) target_semaphore(%run_scoped3A : memref<!tpu.dma_semaphore, #tpu.memory_space<semaphore_mem>>)
      %dma_wait3A_74 = arith.constant 0 : i32
      %dma_wait3A_75 = arith.constant 0 : i32
      %dma_wait3A_76 = tpu.memref_slice %arg4[%arg1, %dma_wait3A_74, %dma_wait3A_75] : memref<16x160x128xi32, #tpu.memory_space<hbm>> -> memref<1x160x128xi32, #tpu.memory_space<hbm>>
      %dma_wait3A_77 = tpu.memref_squeeze %dma_wait3A_76 : memref<1x160x128xi32, #tpu.memory_space<hbm>> -> memref<160x128xi32, #tpu.memory_space<hbm>>
      %dma_wait3A_78 = arith.constant 0 : i32
      %dma_wait3A_79 = arith.constant 0 : i32
      %dma_wait3A_80 = tpu.memref_slice %arg4[%arg1, %dma_wait3A_78, %dma_wait3A_79] : memref<16x160x128xi32, #tpu.memory_space<hbm>> -> memref<1x160x128xi32, #tpu.memory_space<hbm>>
      %dma_wait3A_81 = tpu.memref_squeeze %dma_wait3A_80 : memref<1x160x128xi32, #tpu.memory_space<hbm>> -> memref<160x128xi32, #tpu.memory_space<hbm>>
      tpu.wait_dma2 semaphore(%run_scoped3A : memref<!tpu.dma_semaphore, #tpu.memory_space<semaphore_mem>>) src(%dma_wait3A_81 : memref<160x128xi32, #tpu.memory_space<hbm>>) dst(%arg7 : memref<160x128xi32, #tpu.memory_space<vmem>>)
      tpu.yield
    }) : () -> ()
    "tpu.region"() ({
      %run_scoped3A = tpu.sem_alloc : memref<!tpu.dma_semaphore, #tpu.memory_space<semaphore_mem>>
      %dma_start3A_66 = arith.constant 0 : i32
      %dma_start3A_67 = arith.constant 0 : i32
      %dma_start3A_68 = tpu.memref_slice %arg5[%arg1, %dma_start3A_66, %dma_start3A_67] : memref<16x160x128xi32, #tpu.memory_space<hbm>> -> memref<1x160x128xi32, #tpu.memory_space<hbm>>
      %dma_start3A_69 = tpu.memref_squeeze %dma_start3A_68 : memref<1x160x128xi32, #tpu.memory_space<hbm>> -> memref<160x128xi32, #tpu.memory_space<hbm>>
      %dma_start3A_70 = arith.constant 0 : i32
      %dma_start3A_71 = arith.constant 0 : i32
      %dma_start3A_72 = tpu.memref_slice %arg5[%arg1, %dma_start3A_70, %dma_start3A_71] : memref<16x160x128xi32, #tpu.memory_space<hbm>> -> memref<1x160x128xi32, #tpu.memory_space<hbm>>
      %dma_start3A_73 = tpu.memref_squeeze %dma_start3A_72 : memref<1x160x128xi32, #tpu.memory_space<hbm>> -> memref<160x128xi32, #tpu.memory_space<hbm>>
      tpu.enqueue_dma source(%dma_start3A_73 : memref<160x128xi32, #tpu.memory_space<hbm>>) target(%arg8 : memref<160x128xi32, #tpu.memory_space<vmem>>) target_semaphore(%run_scoped3A : memref<!tpu.dma_semaphore, #tpu.memory_space<semaphore_mem>>)
      %dma_wait3A_74 = arith.constant 0 : i32
      %dma_wait3A_75 = arith.constant 0 : i32
      %dma_wait3A_76 = tpu.memref_slice %arg5[%arg1, %dma_wait3A_74, %dma_wait3A_75] : memref<16x160x128xi32, #tpu.memory_space<hbm>> -> memref<1x160x128xi32, #tpu.memory_space<hbm>>
      %dma_wait3A_77 = tpu.memref_squeeze %dma_wait3A_76 : memref<1x160x128xi32, #tpu.memory_space<hbm>> -> memref<160x128xi32, #tpu.memory_space<hbm>>
      %dma_wait3A_78 = arith.constant 0 : i32
      %dma_wait3A_79 = arith.constant 0 : i32
      %dma_wait3A_80 = tpu.memref_slice %arg5[%arg1, %dma_wait3A_78, %dma_wait3A_79] : memref<16x160x128xi32, #tpu.memory_space<hbm>> -> memref<1x160x128xi32, #tpu.memory_space<hbm>>
      %dma_wait3A_81 = tpu.memref_squeeze %dma_wait3A_80 : memref<1x160x128xi32, #tpu.memory_space<hbm>> -> memref<160x128xi32, #tpu.memory_space<hbm>>
      tpu.wait_dma2 semaphore(%run_scoped3A : memref<!tpu.dma_semaphore, #tpu.memory_space<semaphore_mem>>) src(%dma_wait3A_81 : memref<160x128xi32, #tpu.memory_space<hbm>>) dst(%arg8 : memref<160x128xi32, #tpu.memory_space<vmem>>)
      tpu.yield
    }) : () -> ()
    %barrier3A = arith.constant 0 : index
    tpu.barrier barrier_id(%barrier3A)
    %dma_start3A = arith.constant 0 : i32
    %dma_start3A_13 = arith.constant 0 : i32
    %dma_start3A_14 = arith.constant 0 : i32
    %dma_start3A_15 = arith.constant 0 : i32
    %dma_start3A_16 = arith.constant 0 : i32
    %dma_start3A_17 = tpu.memref_slice %arg9[%dma_start3A_13, %dma_start3A_15, %dma_start3A_16] : memref<2x64x128xf32, #tpu.memory_space<vmem>> -> memref<1x64x128xf32, #tpu.memory_space<vmem>>
    %dma_start3A_18 = tpu.memref_squeeze %dma_start3A_17 : memref<1x64x128xf32, #tpu.memory_space<vmem>> -> memref<64x128xf32, #tpu.memory_space<vmem>>
    %dma_start3A_19 = arith.constant 0 : i32
    %dma_start3A_20 = tpu.memref_slice %arg7[%dma_start3A, %dma_start3A_19] : memref<160x128xi32, #tpu.memory_space<vmem>> -> memref<1x64xi32, #tpu.memory_space<vmem>>
    %dma_start3A_21 = tpu.memref_squeeze %dma_start3A_20 : memref<1x64xi32, #tpu.memory_space<vmem>> -> memref<64xi32, #tpu.memory_space<vmem>>
    %dma_start3A_22 = arith.constant 0 : i32
    %dma_start3A_23 = arith.constant 0 : i32
    %dma_start3A_24 = tpu.memref_slice %arg2[%dma_start3A_22, %dma_start3A_23] : memref<10240x128xf32, #tpu.memory_space<hbm>> -> memref<10240x128xf32, #tpu.memory_space<hbm>>
    %dma_start3A_25 = tpu.memref_slice %arg17[%dma_start3A_14] : memref<2x!tpu.dma_semaphore, #tpu.memory_space<semaphore_mem>> -> memref<1x!tpu.dma_semaphore, #tpu.memory_space<semaphore_mem>>
    %dma_start3A_26 = tpu.memref_squeeze %dma_start3A_25 : memref<1x!tpu.dma_semaphore, #tpu.memory_space<semaphore_mem>> -> memref<!tpu.dma_semaphore, #tpu.memory_space<semaphore_mem>>
    tpu.enqueue_indirect_dma source(%dma_start3A_24 : memref<10240x128xf32, #tpu.memory_space<hbm>>) target(%dma_start3A_18 : memref<64x128xf32, #tpu.memory_space<vmem>>) offsets(%dma_start3A_21 : memref<64xi32, #tpu.memory_space<vmem>>) semaphore(%dma_start3A_26 : memref<!tpu.dma_semaphore, #tpu.memory_space<semaphore_mem>>)
    %dma_start3A_27 = arith.constant 0 : i32
    %dma_start3A_28 = arith.constant 0 : i32
    %dma_start3A_29 = arith.constant 0 : i32
    %dma_start3A_30 = arith.constant 0 : i32
    %dma_start3A_31 = arith.constant 0 : i32
    %dma_start3A_32 = tpu.memref_slice %arg10[%dma_start3A_28, %dma_start3A_30, %dma_start3A_31] : memref<2x64x128xf32, #tpu.memory_space<vmem>> -> memref<1x64x128xf32, #tpu.memory_space<vmem>>
    %dma_start3A_33 = tpu.memref_squeeze %dma_start3A_32 : memref<1x64x128xf32, #tpu.memory_space<vmem>> -> memref<64x128xf32, #tpu.memory_space<vmem>>
    %dma_start3A_34 = arith.constant 0 : i32
    %dma_start3A_35 = tpu.memref_slice %arg8[%dma_start3A_27, %dma_start3A_34] : memref<160x128xi32, #tpu.memory_space<vmem>> -> memref<1x64xi32, #tpu.memory_space<vmem>>
    %dma_start3A_36 = tpu.memref_squeeze %dma_start3A_35 : memref<1x64xi32, #tpu.memory_space<vmem>> -> memref<64xi32, #tpu.memory_space<vmem>>
    %dma_start3A_37 = arith.constant 0 : i32
    %dma_start3A_38 = arith.constant 0 : i32
    %dma_start3A_39 = tpu.memref_slice %arg3[%arg0, %dma_start3A_37, %dma_start3A_38] : memref<2x10240x128xf32, #tpu.memory_space<hbm>> -> memref<1x10240x128xf32, #tpu.memory_space<hbm>>
    %dma_start3A_40 = tpu.memref_squeeze %dma_start3A_39 : memref<1x10240x128xf32, #tpu.memory_space<hbm>> -> memref<10240x128xf32, #tpu.memory_space<hbm>>
    %dma_start3A_41 = arith.constant 0 : i32
    %dma_start3A_42 = arith.constant 0 : i32
    %dma_start3A_43 = tpu.memref_slice %dma_start3A_40[%dma_start3A_41, %dma_start3A_42] : memref<10240x128xf32, #tpu.memory_space<hbm>> -> memref<10240x128xf32, #tpu.memory_space<hbm>>
    %dma_start3A_44 = tpu.memref_slice %arg18[%dma_start3A_29] : memref<2x!tpu.dma_semaphore, #tpu.memory_space<semaphore_mem>> -> memref<1x!tpu.dma_semaphore, #tpu.memory_space<semaphore_mem>>
    %dma_start3A_45 = tpu.memref_squeeze %dma_start3A_44 : memref<1x!tpu.dma_semaphore, #tpu.memory_space<semaphore_mem>> -> memref<!tpu.dma_semaphore, #tpu.memory_space<semaphore_mem>>
    tpu.enqueue_indirect_dma source(%dma_start3A_43 : memref<10240x128xf32, #tpu.memory_space<hbm>>) target(%dma_start3A_33 : memref<64x128xf32, #tpu.memory_space<vmem>>) offsets(%dma_start3A_36 : memref<64xi32, #tpu.memory_space<vmem>>) semaphore(%dma_start3A_45 : memref<!tpu.dma_semaphore, #tpu.memory_space<semaphore_mem>>)
    %scan3A_46 = arith.constant 0 : i32
    %scan3A_47 = arith.constant 0 : i32
    %scan3A_48 = arith.constant 320 : i32
    %scan3A_49 = arith.addi %scan3A_47, %scan3A_48 : i32
    %scan3A_50 = arith.constant 1 : i32
    %scan3A_51 = scf.for %scan3A_66 = %scan3A_47 to %scan3A_49 step %scan3A_50 iter_args(%scan3A_67 = %scan3A_46) -> (i32)  : i32 {
      %and3A = arith.constant 1 : i32
      %and3A_68 = arith.andi %scan3A_66, %and3A : i32
      %add3A = arith.constant 1 : i32
      %add3A_69 = arith.addi %scan3A_66, %add3A : i32
      %and3A_70 = arith.constant 1 : i32
      %and3A_71 = arith.andi %add3A_69, %and3A_70 : i32
      %add3A_72 = arith.constant 1 : i32
      %add3A_73 = arith.addi %scan3A_66, %add3A_72 : i32
      %lt3A = arith.constant 320 : i32
      %lt3A_74 = arith.cmpi slt, %add3A_73, %lt3A : i32
      %convert_element_type3A = arith.extui %lt3A_74 : i1 to i32
      %cond3A = arith.constant 0 : i32
      %cond3A_75 = arith.cmpi ne, %convert_element_type3A, %cond3A : i32
      scf.if %cond3A_75 {
        %add3A_122 = arith.constant 1 : i32
        %add3A_123 = arith.addi %scan3A_66, %add3A_122 : i32
        %shift_right_arithmetic3A_124 = arith.constant 1 : i32
        %shift_right_arithmetic3A_125 = arith.shrsi %add3A_123, %shift_right_arithmetic3A_124 : i32
        %and3A_126 = arith.constant 1 : i32
        %and3A_127 = arith.andi %add3A_123, %and3A_126 : i32
        %mul3A_128 = arith.constant 64 : i32
        %mul3A_129 = arith.muli %and3A_127, %mul3A_128 : i32
        %dma_start3A_130 = arith.constant 0 : i32
        %dma_start3A_131 = arith.constant 0 : i32
        %dma_start3A_132 = tpu.memref_slice %arg9[%and3A_71, %dma_start3A_130, %dma_start3A_131] : memref<2x64x128xf32, #tpu.memory_space<vmem>> -> memref<1x64x128xf32, #tpu.memory_space<vmem>>
        %dma_start3A_133 = tpu.memref_squeeze %dma_start3A_132 : memref<1x64x128xf32, #tpu.memory_space<vmem>> -> memref<64x128xf32, #tpu.memory_space<vmem>>
        %dma_start3A_134 = tpu.memref_slice %arg7[%shift_right_arithmetic3A_125, %mul3A_129] : memref<160x128xi32, #tpu.memory_space<vmem>> -> memref<1x64xi32, #tpu.memory_space<vmem>>
        %dma_start3A_135 = tpu.memref_squeeze %dma_start3A_134 : memref<1x64xi32, #tpu.memory_space<vmem>> -> memref<64xi32, #tpu.memory_space<vmem>>
        %dma_start3A_136 = arith.constant 0 : i32
        %dma_start3A_137 = arith.constant 0 : i32
        %dma_start3A_138 = tpu.memref_slice %arg2[%dma_start3A_136, %dma_start3A_137] : memref<10240x128xf32, #tpu.memory_space<hbm>> -> memref<10240x128xf32, #tpu.memory_space<hbm>>
        %dma_start3A_139 = tpu.memref_slice %arg17[%and3A_71] : memref<2x!tpu.dma_semaphore, #tpu.memory_space<semaphore_mem>> -> memref<1x!tpu.dma_semaphore, #tpu.memory_space<semaphore_mem>>
        %dma_start3A_140 = tpu.memref_squeeze %dma_start3A_139 : memref<1x!tpu.dma_semaphore, #tpu.memory_space<semaphore_mem>> -> memref<!tpu.dma_semaphore, #tpu.memory_space<semaphore_mem>>
        tpu.enqueue_indirect_dma source(%dma_start3A_138 : memref<10240x128xf32, #tpu.memory_space<hbm>>) target(%dma_start3A_133 : memref<64x128xf32, #tpu.memory_space<vmem>>) offsets(%dma_start3A_135 : memref<64xi32, #tpu.memory_space<vmem>>) semaphore(%dma_start3A_140 : memref<!tpu.dma_semaphore, #tpu.memory_space<semaphore_mem>>)
        %add3A_141 = arith.constant 1 : i32
        %add3A_142 = arith.addi %scan3A_66, %add3A_141 : i32
        %shift_right_arithmetic3A_143 = arith.constant 1 : i32
        %shift_right_arithmetic3A_144 = arith.shrsi %add3A_142, %shift_right_arithmetic3A_143 : i32
        %and3A_145 = arith.constant 1 : i32
        %and3A_146 = arith.andi %add3A_142, %and3A_145 : i32
        %mul3A_147 = arith.constant 64 : i32
        %mul3A_148 = arith.muli %and3A_146, %mul3A_147 : i32
        %dma_start3A_149 = arith.constant 0 : i32
        %dma_start3A_150 = arith.constant 0 : i32
        %dma_start3A_151 = tpu.memref_slice %arg10[%and3A_71, %dma_start3A_149, %dma_start3A_150] : memref<2x64x128xf32, #tpu.memory_space<vmem>> -> memref<1x64x128xf32, #tpu.memory_space<vmem>>
        %dma_start3A_152 = tpu.memref_squeeze %dma_start3A_151 : memref<1x64x128xf32, #tpu.memory_space<vmem>> -> memref<64x128xf32, #tpu.memory_space<vmem>>
        %dma_start3A_153 = tpu.memref_slice %arg8[%shift_right_arithmetic3A_144, %mul3A_148] : memref<160x128xi32, #tpu.memory_space<vmem>> -> memref<1x64xi32, #tpu.memory_space<vmem>>
        %dma_start3A_154 = tpu.memref_squeeze %dma_start3A_153 : memref<1x64xi32, #tpu.memory_space<vmem>> -> memref<64xi32, #tpu.memory_space<vmem>>
        %dma_start3A_155 = arith.constant 0 : i32
        %dma_start3A_156 = arith.constant 0 : i32
        %dma_start3A_157 = tpu.memref_slice %arg3[%arg0, %dma_start3A_155, %dma_start3A_156] : memref<2x10240x128xf32, #tpu.memory_space<hbm>> -> memref<1x10240x128xf32, #tpu.memory_space<hbm>>
        %dma_start3A_158 = tpu.memref_squeeze %dma_start3A_157 : memref<1x10240x128xf32, #tpu.memory_space<hbm>> -> memref<10240x128xf32, #tpu.memory_space<hbm>>
        %dma_start3A_159 = arith.constant 0 : i32
        %dma_start3A_160 = arith.constant 0 : i32
        %dma_start3A_161 = tpu.memref_slice %dma_start3A_158[%dma_start3A_159, %dma_start3A_160] : memref<10240x128xf32, #tpu.memory_space<hbm>> -> memref<10240x128xf32, #tpu.memory_space<hbm>>
        %dma_start3A_162 = tpu.memref_slice %arg18[%and3A_71] : memref<2x!tpu.dma_semaphore, #tpu.memory_space<semaphore_mem>> -> memref<1x!tpu.dma_semaphore, #tpu.memory_space<semaphore_mem>>
        %dma_start3A_163 = tpu.memref_squeeze %dma_start3A_162 : memref<1x!tpu.dma_semaphore, #tpu.memory_space<semaphore_mem>> -> memref<!tpu.dma_semaphore, #tpu.memory_space<semaphore_mem>>
        tpu.enqueue_indirect_dma source(%dma_start3A_161 : memref<10240x128xf32, #tpu.memory_space<hbm>>) target(%dma_start3A_152 : memref<64x128xf32, #tpu.memory_space<vmem>>) offsets(%dma_start3A_154 : memref<64xi32, #tpu.memory_space<vmem>>) semaphore(%dma_start3A_163 : memref<!tpu.dma_semaphore, #tpu.memory_space<semaphore_mem>>)
      } else {
      }
      %shift_right_arithmetic3A = arith.constant 1 : i32
      %shift_right_arithmetic3A_76 = arith.shrsi %scan3A_66, %shift_right_arithmetic3A : i32
      %and3A_77 = arith.constant 1 : i32
      %and3A_78 = arith.andi %scan3A_66, %and3A_77 : i32
      %mul3A = arith.constant 64 : i32
      %mul3A_79 = arith.muli %and3A_78, %mul3A : i32
      %dma_wait3A_80 = arith.constant 0 : i32
      %dma_wait3A_81 = arith.constant 0 : i32
      %dma_wait3A_82 = tpu.memref_slice %arg9[%and3A_68, %dma_wait3A_80, %dma_wait3A_81] : memref<2x64x128xf32, #tpu.memory_space<vmem>> -> memref<1x64x128xf32, #tpu.memory_space<vmem>>
      %dma_wait3A_83 = tpu.memref_squeeze %dma_wait3A_82 : memref<1x64x128xf32, #tpu.memory_space<vmem>> -> memref<64x128xf32, #tpu.memory_space<vmem>>
      %dma_wait3A_84 = tpu.memref_slice %arg7[%shift_right_arithmetic3A_76, %mul3A_79] : memref<160x128xi32, #tpu.memory_space<vmem>> -> memref<1x64xi32, #tpu.memory_space<vmem>>
      %dma_wait3A_85 = tpu.memref_squeeze %dma_wait3A_84 : memref<1x64xi32, #tpu.memory_space<vmem>> -> memref<64xi32, #tpu.memory_space<vmem>>
      %dma_wait3A_86 = arith.constant 0 : i32
      %dma_wait3A_87 = arith.constant 0 : i32
      %dma_wait3A_88 = tpu.memref_slice %arg2[%dma_wait3A_86, %dma_wait3A_87] : memref<10240x128xf32, #tpu.memory_space<hbm>> -> memref<10240x128xf32, #tpu.memory_space<hbm>>
      %dma_wait3A_89 = tpu.memref_slice %arg17[%and3A_68] : memref<2x!tpu.dma_semaphore, #tpu.memory_space<semaphore_mem>> -> memref<1x!tpu.dma_semaphore, #tpu.memory_space<semaphore_mem>>
      %dma_wait3A_90 = tpu.memref_squeeze %dma_wait3A_89 : memref<1x!tpu.dma_semaphore, #tpu.memory_space<semaphore_mem>> -> memref<!tpu.dma_semaphore, #tpu.memory_space<semaphore_mem>>
      tpu.wait_indirect_dma semaphore(%dma_wait3A_90 : memref<!tpu.dma_semaphore, #tpu.memory_space<semaphore_mem>>) src(%dma_wait3A_88 : memref<10240x128xf32, #tpu.memory_space<hbm>>) dst(%dma_wait3A_83 : memref<64x128xf32, #tpu.memory_space<vmem>>)
      %shift_right_arithmetic3A_91 = arith.constant 1 : i32
      %shift_right_arithmetic3A_92 = arith.shrsi %scan3A_66, %shift_right_arithmetic3A_91 : i32
      %and3A_93 = arith.constant 1 : i32
      %and3A_94 = arith.andi %scan3A_66, %and3A_93 : i32
      %mul3A_95 = arith.constant 64 : i32
      %mul3A_96 = arith.muli %and3A_94, %mul3A_95 : i32
      %dma_wait3A_97 = arith.constant 0 : i32
      %dma_wait3A_98 = arith.constant 0 : i32
      %dma_wait3A_99 = tpu.memref_slice %arg10[%and3A_68, %dma_wait3A_97, %dma_wait3A_98] : memref<2x64x128xf32, #tpu.memory_space<vmem>> -> memref<1x64x128xf32, #tpu.memory_space<vmem>>
      %dma_wait3A_100 = tpu.memref_squeeze %dma_wait3A_99 : memref<1x64x128xf32, #tpu.memory_space<vmem>> -> memref<64x128xf32, #tpu.memory_space<vmem>>
      %dma_wait3A_101 = tpu.memref_slice %arg8[%shift_right_arithmetic3A_92, %mul3A_96] : memref<160x128xi32, #tpu.memory_space<vmem>> -> memref<1x64xi32, #tpu.memory_space<vmem>>
      %dma_wait3A_102 = tpu.memref_squeeze %dma_wait3A_101 : memref<1x64xi32, #tpu.memory_space<vmem>> -> memref<64xi32, #tpu.memory_space<vmem>>
      %dma_wait3A_103 = arith.constant 0 : i32
      %dma_wait3A_104 = arith.constant 0 : i32
      %dma_wait3A_105 = tpu.memref_slice %arg3[%arg0, %dma_wait3A_103, %dma_wait3A_104] : memref<2x10240x128xf32, #tpu.memory_space<hbm>> -> memref<1x10240x128xf32, #tpu.memory_space<hbm>>
      %dma_wait3A_106 = tpu.memref_squeeze %dma_wait3A_105 : memref<1x10240x128xf32, #tpu.memory_space<hbm>> -> memref<10240x128xf32, #tpu.memory_space<hbm>>
      %dma_wait3A_107 = arith.constant 0 : i32
      %dma_wait3A_108 = arith.constant 0 : i32
      %dma_wait3A_109 = tpu.memref_slice %dma_wait3A_106[%dma_wait3A_107, %dma_wait3A_108] : memref<10240x128xf32, #tpu.memory_space<hbm>> -> memref<10240x128xf32, #tpu.memory_space<hbm>>
      %dma_wait3A_110 = tpu.memref_slice %arg18[%and3A_68] : memref<2x!tpu.dma_semaphore, #tpu.memory_space<semaphore_mem>> -> memref<1x!tpu.dma_semaphore, #tpu.memory_space<semaphore_mem>>
      %dma_wait3A_111 = tpu.memref_squeeze %dma_wait3A_110 : memref<1x!tpu.dma_semaphore, #tpu.memory_space<semaphore_mem>> -> memref<!tpu.dma_semaphore, #tpu.memory_space<semaphore_mem>>
      tpu.wait_indirect_dma semaphore(%dma_wait3A_111 : memref<!tpu.dma_semaphore, #tpu.memory_space<semaphore_mem>>) src(%dma_wait3A_109 : memref<10240x128xf32, #tpu.memory_space<hbm>>) dst(%dma_wait3A_100 : memref<64x128xf32, #tpu.memory_space<vmem>>)
      %eq3A = arith.constant 0 : i32
      %eq3A_112 = arith.cmpi eq, %and3A_68, %eq3A : i32
      %convert_element_type3A_113 = arith.extui %eq3A_112 : i1 to i32
      %cond3A_114 = arith.constant 0 : i32
      %cond3A_115 = arith.cmpi ne, %convert_element_type3A_113, %cond3A_114 : i32
      scf.if %cond3A_115 {
        %ge3A = arith.constant 2 : i32
        %ge3A_122 = arith.cmpi sge, %scan3A_66, %ge3A : i32
        %convert_element_type3A_123 = arith.extui %ge3A_122 : i1 to i32
        %cond3A_124 = arith.constant 0 : i32
        %cond3A_125 = arith.cmpi ne, %convert_element_type3A_123, %cond3A_124 : i32
        scf.if %cond3A_125 {
          %dma_wait3A_138 = arith.constant 0 : i32
          %dma_wait3A_139 = arith.constant 0 : i32
          %dma_wait3A_140 = tpu.memref_slice %arg16[%dma_wait3A_138, %dma_wait3A_139] : memref<5024x128xf32, #tpu.memory_space<vmem_shared>> -> memref<5024x128xf32, #tpu.memory_space<vmem_shared>>
          tpu.wait_indirect_dma semaphore(%arg19 : memref<!tpu.dma_semaphore, #tpu.memory_space<semaphore_mem>>) src(%arg11 : memref<64x128xf32, #tpu.memory_space<vmem>>) dst(%dma_wait3A_140 : memref<5024x128xf32, #tpu.memory_space<vmem_shared>>)
        } else {
        }
        %scan3A_126 = arith.constant 0 : i32
        %scan3A_127 = arith.constant 0 : i32
        %scan3A_128 = arith.constant 4 : i32
        %scan3A_129 = arith.addi %scan3A_127, %scan3A_128 : i32
        %scan3A_130 = arith.constant 1 : i32
        %scan3A_131 = scf.for %scan3A_138 = %scan3A_127 to %scan3A_129 step %scan3A_130 iter_args(%scan3A_139 = %scan3A_126) -> (i32)  : i32 {
          %shift_right_arithmetic3A_140 = arith.constant 1 : i32
          %shift_right_arithmetic3A_141 = arith.shrsi %scan3A_66, %shift_right_arithmetic3A_140 : i32
          %and3A_142 = arith.constant 1 : i32
          %and3A_143 = arith.andi %scan3A_66, %and3A_142 : i32
          %mul3A_144 = arith.constant 64 : i32
          %mul3A_145 = arith.muli %and3A_143, %mul3A_144 : i32
          %mul3A_146 = arith.constant 16 : i32
          %mul3A_147 = arith.muli %scan3A_138, %mul3A_146 : i32
          %add3A_148 = arith.addi %mul3A_145, %mul3A_147 : i32
          %get3A = arith.index_cast %shift_right_arithmetic3A_141 : i32 to index
          %get3A_149 = arith.index_cast %add3A_148 : i32 to index
          %get3A_150 = tpu.vector_load %arg7[%get3A, %get3A_149] {strides = array<i32>} : memref<160x128xi32, #tpu.memory_space<vmem>>, vector<16xi32>,
          %shift_right_logical3A = arith.constant 1 : i32
          %shift_right_logical3A_151 = vector.broadcast %shift_right_logical3A : i32 to vector<16xi32>
          %shift_right_logical3A_152 = arith.shrui %get3A_150, %shift_right_logical3A_151 : vector<16xi32>
          %mul3A_153 = arith.constant 16 : i32
          %mul3A_154 = arith.muli %scan3A_138, %mul3A_153 : i32
          %swap3A = arith.index_cast %mul3A_154 : i32 to index
          %swap3A_155 = tpu.vector_load %arg13[%swap3A] {strides = array<i32>} : memref<64xi32, #tpu.memory_space<vmem>>, vector<16xi32>,
          tpu.vector_store %arg13[%swap3A], %shift_right_logical3A_152 {strides = array<i32>} : memref<64xi32, #tpu.memory_space<vmem>>, vector<16xi32>,
          %and3A_156 = arith.constant 1 : i32
          %and3A_157 = vector.broadcast %and3A_156 : i32 to vector<16xi32>
          %and3A_158 = arith.andi %get3A_150, %and3A_157 : vector<16xi32>
          %convert_element_type3A_159 = arith.sitofp %and3A_158 : vector<16xi32> to vector<16xf32>
          %mul3A_160 = arith.constant 16 : i32
          %mul3A_161 = arith.muli %scan3A_138, %mul3A_160 : i32
          %swap3A_162 = arith.index_cast %mul3A_161 : i32 to index
          %swap3A_163 = tpu.vector_load %arg15[%swap3A_162] {strides = array<i32>} : memref<64xf32, #tpu.memory_space<vmem>>, vector<16xf32>,
          tpu.vector_store %arg15[%swap3A_162], %convert_element_type3A_159 {strides = array<i32>} : memref<64xf32, #tpu.memory_space<vmem>>, vector<16xf32>,
          %scan3A_164 = arith.constant 0 : i32
          scf.yield %scan3A_164 : i32
        }
        %scan3A_132 = arith.constant 4 : i32
        %parallel_loop3A = arith.constant 0 : i32
        %parallel_loop3A_133 = arith.constant 64 : i32
        %parallel_loop3A_134 = arith.constant 1 : i32
        scf.for %parallel_loop3A_138 = %parallel_loop3A to %parallel_loop3A_133 step %parallel_loop3A_134  : i32 {
          %parallel_loop3A_139 = vector.broadcast %parallel_loop3A_138 : i32 to vector<16xi32>
          %parallel_loop3A_140 = tpu.vector_load_idx %arg15[%parallel_loop3A_139] : memref<64xf32, #tpu.memory_space<vmem>>[vector<16xi32>], vector<16xf32>,
          %parallel_loop3A_141 = arith.constant 1.000000e+00 : f32
          %parallel_loop3A_142 = vector.broadcast %parallel_loop3A_141 : f32 to vector<16xf32>
          %parallel_loop3A_143 = arith.subf %parallel_loop3A_142, %parallel_loop3A_140 : vector<16xf32>
          %parallel_loop3A_144 = arith.constant 64 : i32
          %parallel_loop3A_145 = arith.muli %arg0, %parallel_loop3A_144 : i32
          %parallel_loop3A_146 = arith.constant 0 : i32
          %parallel_loop3A_147 = arith.addi %parallel_loop3A_145, %parallel_loop3A_146 : i32
          %parallel_loop3A_148 = arith.index_cast %and3A_68 : i32 to index
          %parallel_loop3A_149 = arith.index_cast %parallel_loop3A_138 : i32 to index
          %parallel_loop3A_150 = arith.index_cast %parallel_loop3A_147 : i32 to index
          %parallel_loop3A_151 = tpu.vector_load %arg9[%parallel_loop3A_148, %parallel_loop3A_149, %parallel_loop3A_150] {strides = array<i32>} : memref<2x64x128xf32, #tpu.memory_space<vmem>>, vector<16xf32>,
          %parallel_loop3A_152 = arith.index_cast %and3A_68 : i32 to index
          %parallel_loop3A_153 = arith.index_cast %parallel_loop3A_138 : i32 to index
          %parallel_loop3A_154 = arith.constant 0 : index
          %parallel_loop3A_155 = tpu.vector_load %arg10[%parallel_loop3A_152, %parallel_loop3A_153, %parallel_loop3A_154] {strides = array<i32>} : memref<2x64x128xf32, #tpu.memory_space<vmem>>, vector<16xf32>,
          %parallel_loop3A_156 = arith.index_cast %and3A_68 : i32 to index
          %parallel_loop3A_157 = arith.index_cast %parallel_loop3A_138 : i32 to index
          %parallel_loop3A_158 = arith.constant 64 : index
          %parallel_loop3A_159 = tpu.vector_load %arg10[%parallel_loop3A_156, %parallel_loop3A_157, %parallel_loop3A_158] {strides = array<i32>} : memref<2x64x128xf32, #tpu.memory_space<vmem>>, vector<16xf32>,
          %parallel_loop3A_160 = arith.addf %parallel_loop3A_151, %parallel_loop3A_155 : vector<16xf32>
          %parallel_loop3A_161 = arith.constant 0.000000e+00 : f32
          %parallel_loop3A_162 = vector.broadcast %parallel_loop3A_161 : f32 to vector<16xf32>
          %parallel_loop3A_163 = arith.subf %parallel_loop3A_162, %parallel_loop3A_160 : vector<16xf32>
          %parallel_loop3A_164 = math.exp %parallel_loop3A_163 : vector<16xf32>
          %parallel_loop3A_165 = arith.constant 1.000000e+00 : f32
          %parallel_loop3A_166 = vector.broadcast %parallel_loop3A_165 : f32 to vector<16xf32>
          %parallel_loop3A_167 = arith.addf %parallel_loop3A_166, %parallel_loop3A_164 : vector<16xf32>
          %parallel_loop3A_168 = arith.divf %parallel_loop3A_159, %parallel_loop3A_167 : vector<16xf32>
          %parallel_loop3A_169 = arith.mulf %parallel_loop3A_168, %parallel_loop3A_143 : vector<16xf32>
          %parallel_loop3A_170 = arith.index_cast %parallel_loop3A_138 : i32 to index
          %parallel_loop3A_171 = arith.constant 0 : index
          %parallel_loop3A_172 = tpu.vector_load %arg11[%parallel_loop3A_170, %parallel_loop3A_171] {strides = array<i32>} : memref<64x128xf32, #tpu.memory_space<vmem>>, vector<16xf32>,
          tpu.vector_store %arg11[%parallel_loop3A_170, %parallel_loop3A_171], %parallel_loop3A_169 {strides = array<i32>} : memref<64x128xf32, #tpu.memory_space<vmem>>, vector<16xf32>,
          %parallel_loop3A_173 = arith.mulf %parallel_loop3A_168, %parallel_loop3A_140 : vector<16xf32>
          %parallel_loop3A_174 = arith.index_cast %parallel_loop3A_138 : i32 to index
          %parallel_loop3A_175 = arith.constant 64 : index
          %parallel_loop3A_176 = tpu.vector_load %arg11[%parallel_loop3A_174, %parallel_loop3A_175] {strides = array<i32>} : memref<64x128xf32, #tpu.memory_space<vmem>>, vector<16xf32>,
          tpu.vector_store %arg11[%parallel_loop3A_174, %parallel_loop3A_175], %parallel_loop3A_173 {strides = array<i32>} : memref<64x128xf32, #tpu.memory_space<vmem>>, vector<16xf32>,
          %parallel_loop3A_177 = arith.constant 64 : i32
          %parallel_loop3A_178 = arith.muli %arg0, %parallel_loop3A_177 : i32
          %parallel_loop3A_179 = arith.constant 16 : i32
          %parallel_loop3A_180 = arith.addi %parallel_loop3A_178, %parallel_loop3A_179 : i32
          %parallel_loop3A_181 = arith.index_cast %and3A_68 : i32 to index
          %parallel_loop3A_182 = arith.index_cast %parallel_loop3A_138 : i32 to index
          %parallel_loop3A_183 = arith.index_cast %parallel_loop3A_180 : i32 to index
          %parallel_loop3A_184 = tpu.vector_load %arg9[%parallel_loop3A_181, %parallel_loop3A_182, %parallel_loop3A_183] {strides = array<i32>} : memref<2x64x128xf32, #tpu.memory_space<vmem>>, vector<16xf32>,
          %parallel_loop3A_185 = arith.index_cast %and3A_68 : i32 to index
          %parallel_loop3A_186 = arith.index_cast %parallel_loop3A_138 : i32 to index
          %parallel_loop3A_187 = arith.constant 16 : index
          %parallel_loop3A_188 = tpu.vector_load %arg10[%parallel_loop3A_185, %parallel_loop3A_186, %parallel_loop3A_187] {strides = array<i32>} : memref<2x64x128xf32, #tpu.memory_space<vmem>>, vector<16xf32>,
          %parallel_loop3A_189 = arith.index_cast %and3A_68 : i32 to index
          %parallel_loop3A_190 = arith.index_cast %parallel_loop3A_138 : i32 to index
          %parallel_loop3A_191 = arith.constant 80 : index
          %parallel_loop3A_192 = tpu.vector_load %arg10[%parallel_loop3A_189, %parallel_loop3A_190, %parallel_loop3A_191] {strides = array<i32>} : memref<2x64x128xf32, #tpu.memory_space<vmem>>, vector<16xf32>,
          %parallel_loop3A_193 = arith.addf %parallel_loop3A_184, %parallel_loop3A_188 : vector<16xf32>
          %parallel_loop3A_194 = arith.constant 0.000000e+00 : f32
          %parallel_loop3A_195 = vector.broadcast %parallel_loop3A_194 : f32 to vector<16xf32>
          %parallel_loop3A_196 = arith.subf %parallel_loop3A_195, %parallel_loop3A_193 : vector<16xf32>
          %parallel_loop3A_197 = math.exp %parallel_loop3A_196 : vector<16xf32>
          %parallel_loop3A_198 = arith.constant 1.000000e+00 : f32
          %parallel_loop3A_199 = vector.broadcast %parallel_loop3A_198 : f32 to vector<16xf32>
          %parallel_loop3A_200 = arith.addf %parallel_loop3A_199, %parallel_loop3A_197 : vector<16xf32>
          %parallel_loop3A_201 = arith.divf %parallel_loop3A_192, %parallel_loop3A_200 : vector<16xf32>
          %parallel_loop3A_202 = arith.mulf %parallel_loop3A_201, %parallel_loop3A_143 : vector<16xf32>
          %parallel_loop3A_203 = arith.index_cast %parallel_loop3A_138 : i32 to index
          %parallel_loop3A_204 = arith.constant 16 : index
          %parallel_loop3A_205 = tpu.vector_load %arg11[%parallel_loop3A_203, %parallel_loop3A_204] {strides = array<i32>} : memref<64x128xf32, #tpu.memory_space<vmem>>, vector<16xf32>,
          tpu.vector_store %arg11[%parallel_loop3A_203, %parallel_loop3A_204], %parallel_loop3A_202 {strides = array<i32>} : memref<64x128xf32, #tpu.memory_space<vmem>>, vector<16xf32>,
          %parallel_loop3A_206 = arith.mulf %parallel_loop3A_201, %parallel_loop3A_140 : vector<16xf32>
          %parallel_loop3A_207 = arith.index_cast %parallel_loop3A_138 : i32 to index
          %parallel_loop3A_208 = arith.constant 80 : index
          %parallel_loop3A_209 = tpu.vector_load %arg11[%parallel_loop3A_207, %parallel_loop3A_208] {strides = array<i32>} : memref<64x128xf32, #tpu.memory_space<vmem>>, vector<16xf32>,
          tpu.vector_store %arg11[%parallel_loop3A_207, %parallel_loop3A_208], %parallel_loop3A_206 {strides = array<i32>} : memref<64x128xf32, #tpu.memory_space<vmem>>, vector<16xf32>,
          %parallel_loop3A_210 = arith.constant 64 : i32
          %parallel_loop3A_211 = arith.muli %arg0, %parallel_loop3A_210 : i32
          %parallel_loop3A_212 = arith.constant 32 : i32
          %parallel_loop3A_213 = arith.addi %parallel_loop3A_211, %parallel_loop3A_212 : i32
          %parallel_loop3A_214 = arith.index_cast %and3A_68 : i32 to index
          %parallel_loop3A_215 = arith.index_cast %parallel_loop3A_138 : i32 to index
          %parallel_loop3A_216 = arith.index_cast %parallel_loop3A_213 : i32 to index
          %parallel_loop3A_217 = tpu.vector_load %arg9[%parallel_loop3A_214, %parallel_loop3A_215, %parallel_loop3A_216] {strides = array<i32>} : memref<2x64x128xf32, #tpu.memory_space<vmem>>, vector<16xf32>,
          %parallel_loop3A_218 = arith.index_cast %and3A_68 : i32 to index
          %parallel_loop3A_219 = arith.index_cast %parallel_loop3A_138 : i32 to index
          %parallel_loop3A_220 = arith.constant 32 : index
          %parallel_loop3A_221 = tpu.vector_load %arg10[%parallel_loop3A_218, %parallel_loop3A_219, %parallel_loop3A_220] {strides = array<i32>} : memref<2x64x128xf32, #tpu.memory_space<vmem>>, vector<16xf32>,
          %parallel_loop3A_222 = arith.index_cast %and3A_68 : i32 to index
          %parallel_loop3A_223 = arith.index_cast %parallel_loop3A_138 : i32 to index
          %parallel_loop3A_224 = arith.constant 96 : index
          %parallel_loop3A_225 = tpu.vector_load %arg10[%parallel_loop3A_222, %parallel_loop3A_223, %parallel_loop3A_224] {strides = array<i32>} : memref<2x64x128xf32, #tpu.memory_space<vmem>>, vector<16xf32>,
          %parallel_loop3A_226 = arith.addf %parallel_loop3A_217, %parallel_loop3A_221 : vector<16xf32>
          %parallel_loop3A_227 = arith.constant 0.000000e+00 : f32
          %parallel_loop3A_228 = vector.broadcast %parallel_loop3A_227 : f32 to vector<16xf32>
          %parallel_loop3A_229 = arith.subf %parallel_loop3A_228, %parallel_loop3A_226 : vector<16xf32>
          %parallel_loop3A_230 = math.exp %parallel_loop3A_229 : vector<16xf32>
          %parallel_loop3A_231 = arith.constant 1.000000e+00 : f32
          %parallel_loop3A_232 = vector.broadcast %parallel_loop3A_231 : f32 to vector<16xf32>
          %parallel_loop3A_233 = arith.addf %parallel_loop3A_232, %parallel_loop3A_230 : vector<16xf32>
          %parallel_loop3A_234 = arith.divf %parallel_loop3A_225, %parallel_loop3A_233 : vector<16xf32>
          %parallel_loop3A_235 = arith.mulf %parallel_loop3A_234, %parallel_loop3A_143 : vector<16xf32>
          %parallel_loop3A_236 = arith.index_cast %parallel_loop3A_138 : i32 to index
          %parallel_loop3A_237 = arith.constant 32 : index
          %parallel_loop3A_238 = tpu.vector_load %arg11[%parallel_loop3A_236, %parallel_loop3A_237] {strides = array<i32>} : memref<64x128xf32, #tpu.memory_space<vmem>>, vector<16xf32>,
          tpu.vector_store %arg11[%parallel_loop3A_236, %parallel_loop3A_237], %parallel_loop3A_235 {strides = array<i32>} : memref<64x128xf32, #tpu.memory_space<vmem>>, vector<16xf32>,
          %parallel_loop3A_239 = arith.mulf %parallel_loop3A_234, %parallel_loop3A_140 : vector<16xf32>
          %parallel_loop3A_240 = arith.index_cast %parallel_loop3A_138 : i32 to index
          %parallel_loop3A_241 = arith.constant 96 : index
          %parallel_loop3A_242 = tpu.vector_load %arg11[%parallel_loop3A_240, %parallel_loop3A_241] {strides = array<i32>} : memref<64x128xf32, #tpu.memory_space<vmem>>, vector<16xf32>,
          tpu.vector_store %arg11[%parallel_loop3A_240, %parallel_loop3A_241], %parallel_loop3A_239 {strides = array<i32>} : memref<64x128xf32, #tpu.memory_space<vmem>>, vector<16xf32>,
          %parallel_loop3A_243 = arith.constant 64 : i32
          %parallel_loop3A_244 = arith.muli %arg0, %parallel_loop3A_243 : i32
          %parallel_loop3A_245 = arith.constant 48 : i32
          %parallel_loop3A_246 = arith.addi %parallel_loop3A_244, %parallel_loop3A_245 : i32
          %parallel_loop3A_247 = arith.index_cast %and3A_68 : i32 to index
          %parallel_loop3A_248 = arith.index_cast %parallel_loop3A_138 : i32 to index
          %parallel_loop3A_249 = arith.index_cast %parallel_loop3A_246 : i32 to index
          %parallel_loop3A_250 = tpu.vector_load %arg9[%parallel_loop3A_247, %parallel_loop3A_248, %parallel_loop3A_249] {strides = array<i32>} : memref<2x64x128xf32, #tpu.memory_space<vmem>>, vector<16xf32>,
          %parallel_loop3A_251 = arith.index_cast %and3A_68 : i32 to index
          %parallel_loop3A_252 = arith.index_cast %parallel_loop3A_138 : i32 to index
          %parallel_loop3A_253 = arith.constant 48 : index
          %parallel_loop3A_254 = tpu.vector_load %arg10[%parallel_loop3A_251, %parallel_loop3A_252, %parallel_loop3A_253] {strides = array<i32>} : memref<2x64x128xf32, #tpu.memory_space<vmem>>, vector<16xf32>,
          %parallel_loop3A_255 = arith.index_cast %and3A_68 : i32 to index
          %parallel_loop3A_256 = arith.index_cast %parallel_loop3A_138 : i32 to index
          %parallel_loop3A_257 = arith.constant 112 : index
          %parallel_loop3A_258 = tpu.vector_load %arg10[%parallel_loop3A_255, %parallel_loop3A_256, %parallel_loop3A_257] {strides = array<i32>} : memref<2x64x128xf32, #tpu.memory_space<vmem>>, vector<16xf32>,
          %parallel_loop3A_259 = arith.addf %parallel_loop3A_250, %parallel_loop3A_254 : vector<16xf32>
          %parallel_loop3A_260 = arith.constant 0.000000e+00 : f32
          %parallel_loop3A_261 = vector.broadcast %parallel_loop3A_260 : f32 to vector<16xf32>
          %parallel_loop3A_262 = arith.subf %parallel_loop3A_261, %parallel_loop3A_259 : vector<16xf32>
          %parallel_loop3A_263 = math.exp %parallel_loop3A_262 : vector<16xf32>
          %parallel_loop3A_264 = arith.constant 1.000000e+00 : f32
          %parallel_loop3A_265 = vector.broadcast %parallel_loop3A_264 : f32 to vector<16xf32>
          %parallel_loop3A_266 = arith.addf %parallel_loop3A_265, %parallel_loop3A_263 : vector<16xf32>
          %parallel_loop3A_267 = arith.divf %parallel_loop3A_258, %parallel_loop3A_266 : vector<16xf32>
          %parallel_loop3A_268 = arith.mulf %parallel_loop3A_267, %parallel_loop3A_143 : vector<16xf32>
          %parallel_loop3A_269 = arith.index_cast %parallel_loop3A_138 : i32 to index
          %parallel_loop3A_270 = arith.constant 48 : index
          %parallel_loop3A_271 = tpu.vector_load %arg11[%parallel_loop3A_269, %parallel_loop3A_270] {strides = array<i32>} : memref<64x128xf32, #tpu.memory_space<vmem>>, vector<16xf32>,
          tpu.vector_store %arg11[%parallel_loop3A_269, %parallel_loop3A_270], %parallel_loop3A_268 {strides = array<i32>} : memref<64x128xf32, #tpu.memory_space<vmem>>, vector<16xf32>,
          %parallel_loop3A_272 = arith.mulf %parallel_loop3A_267, %parallel_loop3A_140 : vector<16xf32>
          %parallel_loop3A_273 = arith.index_cast %parallel_loop3A_138 : i32 to index
          %parallel_loop3A_274 = arith.constant 112 : index
          %parallel_loop3A_275 = tpu.vector_load %arg11[%parallel_loop3A_273, %parallel_loop3A_274] {strides = array<i32>} : memref<64x128xf32, #tpu.memory_space<vmem>>, vector<16xf32>,
          tpu.vector_store %arg11[%parallel_loop3A_273, %parallel_loop3A_274], %parallel_loop3A_272 {strides = array<i32>} : memref<64x128xf32, #tpu.memory_space<vmem>>, vector<16xf32>,
        } {sc.loop_unroll_factor = 4 : i64, sc.parallel_access}
        %dma_start3A_135 = arith.constant 0 : i32
        %dma_start3A_136 = arith.constant 0 : i32
        %dma_start3A_137 = tpu.memref_slice %arg16[%dma_start3A_135, %dma_start3A_136] : memref<5024x128xf32, #tpu.memory_space<vmem_shared>> -> memref<5024x128xf32, #tpu.memory_space<vmem_shared>>
        tpu.enqueue_indirect_dma source(%arg11 : memref<64x128xf32, #tpu.memory_space<vmem>>) target(%dma_start3A_137 : memref<5024x128xf32, #tpu.memory_space<vmem_shared>>) offsets(%arg13 : memref<64xi32, #tpu.memory_space<vmem>>) semaphore(%arg19 : memref<!tpu.dma_semaphore, #tpu.memory_space<semaphore_mem>>) {add = true}
      } else {
      }
      %eq3A_116 = arith.constant 1 : i32
      %eq3A_117 = arith.cmpi eq, %and3A_68, %eq3A_116 : i32
      %convert_element_type3A_118 = arith.extui %eq3A_117 : i1 to i32
      %cond3A_119 = arith.constant 0 : i32
      %cond3A_120 = arith.cmpi ne, %convert_element_type3A_118, %cond3A_119 : i32
      scf.if %cond3A_120 {
        %ge3A = arith.constant 2 : i32
        %ge3A_122 = arith.cmpi sge, %scan3A_66, %ge3A : i32
        %convert_element_type3A_123 = arith.extui %ge3A_122 : i1 to i32
        %cond3A_124 = arith.constant 0 : i32
        %cond3A_125 = arith.cmpi ne, %convert_element_type3A_123, %cond3A_124 : i32
        scf.if %cond3A_125 {
          %dma_wait3A_138 = arith.constant 0 : i32
          %dma_wait3A_139 = arith.constant 0 : i32
          %dma_wait3A_140 = tpu.memref_slice %arg16[%dma_wait3A_138, %dma_wait3A_139] : memref<5024x128xf32, #tpu.memory_space<vmem_shared>> -> memref<5024x128xf32, #tpu.memory_space<vmem_shared>>
          tpu.wait_indirect_dma semaphore(%arg20 : memref<!tpu.dma_semaphore, #tpu.memory_space<semaphore_mem>>) src(%arg12 : memref<64x128xf32, #tpu.memory_space<vmem>>) dst(%dma_wait3A_140 : memref<5024x128xf32, #tpu.memory_space<vmem_shared>>)
        } else {
        }
        %scan3A_126 = arith.constant 0 : i32
        %scan3A_127 = arith.constant 0 : i32
        %scan3A_128 = arith.constant 4 : i32
        %scan3A_129 = arith.addi %scan3A_127, %scan3A_128 : i32
        %scan3A_130 = arith.constant 1 : i32
        %scan3A_131 = scf.for %scan3A_138 = %scan3A_127 to %scan3A_129 step %scan3A_130 iter_args(%scan3A_139 = %scan3A_126) -> (i32)  : i32 {
          %shift_right_arithmetic3A_140 = arith.constant 1 : i32
          %shift_right_arithmetic3A_141 = arith.shrsi %scan3A_66, %shift_right_arithmetic3A_140 : i32
          %and3A_142 = arith.constant 1 : i32
          %and3A_143 = arith.andi %scan3A_66, %and3A_142 : i32
          %mul3A_144 = arith.constant 64 : i32
          %mul3A_145 = arith.muli %and3A_143, %mul3A_144 : i32
          %mul3A_146 = arith.constant 16 : i32
          %mul3A_147 = arith.muli %scan3A_138, %mul3A_146 : i32
          %add3A_148 = arith.addi %mul3A_145, %mul3A_147 : i32
          %get3A = arith.index_cast %shift_right_arithmetic3A_141 : i32 to index
          %get3A_149 = arith.index_cast %add3A_148 : i32 to index
          %get3A_150 = tpu.vector_load %arg7[%get3A, %get3A_149] {strides = array<i32>} : memref<160x128xi32, #tpu.memory_space<vmem>>, vector<16xi32>,
          %shift_right_logical3A = arith.constant 1 : i32
          %shift_right_logical3A_151 = vector.broadcast %shift_right_logical3A : i32 to vector<16xi32>
          %shift_right_logical3A_152 = arith.shrui %get3A_150, %shift_right_logical3A_151 : vector<16xi32>
          %mul3A_153 = arith.constant 16 : i32
          %mul3A_154 = arith.muli %scan3A_138, %mul3A_153 : i32
          %swap3A = arith.index_cast %mul3A_154 : i32 to index
          %swap3A_155 = tpu.vector_load %arg14[%swap3A] {strides = array<i32>} : memref<64xi32, #tpu.memory_space<vmem>>, vector<16xi32>,
          tpu.vector_store %arg14[%swap3A], %shift_right_logical3A_152 {strides = array<i32>} : memref<64xi32, #tpu.memory_space<vmem>>, vector<16xi32>,
          %and3A_156 = arith.constant 1 : i32
          %and3A_157 = vector.broadcast %and3A_156 : i32 to vector<16xi32>
          %and3A_158 = arith.andi %get3A_150, %and3A_157 : vector<16xi32>
          %convert_element_type3A_159 = arith.sitofp %and3A_158 : vector<16xi32> to vector<16xf32>
          %mul3A_160 = arith.constant 16 : i32
          %mul3A_161 = arith.muli %scan3A_138, %mul3A_160 : i32
          %swap3A_162 = arith.index_cast %mul3A_161 : i32 to index
          %swap3A_163 = tpu.vector_load %arg15[%swap3A_162] {strides = array<i32>} : memref<64xf32, #tpu.memory_space<vmem>>, vector<16xf32>,
          tpu.vector_store %arg15[%swap3A_162], %convert_element_type3A_159 {strides = array<i32>} : memref<64xf32, #tpu.memory_space<vmem>>, vector<16xf32>,
          %scan3A_164 = arith.constant 0 : i32
          scf.yield %scan3A_164 : i32
        }
        %scan3A_132 = arith.constant 4 : i32
        %parallel_loop3A = arith.constant 0 : i32
        %parallel_loop3A_133 = arith.constant 64 : i32
        %parallel_loop3A_134 = arith.constant 1 : i32
        scf.for %parallel_loop3A_138 = %parallel_loop3A to %parallel_loop3A_133 step %parallel_loop3A_134  : i32 {
          %parallel_loop3A_139 = vector.broadcast %parallel_loop3A_138 : i32 to vector<16xi32>
          %parallel_loop3A_140 = tpu.vector_load_idx %arg15[%parallel_loop3A_139] : memref<64xf32, #tpu.memory_space<vmem>>[vector<16xi32>], vector<16xf32>,
          %parallel_loop3A_141 = arith.constant 1.000000e+00 : f32
          %parallel_loop3A_142 = vector.broadcast %parallel_loop3A_141 : f32 to vector<16xf32>
          %parallel_loop3A_143 = arith.subf %parallel_loop3A_142, %parallel_loop3A_140 : vector<16xf32>
          %parallel_loop3A_144 = arith.constant 64 : i32
          %parallel_loop3A_145 = arith.muli %arg0, %parallel_loop3A_144 : i32
          %parallel_loop3A_146 = arith.constant 0 : i32
          %parallel_loop3A_147 = arith.addi %parallel_loop3A_145, %parallel_loop3A_146 : i32
          %parallel_loop3A_148 = arith.index_cast %and3A_68 : i32 to index
          %parallel_loop3A_149 = arith.index_cast %parallel_loop3A_138 : i32 to index
          %parallel_loop3A_150 = arith.index_cast %parallel_loop3A_147 : i32 to index
          %parallel_loop3A_151 = tpu.vector_load %arg9[%parallel_loop3A_148, %parallel_loop3A_149, %parallel_loop3A_150] {strides = array<i32>} : memref<2x64x128xf32, #tpu.memory_space<vmem>>, vector<16xf32>,
          %parallel_loop3A_152 = arith.index_cast %and3A_68 : i32 to index
          %parallel_loop3A_153 = arith.index_cast %parallel_loop3A_138 : i32 to index
          %parallel_loop3A_154 = arith.constant 0 : index
          %parallel_loop3A_155 = tpu.vector_load %arg10[%parallel_loop3A_152, %parallel_loop3A_153, %parallel_loop3A_154] {strides = array<i32>} : memref<2x64x128xf32, #tpu.memory_space<vmem>>, vector<16xf32>,
          %parallel_loop3A_156 = arith.index_cast %and3A_68 : i32 to index
          %parallel_loop3A_157 = arith.index_cast %parallel_loop3A_138 : i32 to index
          %parallel_loop3A_158 = arith.constant 64 : index
          %parallel_loop3A_159 = tpu.vector_load %arg10[%parallel_loop3A_156, %parallel_loop3A_157, %parallel_loop3A_158] {strides = array<i32>} : memref<2x64x128xf32, #tpu.memory_space<vmem>>, vector<16xf32>,
          %parallel_loop3A_160 = arith.addf %parallel_loop3A_151, %parallel_loop3A_155 : vector<16xf32>
          %parallel_loop3A_161 = arith.constant 0.000000e+00 : f32
          %parallel_loop3A_162 = vector.broadcast %parallel_loop3A_161 : f32 to vector<16xf32>
          %parallel_loop3A_163 = arith.subf %parallel_loop3A_162, %parallel_loop3A_160 : vector<16xf32>
          %parallel_loop3A_164 = math.exp %parallel_loop3A_163 : vector<16xf32>
          %parallel_loop3A_165 = arith.constant 1.000000e+00 : f32
          %parallel_loop3A_166 = vector.broadcast %parallel_loop3A_165 : f32 to vector<16xf32>
          %parallel_loop3A_167 = arith.addf %parallel_loop3A_166, %parallel_loop3A_164 : vector<16xf32>
          %parallel_loop3A_168 = arith.divf %parallel_loop3A_159, %parallel_loop3A_167 : vector<16xf32>
          %parallel_loop3A_169 = arith.mulf %parallel_loop3A_168, %parallel_loop3A_143 : vector<16xf32>
          %parallel_loop3A_170 = arith.index_cast %parallel_loop3A_138 : i32 to index
          %parallel_loop3A_171 = arith.constant 0 : index
          %parallel_loop3A_172 = tpu.vector_load %arg12[%parallel_loop3A_170, %parallel_loop3A_171] {strides = array<i32>} : memref<64x128xf32, #tpu.memory_space<vmem>>, vector<16xf32>,
          tpu.vector_store %arg12[%parallel_loop3A_170, %parallel_loop3A_171], %parallel_loop3A_169 {strides = array<i32>} : memref<64x128xf32, #tpu.memory_space<vmem>>, vector<16xf32>,
          %parallel_loop3A_173 = arith.mulf %parallel_loop3A_168, %parallel_loop3A_140 : vector<16xf32>
          %parallel_loop3A_174 = arith.index_cast %parallel_loop3A_138 : i32 to index
          %parallel_loop3A_175 = arith.constant 64 : index
          %parallel_loop3A_176 = tpu.vector_load %arg12[%parallel_loop3A_174, %parallel_loop3A_175] {strides = array<i32>} : memref<64x128xf32, #tpu.memory_space<vmem>>, vector<16xf32>,
          tpu.vector_store %arg12[%parallel_loop3A_174, %parallel_loop3A_175], %parallel_loop3A_173 {strides = array<i32>} : memref<64x128xf32, #tpu.memory_space<vmem>>, vector<16xf32>,
          %parallel_loop3A_177 = arith.constant 64 : i32
          %parallel_loop3A_178 = arith.muli %arg0, %parallel_loop3A_177 : i32
          %parallel_loop3A_179 = arith.constant 16 : i32
          %parallel_loop3A_180 = arith.addi %parallel_loop3A_178, %parallel_loop3A_179 : i32
          %parallel_loop3A_181 = arith.index_cast %and3A_68 : i32 to index
          %parallel_loop3A_182 = arith.index_cast %parallel_loop3A_138 : i32 to index
          %parallel_loop3A_183 = arith.index_cast %parallel_loop3A_180 : i32 to index
          %parallel_loop3A_184 = tpu.vector_load %arg9[%parallel_loop3A_181, %parallel_loop3A_182, %parallel_loop3A_183] {strides = array<i32>} : memref<2x64x128xf32, #tpu.memory_space<vmem>>, vector<16xf32>,
          %parallel_loop3A_185 = arith.index_cast %and3A_68 : i32 to index
          %parallel_loop3A_186 = arith.index_cast %parallel_loop3A_138 : i32 to index
          %parallel_loop3A_187 = arith.constant 16 : index
          %parallel_loop3A_188 = tpu.vector_load %arg10[%parallel_loop3A_185, %parallel_loop3A_186, %parallel_loop3A_187] {strides = array<i32>} : memref<2x64x128xf32, #tpu.memory_space<vmem>>, vector<16xf32>,
          %parallel_loop3A_189 = arith.index_cast %and3A_68 : i32 to index
          %parallel_loop3A_190 = arith.index_cast %parallel_loop3A_138 : i32 to index
          %parallel_loop3A_191 = arith.constant 80 : index
          %parallel_loop3A_192 = tpu.vector_load %arg10[%parallel_loop3A_189, %parallel_loop3A_190, %parallel_loop3A_191] {strides = array<i32>} : memref<2x64x128xf32, #tpu.memory_space<vmem>>, vector<16xf32>,
          %parallel_loop3A_193 = arith.addf %parallel_loop3A_184, %parallel_loop3A_188 : vector<16xf32>
          %parallel_loop3A_194 = arith.constant 0.000000e+00 : f32
          %parallel_loop3A_195 = vector.broadcast %parallel_loop3A_194 : f32 to vector<16xf32>
          %parallel_loop3A_196 = arith.subf %parallel_loop3A_195, %parallel_loop3A_193 : vector<16xf32>
          %parallel_loop3A_197 = math.exp %parallel_loop3A_196 : vector<16xf32>
          %parallel_loop3A_198 = arith.constant 1.000000e+00 : f32
          %parallel_loop3A_199 = vector.broadcast %parallel_loop3A_198 : f32 to vector<16xf32>
          %parallel_loop3A_200 = arith.addf %parallel_loop3A_199, %parallel_loop3A_197 : vector<16xf32>
          %parallel_loop3A_201 = arith.divf %parallel_loop3A_192, %parallel_loop3A_200 : vector<16xf32>
          %parallel_loop3A_202 = arith.mulf %parallel_loop3A_201, %parallel_loop3A_143 : vector<16xf32>
          %parallel_loop3A_203 = arith.index_cast %parallel_loop3A_138 : i32 to index
          %parallel_loop3A_204 = arith.constant 16 : index
          %parallel_loop3A_205 = tpu.vector_load %arg12[%parallel_loop3A_203, %parallel_loop3A_204] {strides = array<i32>} : memref<64x128xf32, #tpu.memory_space<vmem>>, vector<16xf32>,
          tpu.vector_store %arg12[%parallel_loop3A_203, %parallel_loop3A_204], %parallel_loop3A_202 {strides = array<i32>} : memref<64x128xf32, #tpu.memory_space<vmem>>, vector<16xf32>,
          %parallel_loop3A_206 = arith.mulf %parallel_loop3A_201, %parallel_loop3A_140 : vector<16xf32>
          %parallel_loop3A_207 = arith.index_cast %parallel_loop3A_138 : i32 to index
          %parallel_loop3A_208 = arith.constant 80 : index
          %parallel_loop3A_209 = tpu.vector_load %arg12[%parallel_loop3A_207, %parallel_loop3A_208] {strides = array<i32>} : memref<64x128xf32, #tpu.memory_space<vmem>>, vector<16xf32>,
          tpu.vector_store %arg12[%parallel_loop3A_207, %parallel_loop3A_208], %parallel_loop3A_206 {strides = array<i32>} : memref<64x128xf32, #tpu.memory_space<vmem>>, vector<16xf32>,
          %parallel_loop3A_210 = arith.constant 64 : i32
          %parallel_loop3A_211 = arith.muli %arg0, %parallel_loop3A_210 : i32
          %parallel_loop3A_212 = arith.constant 32 : i32
          %parallel_loop3A_213 = arith.addi %parallel_loop3A_211, %parallel_loop3A_212 : i32
          %parallel_loop3A_214 = arith.index_cast %and3A_68 : i32 to index
          %parallel_loop3A_215 = arith.index_cast %parallel_loop3A_138 : i32 to index
          %parallel_loop3A_216 = arith.index_cast %parallel_loop3A_213 : i32 to index
          %parallel_loop3A_217 = tpu.vector_load %arg9[%parallel_loop3A_214, %parallel_loop3A_215, %parallel_loop3A_216] {strides = array<i32>} : memref<2x64x128xf32, #tpu.memory_space<vmem>>, vector<16xf32>,
          %parallel_loop3A_218 = arith.index_cast %and3A_68 : i32 to index
          %parallel_loop3A_219 = arith.index_cast %parallel_loop3A_138 : i32 to index
          %parallel_loop3A_220 = arith.constant 32 : index
          %parallel_loop3A_221 = tpu.vector_load %arg10[%parallel_loop3A_218, %parallel_loop3A_219, %parallel_loop3A_220] {strides = array<i32>} : memref<2x64x128xf32, #tpu.memory_space<vmem>>, vector<16xf32>,
          %parallel_loop3A_222 = arith.index_cast %and3A_68 : i32 to index
          %parallel_loop3A_223 = arith.index_cast %parallel_loop3A_138 : i32 to index
          %parallel_loop3A_224 = arith.constant 96 : index
          %parallel_loop3A_225 = tpu.vector_load %arg10[%parallel_loop3A_222, %parallel_loop3A_223, %parallel_loop3A_224] {strides = array<i32>} : memref<2x64x128xf32, #tpu.memory_space<vmem>>, vector<16xf32>,
          %parallel_loop3A_226 = arith.addf %parallel_loop3A_217, %parallel_loop3A_221 : vector<16xf32>
          %parallel_loop3A_227 = arith.constant 0.000000e+00 : f32
          %parallel_loop3A_228 = vector.broadcast %parallel_loop3A_227 : f32 to vector<16xf32>
          %parallel_loop3A_229 = arith.subf %parallel_loop3A_228, %parallel_loop3A_226 : vector<16xf32>
          %parallel_loop3A_230 = math.exp %parallel_loop3A_229 : vector<16xf32>
          %parallel_loop3A_231 = arith.constant 1.000000e+00 : f32
          %parallel_loop3A_232 = vector.broadcast %parallel_loop3A_231 : f32 to vector<16xf32>
          %parallel_loop3A_233 = arith.addf %parallel_loop3A_232, %parallel_loop3A_230 : vector<16xf32>
          %parallel_loop3A_234 = arith.divf %parallel_loop3A_225, %parallel_loop3A_233 : vector<16xf32>
          %parallel_loop3A_235 = arith.mulf %parallel_loop3A_234, %parallel_loop3A_143 : vector<16xf32>
          %parallel_loop3A_236 = arith.index_cast %parallel_loop3A_138 : i32 to index
          %parallel_loop3A_237 = arith.constant 32 : index
          %parallel_loop3A_238 = tpu.vector_load %arg12[%parallel_loop3A_236, %parallel_loop3A_237] {strides = array<i32>} : memref<64x128xf32, #tpu.memory_space<vmem>>, vector<16xf32>,
          tpu.vector_store %arg12[%parallel_loop3A_236, %parallel_loop3A_237], %parallel_loop3A_235 {strides = array<i32>} : memref<64x128xf32, #tpu.memory_space<vmem>>, vector<16xf32>,
          %parallel_loop3A_239 = arith.mulf %parallel_loop3A_234, %parallel_loop3A_140 : vector<16xf32>
          %parallel_loop3A_240 = arith.index_cast %parallel_loop3A_138 : i32 to index
          %parallel_loop3A_241 = arith.constant 96 : index
          %parallel_loop3A_242 = tpu.vector_load %arg12[%parallel_loop3A_240, %parallel_loop3A_241] {strides = array<i32>} : memref<64x128xf32, #tpu.memory_space<vmem>>, vector<16xf32>,
          tpu.vector_store %arg12[%parallel_loop3A_240, %parallel_loop3A_241], %parallel_loop3A_239 {strides = array<i32>} : memref<64x128xf32, #tpu.memory_space<vmem>>, vector<16xf32>,
          %parallel_loop3A_243 = arith.constant 64 : i32
          %parallel_loop3A_244 = arith.muli %arg0, %parallel_loop3A_243 : i32
          %parallel_loop3A_245 = arith.constant 48 : i32
          %parallel_loop3A_246 = arith.addi %parallel_loop3A_244, %parallel_loop3A_245 : i32
          %parallel_loop3A_247 = arith.index_cast %and3A_68 : i32 to index
          %parallel_loop3A_248 = arith.index_cast %parallel_loop3A_138 : i32 to index
          %parallel_loop3A_249 = arith.index_cast %parallel_loop3A_246 : i32 to index
          %parallel_loop3A_250 = tpu.vector_load %arg9[%parallel_loop3A_247, %parallel_loop3A_248, %parallel_loop3A_249] {strides = array<i32>} : memref<2x64x128xf32, #tpu.memory_space<vmem>>, vector<16xf32>,
          %parallel_loop3A_251 = arith.index_cast %and3A_68 : i32 to index
          %parallel_loop3A_252 = arith.index_cast %parallel_loop3A_138 : i32 to index
          %parallel_loop3A_253 = arith.constant 48 : index
          %parallel_loop3A_254 = tpu.vector_load %arg10[%parallel_loop3A_251, %parallel_loop3A_252, %parallel_loop3A_253] {strides = array<i32>} : memref<2x64x128xf32, #tpu.memory_space<vmem>>, vector<16xf32>,
          %parallel_loop3A_255 = arith.index_cast %and3A_68 : i32 to index
          %parallel_loop3A_256 = arith.index_cast %parallel_loop3A_138 : i32 to index
          %parallel_loop3A_257 = arith.constant 112 : index
          %parallel_loop3A_258 = tpu.vector_load %arg10[%parallel_loop3A_255, %parallel_loop3A_256, %parallel_loop3A_257] {strides = array<i32>} : memref<2x64x128xf32, #tpu.memory_space<vmem>>, vector<16xf32>,
          %parallel_loop3A_259 = arith.addf %parallel_loop3A_250, %parallel_loop3A_254 : vector<16xf32>
          %parallel_loop3A_260 = arith.constant 0.000000e+00 : f32
          %parallel_loop3A_261 = vector.broadcast %parallel_loop3A_260 : f32 to vector<16xf32>
          %parallel_loop3A_262 = arith.subf %parallel_loop3A_261, %parallel_loop3A_259 : vector<16xf32>
          %parallel_loop3A_263 = math.exp %parallel_loop3A_262 : vector<16xf32>
          %parallel_loop3A_264 = arith.constant 1.000000e+00 : f32
          %parallel_loop3A_265 = vector.broadcast %parallel_loop3A_264 : f32 to vector<16xf32>
          %parallel_loop3A_266 = arith.addf %parallel_loop3A_265, %parallel_loop3A_263 : vector<16xf32>
          %parallel_loop3A_267 = arith.divf %parallel_loop3A_258, %parallel_loop3A_266 : vector<16xf32>
          %parallel_loop3A_268 = arith.mulf %parallel_loop3A_267, %parallel_loop3A_143 : vector<16xf32>
          %parallel_loop3A_269 = arith.index_cast %parallel_loop3A_138 : i32 to index
          %parallel_loop3A_270 = arith.constant 48 : index
          %parallel_loop3A_271 = tpu.vector_load %arg12[%parallel_loop3A_269, %parallel_loop3A_270] {strides = array<i32>} : memref<64x128xf32, #tpu.memory_space<vmem>>, vector<16xf32>,
          tpu.vector_store %arg12[%parallel_loop3A_269, %parallel_loop3A_270], %parallel_loop3A_268 {strides = array<i32>} : memref<64x128xf32, #tpu.memory_space<vmem>>, vector<16xf32>,
          %parallel_loop3A_272 = arith.mulf %parallel_loop3A_267, %parallel_loop3A_140 : vector<16xf32>
          %parallel_loop3A_273 = arith.index_cast %parallel_loop3A_138 : i32 to index
          %parallel_loop3A_274 = arith.constant 112 : index
          %parallel_loop3A_275 = tpu.vector_load %arg12[%parallel_loop3A_273, %parallel_loop3A_274] {strides = array<i32>} : memref<64x128xf32, #tpu.memory_space<vmem>>, vector<16xf32>,
          tpu.vector_store %arg12[%parallel_loop3A_273, %parallel_loop3A_274], %parallel_loop3A_272 {strides = array<i32>} : memref<64x128xf32, #tpu.memory_space<vmem>>, vector<16xf32>,
        } {sc.loop_unroll_factor = 4 : i64, sc.parallel_access}
        %dma_start3A_135 = arith.constant 0 : i32
        %dma_start3A_136 = arith.constant 0 : i32
        %dma_start3A_137 = tpu.memref_slice %arg16[%dma_start3A_135, %dma_start3A_136] : memref<5024x128xf32, #tpu.memory_space<vmem_shared>> -> memref<5024x128xf32, #tpu.memory_space<vmem_shared>>
        tpu.enqueue_indirect_dma source(%arg12 : memref<64x128xf32, #tpu.memory_space<vmem>>) target(%dma_start3A_137 : memref<5024x128xf32, #tpu.memory_space<vmem_shared>>) offsets(%arg14 : memref<64xi32, #tpu.memory_space<vmem>>) semaphore(%arg20 : memref<!tpu.dma_semaphore, #tpu.memory_space<semaphore_mem>>) {add = true}
      } else {
      }
      %scan3A_121 = arith.constant 0 : i32
      scf.yield %scan3A_121 : i32
    }
    %scan3A_52 = arith.constant 320 : i32
    %dma_wait3A = arith.constant 0 : i32
    %dma_wait3A_53 = arith.constant 0 : i32
    %dma_wait3A_54 = tpu.memref_slice %arg16[%dma_wait3A, %dma_wait3A_53] : memref<5024x128xf32, #tpu.memory_space<vmem_shared>> -> memref<5024x128xf32, #tpu.memory_space<vmem_shared>>
    tpu.wait_indirect_dma semaphore(%arg19 : memref<!tpu.dma_semaphore, #tpu.memory_space<semaphore_mem>>) src(%arg11 : memref<64x128xf32, #tpu.memory_space<vmem>>) dst(%dma_wait3A_54 : memref<5024x128xf32, #tpu.memory_space<vmem_shared>>)
    %dma_wait3A_55 = arith.constant 0 : i32
    %dma_wait3A_56 = arith.constant 0 : i32
    %dma_wait3A_57 = tpu.memref_slice %arg16[%dma_wait3A_55, %dma_wait3A_56] : memref<5024x128xf32, #tpu.memory_space<vmem_shared>> -> memref<5024x128xf32, #tpu.memory_space<vmem_shared>>
    tpu.wait_indirect_dma semaphore(%arg20 : memref<!tpu.dma_semaphore, #tpu.memory_space<semaphore_mem>>) src(%arg12 : memref<64x128xf32, #tpu.memory_space<vmem>>) dst(%dma_wait3A_57 : memref<5024x128xf32, #tpu.memory_space<vmem_shared>>)
    %barrier3A_58 = arith.constant 0 : index
    tpu.barrier barrier_id(%barrier3A_58)
    %scan3A_59 = arith.constant 0 : i32
    %scan3A_60 = arith.constant 0 : i32
    %scan3A_61 = arith.constant 8 : i32
    %scan3A_62 = arith.addi %scan3A_60, %scan3A_61 : i32
    %scan3A_63 = arith.constant 1 : i32
    %scan3A_64 = scf.for %scan3A_66 = %scan3A_60 to %scan3A_62 step %scan3A_63 iter_args(%scan3A_67 = %scan3A_59) -> (i32)  : i32 {
      %mul3A = arith.constant 16 : i32
      %mul3A_68 = arith.muli %scan3A_66, %mul3A : i32
      %add3A = arith.addi %mul3A_68, %arg1 : i32
      %lt3A = arith.constant 125 : i32
      %lt3A_69 = arith.cmpi slt, %add3A, %lt3A : i32
      %convert_element_type3A = arith.extui %lt3A_69 : i1 to i32
      %cond3A = arith.constant 0 : i32
      %cond3A_70 = arith.cmpi ne, %convert_element_type3A, %cond3A : i32
      scf.if %cond3A_70 {
        %mul3A_72 = arith.constant 40 : i32
        %mul3A_73 = arith.muli %add3A, %mul3A_72 : i32
        %mul3A_74 = arith.constant 40 : i32
        %mul3A_75 = arith.muli %add3A, %mul3A_74 : i32
        "tpu.region"() ({
          %run_scoped3A = tpu.sem_alloc : memref<!tpu.dma_semaphore, #tpu.memory_space<semaphore_mem>>
          %dma_start3A_76 = arith.constant 0 : i32
          %dma_start3A_77 = tpu.memref_slice %arg6[%arg0, %mul3A_75, %dma_start3A_76] : memref<2x5000x128xf32, #tpu.memory_space<hbm>> -> memref<1x40x128xf32, #tpu.memory_space<hbm>>
          %dma_start3A_78 = tpu.memref_squeeze %dma_start3A_77 : memref<1x40x128xf32, #tpu.memory_space<hbm>> -> memref<40x128xf32, #tpu.memory_space<hbm>>
          %dma_start3A_79 = arith.constant 0 : i32
          %dma_start3A_80 = tpu.memref_slice %arg16[%mul3A_73, %dma_start3A_79] : memref<5024x128xf32, #tpu.memory_space<vmem_shared>> -> memref<40x128xf32, #tpu.memory_space<vmem_shared>>
          tpu.enqueue_dma source(%dma_start3A_80 : memref<40x128xf32, #tpu.memory_space<vmem_shared>>) target(%dma_start3A_78 : memref<40x128xf32, #tpu.memory_space<hbm>>) target_semaphore(%run_scoped3A : memref<!tpu.dma_semaphore, #tpu.memory_space<semaphore_mem>>)
          %dma_wait3A_81 = arith.constant 0 : i32
          %dma_wait3A_82 = tpu.memref_slice %arg6[%arg0, %mul3A_75, %dma_wait3A_81] : memref<2x5000x128xf32, #tpu.memory_space<hbm>> -> memref<1x40x128xf32, #tpu.memory_space<hbm>>
          %dma_wait3A_83 = tpu.memref_squeeze %dma_wait3A_82 : memref<1x40x128xf32, #tpu.memory_space<hbm>> -> memref<40x128xf32, #tpu.memory_space<hbm>>
          %dma_wait3A_84 = arith.constant 0 : i32
          %dma_wait3A_85 = tpu.memref_slice %arg16[%mul3A_73, %dma_wait3A_84] : memref<5024x128xf32, #tpu.memory_space<vmem_shared>> -> memref<40x128xf32, #tpu.memory_space<vmem_shared>>
          tpu.wait_dma2 semaphore(%run_scoped3A : memref<!tpu.dma_semaphore, #tpu.memory_space<semaphore_mem>>) src(%dma_wait3A_85 : memref<40x128xf32, #tpu.memory_space<vmem_shared>>) dst(%dma_wait3A_83 : memref<40x128xf32, #tpu.memory_space<hbm>>)
          tpu.yield
        }) : () -> ()
      } else {
      }
      %scan3A_71 = arith.constant 0 : i32
      scf.yield %scan3A_71 : i32
    }
    %scan3A_65 = arith.constant 8 : i32
    return
  }
}

module attributes {stable_mosaic.version = 14 : i64} {
  func.func @_proj_body(%arg0: i32, %arg1: memref<1024x128xf32, #tpu.memory_space<vmem>>, %arg2: memref<128x128xf32, #tpu.memory_space<vmem>>, %arg3: memref<1x128xf32, #tpu.memory_space<vmem>>, %arg4: memref<128x128xf32, #tpu.memory_space<vmem>>, %arg5: memref<1x128xf32, #tpu.memory_space<vmem>>, %arg6: memref<128x128xf32, #tpu.memory_space<vmem>>, %arg7: memref<1x128xf32, #tpu.memory_space<vmem>>, %arg8: memref<128x128xf32, #tpu.memory_space<vmem>>, %arg9: memref<1x128xf32, #tpu.memory_space<vmem>>, %arg10: memref<1024x128xf32, #tpu.memory_space<vmem>>, %arg11: memref<2x1024x128xf32, #tpu.memory_space<vmem>>, %arg12: memref<1024x128xf32, #tpu.memory_space<vmem>>) attributes {dimension_semantics = [#tpu.dimension_semantics<arbitrary>], iteration_bounds = array<i64: 10>, scalar_prefetch = 0 : i64, scratch_operands = 0 : i64, tpu.core_type = #tpu.core_type<tc>, window_params = [{transform_indices = @transform_0, window_bounds = array<i64: 1024, 128>}, {pipeline_mode = #tpu.pipeline_mode<synchronous>, transform_indices = @transform_1, window_bounds = array<i64: 128, 128>}, {pipeline_mode = #tpu.pipeline_mode<synchronous>, transform_indices = @transform_2, window_bounds = array<i64: 1, 128>}, {pipeline_mode = #tpu.pipeline_mode<synchronous>, transform_indices = @transform_3, window_bounds = array<i64: 128, 128>}, {pipeline_mode = #tpu.pipeline_mode<synchronous>, transform_indices = @transform_4, window_bounds = array<i64: 1, 128>}, {pipeline_mode = #tpu.pipeline_mode<synchronous>, transform_indices = @transform_5, window_bounds = array<i64: 128, 128>}, {pipeline_mode = #tpu.pipeline_mode<synchronous>, transform_indices = @transform_6, window_bounds = array<i64: 1, 128>}, {pipeline_mode = #tpu.pipeline_mode<synchronous>, transform_indices = @transform_7, window_bounds = array<i64: 128, 128>}, {pipeline_mode = #tpu.pipeline_mode<synchronous>, transform_indices = @transform_8, window_bounds = array<i64: 1, 128>}, {transform_indices = @transform_9, window_bounds = array<i64: 1024, 128>}, {transform_indices = @transform_10, window_bounds = array<i64: 2, 1024, 128>}, {transform_indices = @transform_11, window_bounds = array<i64: 1024, 128>}]} {
    %get3A = arith.constant 0 : index
    %get3A_0 = arith.constant 0 : index
    %get3A_1 = vector.load %arg1[%get3A, %get3A_0] : memref<1024x128xf32, #tpu.memory_space<vmem>>, vector<1024x128xf32>
    %get3A_2 = arith.constant 0 : index
    %get3A_3 = arith.constant 0 : index
    %get3A_4 = vector.load %arg2[%get3A_2, %get3A_3] : memref<128x128xf32, #tpu.memory_space<vmem>>, vector<128x128xf32>
    %dot_general3A = arith.constant dense<0.000000e+00> : vector<1024x128xf32>
    %dot_general3A_5 = tpu.matmul %get3A_1, %get3A_4, %dot_general3A {dimension_numbers = #tpu.dot_dimension_numbers<[1], [0], [0], [1], [0, 0, 1, 1], [], []>, transpose_lhs_hint = false} : vector<1024x128xf32>, vector<128x128xf32>, vector<1024x128xf32> -> vector<1024x128xf32>
    %get3A_6 = arith.constant 0 : index
    %get3A_7 = arith.constant 0 : index
    %get3A_8 = vector.load %arg3[%get3A_6, %get3A_7] : memref<1x128xf32, #tpu.memory_space<vmem>>, vector<1x128xf32>
    %add3A = vector.broadcast %get3A_8 : vector<1x128xf32> to vector<1024x128xf32>
    %add3A_9 = arith.addf %dot_general3A_5, %add3A : vector<1024x128xf32>
    %swap3A = arith.constant 0 : index
    %swap3A_10 = arith.constant 0 : index
    %swap3A_11 = vector.load %arg10[%swap3A, %swap3A_10] : memref<1024x128xf32, #tpu.memory_space<vmem>>, vector<1024x128xf32>
    tpu.vector_store %arg10[%swap3A, %swap3A_10], %add3A_9 {strides = array<i32>} : memref<1024x128xf32, #tpu.memory_space<vmem>>, vector<1024x128xf32>,
    %get3A_12 = arith.constant 0 : index
    %get3A_13 = arith.constant 0 : index
    %get3A_14 = vector.load %arg4[%get3A_12, %get3A_13] : memref<128x128xf32, #tpu.memory_space<vmem>>, vector<128x128xf32>
    %dot_general3A_15 = arith.constant dense<0.000000e+00> : vector<1024x128xf32>
    %dot_general3A_16 = tpu.matmul %get3A_1, %get3A_14, %dot_general3A_15 {dimension_numbers = #tpu.dot_dimension_numbers<[1], [0], [0], [1], [0, 0, 1, 1], [], []>, transpose_lhs_hint = false} : vector<1024x128xf32>, vector<128x128xf32>, vector<1024x128xf32> -> vector<1024x128xf32>
    %get3A_17 = arith.constant 0 : index
    %get3A_18 = arith.constant 0 : index
    %get3A_19 = vector.load %arg5[%get3A_17, %get3A_18] : memref<1x128xf32, #tpu.memory_space<vmem>>, vector<1x128xf32>
    %add3A_20 = vector.broadcast %get3A_19 : vector<1x128xf32> to vector<1024x128xf32>
    %add3A_21 = arith.addf %dot_general3A_16, %add3A_20 : vector<1024x128xf32>
    %get3A_22 = arith.constant 0 : index
    %get3A_23 = arith.constant 0 : index
    %get3A_24 = vector.load %arg6[%get3A_22, %get3A_23] : memref<128x128xf32, #tpu.memory_space<vmem>>, vector<128x128xf32>
    %dot_general3A_25 = arith.constant dense<0.000000e+00> : vector<1024x128xf32>
    %dot_general3A_26 = tpu.matmul %get3A_1, %get3A_24, %dot_general3A_25 {dimension_numbers = #tpu.dot_dimension_numbers<[1], [0], [0], [1], [0, 0, 1, 1], [], []>, transpose_lhs_hint = false} : vector<1024x128xf32>, vector<128x128xf32>, vector<1024x128xf32> -> vector<1024x128xf32>
    %get3A_27 = arith.constant 0 : index
    %get3A_28 = arith.constant 0 : index
    %get3A_29 = vector.load %arg7[%get3A_27, %get3A_28] : memref<1x128xf32, #tpu.memory_space<vmem>>, vector<1x128xf32>
    %add3A_30 = vector.broadcast %get3A_29 : vector<1x128xf32> to vector<1024x128xf32>
    %add3A_31 = arith.addf %dot_general3A_26, %add3A_30 : vector<1024x128xf32>
    %slice3A = vector.extract_strided_slice %add3A_21 {offsets = [0, 0], sizes = [1024, 64], strides = [1, 1]} : vector<1024x128xf32> to vector<1024x64xf32>
    %swap3A_32 = arith.constant 0 : index
    %swap3A_33 = arith.constant 0 : index
    %swap3A_34 = arith.constant 0 : index
    %swap3A_35 = vector.load %arg11[%swap3A_32, %swap3A_33, %swap3A_34] : memref<2x1024x128xf32, #tpu.memory_space<vmem>>, vector<1x1024x64xf32>
    %swap3A_36 = vector.shape_cast %swap3A_35 : vector<1x1024x64xf32> to vector<1024x64xf32>
    %swap3A_37 = vector.shape_cast %slice3A : vector<1024x64xf32> to vector<1x1024x64xf32>
    tpu.vector_store %arg11[%swap3A_32, %swap3A_33, %swap3A_34], %swap3A_37 {strides = array<i32>} : memref<2x1024x128xf32, #tpu.memory_space<vmem>>, vector<1x1024x64xf32>,
    %slice3A_38 = vector.extract_strided_slice %add3A_31 {offsets = [0, 0], sizes = [1024, 64], strides = [1, 1]} : vector<1024x128xf32> to vector<1024x64xf32>
    %swap3A_39 = arith.constant 0 : index
    %swap3A_40 = arith.constant 0 : index
    %swap3A_41 = arith.constant 64 : index
    %swap3A_42 = vector.load %arg11[%swap3A_39, %swap3A_40, %swap3A_41] : memref<2x1024x128xf32, #tpu.memory_space<vmem>>, vector<1x1024x64xf32>
    %swap3A_43 = vector.shape_cast %swap3A_42 : vector<1x1024x64xf32> to vector<1024x64xf32>
    %swap3A_44 = vector.shape_cast %slice3A_38 : vector<1024x64xf32> to vector<1x1024x64xf32>
    tpu.vector_store %arg11[%swap3A_39, %swap3A_40, %swap3A_41], %swap3A_44 {strides = array<i32>} : memref<2x1024x128xf32, #tpu.memory_space<vmem>>, vector<1x1024x64xf32>,
    %slice3A_45 = vector.extract_strided_slice %add3A_21 {offsets = [0, 64], sizes = [1024, 64], strides = [1, 1]} : vector<1024x128xf32> to vector<1024x64xf32>
    %swap3A_46 = arith.constant 1 : index
    %swap3A_47 = arith.constant 0 : index
    %swap3A_48 = arith.constant 0 : index
    %swap3A_49 = vector.load %arg11[%swap3A_46, %swap3A_47, %swap3A_48] : memref<2x1024x128xf32, #tpu.memory_space<vmem>>, vector<1x1024x64xf32>
    %swap3A_50 = vector.shape_cast %swap3A_49 : vector<1x1024x64xf32> to vector<1024x64xf32>
    %swap3A_51 = vector.shape_cast %slice3A_45 : vector<1024x64xf32> to vector<1x1024x64xf32>
    tpu.vector_store %arg11[%swap3A_46, %swap3A_47, %swap3A_48], %swap3A_51 {strides = array<i32>} : memref<2x1024x128xf32, #tpu.memory_space<vmem>>, vector<1x1024x64xf32>,
    %slice3A_52 = vector.extract_strided_slice %add3A_31 {offsets = [0, 64], sizes = [1024, 64], strides = [1, 1]} : vector<1024x128xf32> to vector<1024x64xf32>
    %swap3A_53 = arith.constant 1 : index
    %swap3A_54 = arith.constant 0 : index
    %swap3A_55 = arith.constant 64 : index
    %swap3A_56 = vector.load %arg11[%swap3A_53, %swap3A_54, %swap3A_55] : memref<2x1024x128xf32, #tpu.memory_space<vmem>>, vector<1x1024x64xf32>
    %swap3A_57 = vector.shape_cast %swap3A_56 : vector<1x1024x64xf32> to vector<1024x64xf32>
    %swap3A_58 = vector.shape_cast %slice3A_52 : vector<1024x64xf32> to vector<1x1024x64xf32>
    tpu.vector_store %arg11[%swap3A_53, %swap3A_54, %swap3A_55], %swap3A_58 {strides = array<i32>} : memref<2x1024x128xf32, #tpu.memory_space<vmem>>, vector<1x1024x64xf32>,
    %get3A_59 = arith.constant 0 : index
    %get3A_60 = arith.constant 0 : index
    %get3A_61 = vector.load %arg8[%get3A_59, %get3A_60] : memref<128x128xf32, #tpu.memory_space<vmem>>, vector<128x128xf32>
    %dot_general3A_62 = arith.constant dense<0.000000e+00> : vector<1024x128xf32>
    %dot_general3A_63 = tpu.matmul %get3A_1, %get3A_61, %dot_general3A_62 {dimension_numbers = #tpu.dot_dimension_numbers<[1], [0], [0], [1], [0, 0, 1, 1], [], []>, transpose_lhs_hint = false} : vector<1024x128xf32>, vector<128x128xf32>, vector<1024x128xf32> -> vector<1024x128xf32>
    %get3A_64 = arith.constant 0 : index
    %get3A_65 = arith.constant 0 : index
    %get3A_66 = vector.load %arg9[%get3A_64, %get3A_65] : memref<1x128xf32, #tpu.memory_space<vmem>>, vector<1x128xf32>
    %add3A_67 = vector.broadcast %get3A_66 : vector<1x128xf32> to vector<1024x128xf32>
    %add3A_68 = arith.addf %dot_general3A_63, %add3A_67 : vector<1024x128xf32>
    %swap3A_69 = arith.constant 0 : index
    %swap3A_70 = arith.constant 0 : index
    %swap3A_71 = vector.load %arg12[%swap3A_69, %swap3A_70] : memref<1024x128xf32, #tpu.memory_space<vmem>>, vector<1024x128xf32>
    tpu.vector_store %arg12[%swap3A_69, %swap3A_70], %add3A_68 {strides = array<i32>} : memref<1024x128xf32, #tpu.memory_space<vmem>>, vector<1024x128xf32>,
    return
  }
  func.func @transform_0(%arg0: i32) -> (i32, i32) {
    %c0_i32 = arith.constant 0 : i32
    %c0_i32_0 = arith.constant 0 : i32
    return %arg0, %c0_i32 : i32, i32
  }
  func.func @transform_1(%arg0: i32) -> (i32, i32) {
    %c0_i32 = arith.constant 0 : i32
    %c0_i32_0 = arith.constant 0 : i32
    %c0_i32_1 = arith.constant 0 : i32
    return %c0_i32, %c0_i32_0 : i32, i32
  }
  func.func @transform_2(%arg0: i32) -> (i32, i32) {
    %c0_i32 = arith.constant 0 : i32
    %c0_i32_0 = arith.constant 0 : i32
    %c0_i32_1 = arith.constant 0 : i32
    return %c0_i32, %c0_i32_0 : i32, i32
  }
  func.func @transform_3(%arg0: i32) -> (i32, i32) {
    %c0_i32 = arith.constant 0 : i32
    %c0_i32_0 = arith.constant 0 : i32
    %c0_i32_1 = arith.constant 0 : i32
    return %c0_i32, %c0_i32_0 : i32, i32
  }
  func.func @transform_4(%arg0: i32) -> (i32, i32) {
    %c0_i32 = arith.constant 0 : i32
    %c0_i32_0 = arith.constant 0 : i32
    %c0_i32_1 = arith.constant 0 : i32
    return %c0_i32, %c0_i32_0 : i32, i32
  }
  func.func @transform_5(%arg0: i32) -> (i32, i32) {
    %c0_i32 = arith.constant 0 : i32
    %c0_i32_0 = arith.constant 0 : i32
    %c0_i32_1 = arith.constant 0 : i32
    return %c0_i32, %c0_i32_0 : i32, i32
  }
  func.func @transform_6(%arg0: i32) -> (i32, i32) {
    %c0_i32 = arith.constant 0 : i32
    %c0_i32_0 = arith.constant 0 : i32
    %c0_i32_1 = arith.constant 0 : i32
    return %c0_i32, %c0_i32_0 : i32, i32
  }
  func.func @transform_7(%arg0: i32) -> (i32, i32) {
    %c0_i32 = arith.constant 0 : i32
    %c0_i32_0 = arith.constant 0 : i32
    %c0_i32_1 = arith.constant 0 : i32
    return %c0_i32, %c0_i32_0 : i32, i32
  }
  func.func @transform_8(%arg0: i32) -> (i32, i32) {
    %c0_i32 = arith.constant 0 : i32
    %c0_i32_0 = arith.constant 0 : i32
    %c0_i32_1 = arith.constant 0 : i32
    return %c0_i32, %c0_i32_0 : i32, i32
  }
  func.func @transform_9(%arg0: i32) -> (i32, i32) {
    %c0_i32 = arith.constant 0 : i32
    %c0_i32_0 = arith.constant 0 : i32
    return %arg0, %c0_i32 : i32, i32
  }
  func.func @transform_10(%arg0: i32) -> (i32, i32, i32) {
    %c0_i32 = arith.constant 0 : i32
    %c0_i32_0 = arith.constant 0 : i32
    %c0_i32_1 = arith.constant 0 : i32
    return %c0_i32, %arg0, %c0_i32_0 : i32, i32, i32
  }
  func.func @transform_11(%arg0: i32) -> (i32, i32) {
    %c0_i32 = arith.constant 0 : i32
    %c0_i32_0 = arith.constant 0 : i32
    return %arg0, %c0_i32 : i32, i32
  }
}

module attributes {stable_mosaic.version = 14 : i64} {
  func.func @_combine_body(%arg0: i32, %arg1: memref<2x1000x128xf32, #tpu.memory_space<vmem>>, %arg2: memref<1000x256xf32, #tpu.memory_space<vmem>>, %arg3: memref<1000x256xf32, #tpu.memory_space<vmem>>) attributes {dimension_semantics = [#tpu.dimension_semantics<arbitrary>], iteration_bounds = array<i64: 5>, scalar_prefetch = 0 : i64, scratch_operands = 0 : i64, tpu.core_type = #tpu.core_type<tc>, window_params = [{transform_indices = @transform_0, window_bounds = array<i64: 2, 1000, 128>}, {transform_indices = @transform_1, window_bounds = array<i64: 1000, 256>}, {transform_indices = @transform_2, window_bounds = array<i64: 1000, 256>}]} {
    %get3A = arith.constant 0 : index
    %get3A_0 = arith.constant 0 : index
    %get3A_1 = arith.constant 0 : index
    %get3A_2 = vector.load %arg1[%get3A, %get3A_0, %get3A_1] : memref<2x1000x128xf32, #tpu.memory_space<vmem>>, vector<1x1000x128xf32>
    %get3A_3 = vector.shape_cast %get3A_2 : vector<1x1000x128xf32> to vector<1000x128xf32>
    %get3A_4 = arith.constant 1 : index
    %get3A_5 = arith.constant 0 : index
    %get3A_6 = arith.constant 0 : index
    %get3A_7 = vector.load %arg1[%get3A_4, %get3A_5, %get3A_6] : memref<2x1000x128xf32, #tpu.memory_space<vmem>>, vector<1x1000x128xf32>
    %get3A_8 = vector.shape_cast %get3A_7 : vector<1x1000x128xf32> to vector<1000x128xf32>
    %slice3A = vector.extract_strided_slice %get3A_3 {offsets = [0, 0], sizes = [1000, 64], strides = [1, 1]} : vector<1000x128xf32> to vector<1000x64xf32>
    %slice3A_9 = vector.extract_strided_slice %get3A_8 {offsets = [0, 0], sizes = [1000, 64], strides = [1, 1]} : vector<1000x128xf32> to vector<1000x64xf32>
    %slice3A_10 = vector.extract_strided_slice %get3A_3 {offsets = [0, 64], sizes = [1000, 64], strides = [1, 1]} : vector<1000x128xf32> to vector<1000x64xf32>
    %slice3A_11 = vector.extract_strided_slice %get3A_8 {offsets = [0, 64], sizes = [1000, 64], strides = [1, 1]} : vector<1000x128xf32> to vector<1000x64xf32>
    %concatenate3A = tpu.concatenate %slice3A, %slice3A_9, %slice3A_10, %slice3A_11 in 1 : vector<1000x64xf32>, vector<1000x64xf32>, vector<1000x64xf32>, vector<1000x64xf32> -> vector<1000x256xf32>
    %get3A_12 = arith.constant 0 : index
    %get3A_13 = arith.constant 0 : index
    %get3A_14 = vector.load %arg2[%get3A_12, %get3A_13] : memref<1000x256xf32, #tpu.memory_space<vmem>>, vector<1000x256xf32>
    %add3A = arith.addf %concatenate3A, %get3A_14 : vector<1000x256xf32>
    %swap3A = arith.constant 0 : index
    %swap3A_15 = arith.constant 0 : index
    %swap3A_16 = vector.load %arg3[%swap3A, %swap3A_15] : memref<1000x256xf32, #tpu.memory_space<vmem>>, vector<1000x256xf32>
    tpu.vector_store %arg3[%swap3A, %swap3A_15], %add3A {strides = array<i32>} : memref<1000x256xf32, #tpu.memory_space<vmem>>, vector<1000x256xf32>,
    return
  }
  func.func @transform_0(%arg0: i32) -> (i32, i32, i32) {
    %c0_i32 = arith.constant 0 : i32
    %c0_i32_0 = arith.constant 0 : i32
    %c0_i32_1 = arith.constant 0 : i32
    return %c0_i32, %arg0, %c0_i32_0 : i32, i32, i32
  }
  func.func @transform_1(%arg0: i32) -> (i32, i32) {
    %c0_i32 = arith.constant 0 : i32
    %c0_i32_0 = arith.constant 0 : i32
    return %arg0, %c0_i32 : i32, i32
  }
  func.func @transform_2(%arg0: i32) -> (i32, i32) {
    %c0_i32 = arith.constant 0 : i32
    %c0_i32_0 = arith.constant 0 : i32
    return %arg0, %c0_i32 : i32, i32
  }
}

</mosaic_0001>

<sc_bundles>
// kernel: kernel.5.cloned.1.call-start
scs
__scs_entry_jumppad:
0x0: {  	(pc) =	sbr.rel $0x88, $3  }
0x1: {  	(tag) =	ssettag $0x0;
	lr =	simm.s32 $0x1  }
0x2: {  	[smem:$0x3F97] =	sst lr;
	_ =	strace $0xD0000000  }
0x3: {  	_ = 	snop  }
0x4: {  	_ = 	snop  }
0x5: {  	_ = 	snop  }
0x6: {  	_ = 	snop  }
0x7: {  	_ = 	snop  }
__scs_overlays_trampoline_lowered:
0x8: {  	[smem:$0x3FA6] =	sst s0  }
0x9: {  	[smem:$0x3FA7] =	sst s1  }
0xa: {  	[smem:$0x3FA8] =	sst s2  }
0xb: {  	[smem:$0x3FA9] =	sst s3  }
0xc: {  	[smem:$0x3FAA] =	sst s4  }
0xd: {  	[smem:$0x3FAB] =	sst s5  }
0xe: {  	[smem:$0x3FAC] =	sst s6  }
0xf: {  	[smem:$0x3FAD] =	sst s7  }
0x10: {  	[smem:$0x3FAE] =	sst s8  }
0x11: {  	[smem:$0x3FAF] =	sst s9;
	s0 =	simm.s32 @!p0 $0x0  }
0x12: {  	s1 =	sld [smem:$0x3F95];
	s0 =	simm.s32 @p0 $0x1  }
0x13: {  	[smem:$0x3FB0] =	sst s0;
	s0 =	simm.s32 @!p1 $0x0  }
0x14: {  	s2 =	sld [smem:$0x3F94];
	s0 =	simm.s32 @p1 $0x1  }
0x15: {  	[smem:$0x3FB1] =	sst s0;
	s0 =	simm.s32 @!p2 $0x0  }
0x16: {  	s3 =	sld [smem:$0x3FDB];
	s0 =	simm.s32 @p2 $0x1  }
0x17: {  	s4 =	simm.s32 $0x1BF5;
	[smem:$0x3FB3] =	sst s0  }
0x18: {  	s0 =	sld [smem:$0x3F96];
	_ =	swait.ge [sflag:s4], $0x0  }
0x19: {  	s7 =	sld [smem:$0x3F97]  }
0x1a: {  	s8 =	sadd.s32 $0xFFFFE003, lr  }
0x1b: {  	s9 =	sadd.s32 $0xFFFFFEF7, lr;
	s5 =	simm.s32 $0xFFFFFFFF;
	p2 =	slt.u32 s8, $0xFFFFF086  }
0x1c: {  	p1 =	slt.u32 s9, $0xF7A;
	s5 =	simm.s32 @!p2 $0x0  }
0x1d: {  	s5 =	simm.s32 @p1 $0x1;
	p0 =	seq.s32 s7, s2  }
0x1e: {  	s7 =	smul.u32 @!p0 $0xF7A, s2;
	p2 =	seq.s32 @!p0 s5, $0x0  }
0x1f: {  	s9 =	smul.u32 $0xF7A, s1;
	s8 =	simm.s32 @!p0 $0x1BF5;
	p2 =	por !p2, p0  }
0x20: {  	[sflag:s8] =	ssyncset.s32 @!p0 $0xFFFFF086;
	s6 =	sadd.s32 @!p0 s3, s7;
	s7 =	simm.s32 @!p0 $0x108  }
0x21: {  	s3 =	sadd.s32 s3, s9;
	s6 =	sadd.s32 @!p0 $0x88, s6;
	s7 =	simm.s32 @p2 $0x1082  }
0x22: {  	[simem:s7], [sflag:s8] =	dma.local @!p0 [hbm:s6], $0xF7A  }
0x23: {  	s9 =	sor.u32 $0xD0000000, s2;
	s6 =	simm.s32 $0x108;
	_ =	swait.ge @!p0 [sflag:s8], $0x0  }
0x24: {  	s3 =	sadd.s32 $0x88, s3;
	s6 =	simm.s32 @!p1 $0x1082;
	[sflag:s4] =	ssyncset.s32 $0xFFFFF086  }
0x25: {  	[simem:s6], [sflag:s4] =	dma.local [hbm:s3], $0xF7A  }
0x26: {  	[smem:$0x3F97] =	sst s1;
	(tag) =	ssettag s2;
	_ =	strace s9  }
0x27: {  	s1 =	sld [smem:$0x3FA7]  }
0x28: {  	s2 =	sld [smem:$0x3FA8]  }
0x29: {  	s4 =	sld [smem:$0x3FAA]  }
0x2a: {  	p0 =	seq.s32 s5, $0x0;
	s5 =	sld [smem:$0x3FAB]  }
0x2b: {  	s6 =	sld [smem:$0x3FAC]  }
0x2c: {  	s7 =	sld [smem:$0x3FAD]  }
0x2d: {  	s3 =	simm.s32 $0x108;
	s8 =	sld [smem:$0x3FAE]  }
0x2e: {  	s3 =	simm.s32 @!p0 $0x1082;
	s9 =	sld [smem:$0x3FAF]  }
0x2f: {  	lr =	sadd.s32 s0, s3;
	s0 =	sld [smem:$0x3FA6]  }
0x30: {  	s3 =	sld [smem:$0x3FA9]  }
0x31: {  	[smem:$0x3FB2] =	sst s10  }
0x32: {  	s10 =	sld [smem:$0x3FB0];
	_ =	sdelay $0x3  }
0x33: {  	p0 =	seq.s32 s10, $0x1;
	s10 =	sld [smem:$0x3FB2];
	_ =	sdelay $0x3  }
0x34: {  	[smem:$0x3FB2] =	sst s10  }
0x35: {  	s10 =	sld [smem:$0x3FB1];
	_ =	sdelay $0x3  }
0x36: {  	p1 =	seq.s32 s10, $0x1;
	s10 =	sld [smem:$0x3FB2];
	_ =	sdelay $0x3  }
0x37: {  	[smem:$0x3FB2] =	sst s10  }
0x38: {  	s10 =	sld [smem:$0x3FB3]  }
0x39: {  	_ = 	snop;
	(pc) =	sbr.ind lr, $3  }
0x3a: {  	_ = 	snop  }
0x3b: {  	_ = 	snop  }
0x3c: {  	p2 =	seq.s32 s10, $0x1;
	s10 =	sld [smem:$0x3FB2]  }
0x3d: {  	_ =	shalt  }
0x3e: {  	_ =	shalt  }
0x3f: {  	_ =	shalt  }
0x40: {  	_ =	shalt  }
0x41: {  	_ =	shalt  }
0x42: {  	_ =	shalt  }
0x43: {  	_ =	shalt  }
0x44: {  	_ =	shalt  }
0x45: {  	_ =	shalt  }
0x46: {  	_ =	shalt  }
0x47: {  	_ =	shalt  }
0x48: {  	_ =	shalt  }
0x49: {  	_ =	shalt  }
0x4a: {  	_ =	shalt  }
0x4b: {  	_ =	shalt  }
0x4c: {  	_ =	shalt  }
0x4d: {  	_ =	shalt  }
0x4e: {  	_ =	shalt  }
0x4f: {  	_ =	shalt  }
0x50: {  	_ =	shalt  }
0x51: {  	_ =	shalt  }
0x52: {  	_ =	shalt  }
0x53: {  	_ =	shalt  }
0x54: {  	_ =	shalt  }
0x55: {  	_ =	shalt  }
0x56: {  	_ =	shalt  }
0x57: {  	_ =	shalt  }
0x58: {  	_ =	shalt  }
0x59: {  	_ =	shalt  }
0x5a: {  	_ =	shalt  }
0x5b: {  	_ =	shalt  }
0x5c: {  	_ =	shalt  }
0x5d: {  	_ =	shalt  }
0x5e: {  	_ =	shalt  }
0x5f: {  	_ =	shalt  }
0x60: {  	_ =	shalt  }
0x61: {  	_ =	shalt  }
0x62: {  	_ =	shalt  }
0x63: {  	_ =	shalt  }
0x64: {  	_ =	shalt  }
0x65: {  	_ =	shalt  }
0x66: {  	_ =	shalt  }
0x67: {  	_ =	shalt  }
0x68: {  	_ =	shalt  }
0x69: {  	_ =	shalt  }
0x6a: {  	_ =	shalt  }
0x6b: {  	_ =	shalt  }
0x6c: {  	_ =	shalt  }
0x6d: {  	_ =	shalt  }
0x6e: {  	_ =	shalt  }
0x6f: {  	_ =	shalt  }
0x70: {  	_ =	shalt  }
0x71: {  	_ =	shalt  }
0x72: {  	_ =	shalt  }
0x73: {  	_ =	shalt  }
0x74: {  	_ =	shalt  }
0x75: {  	_ =	shalt  }
0x76: {  	_ =	shalt  }
0x77: {  	_ =	shalt  }
0x78: {  	_ =	shalt  }
0x79: {  	_ =	shalt  }
0x7a: {  	_ =	shalt  }
0x7b: {  	_ =	shalt  }
0x7c: {  	_ =	shalt  }
0x7d: {  	_ =	shalt  }
0x7e: {  	_ =	shalt  }
0x7f: {  	_ =	shalt  }
0x80: {  	_ =	shalt  }
0x81: {  	_ =	shalt  }
0x82: {  	_ =	shalt  }
0x83: {  	_ =	shalt  }
0x84: {  	_ =	shalt  }
0x85: {  	_ =	shalt  }
0x86: {  	_ =	shalt  }
0x87: {  	_ =	shalt  }
.Lfunc_end0:
.L_simem_size_0:
called_computation_lowered:
.L_overlay_start_0:
0x88: {  	s2 =	sld [smem:$0x3FD9]  }
0x89: {  	s3 =	sld [smem:$0x3FFE];
	_ =	sdelay $0x1  }
0x8a: {  	s1 =	srdreg.scid  }
0x8b: {  	s0 =	sand.u32 $0x1, s1  }
0x8c: {  	s17 =	sshll.u32 s0, $0xA;
	s2 =	sadd.s32 s3, s2  }
0x8d: {  	s2 =	sadd.s32 s2, s17  }
0x8e: {  	[smem:$0x3FBE] =	sst s2  }
0x8f: {  	_ = 	snop  }
0x90: {  	s2 =	sld [smem:$0x3FD0];
	(tm) =	ssettm $0x1  }
0x91: {  	s18 =	sld [smem:$0x3FFB];
	_ =	sdelay $0x3  }
0x92: {  	_ =	strace s18  }
0x93: {  	s3 =	sld [smem:$0x3FFC];
	_ =	sdelay $0x3  }
0x94: {  	_ =	strace s3  }
0x95: {  	s3 =	sld [smem:$0x3FFD];
	_ =	sdelay $0x3  }
0x96: {  	_ =	strace s3  }
0x97: {  	_ =	strace $0x8FFFFFFF  }
0x98: {  	s19 =	sld [smem:$0x3FDB];
	_ =	sdelay $0x1  }
0x99: {  	s4 =	simm.s32 $_scs_section_size  }
0x9a: {  	s5 =	simm.s32 $_size__tile_overlayer_lowered;
	s6 =	simm.s32 $_tile_overlayer_lowered  }
0x9b: {  	s22 =	simm.s32 $0x1BFF;
	s21 =	sshll.u32 s6, $0x1;
	s3 =	sadd.s32 s4, s19  }
0x9c: {  	s7 =	simm.s32 $0x0;
	s20 =	sshll.u32 s5, $0x1;
	s5 =	sadd.s32 s21, s3  }
0x9d: {  	[timem:s7], [sflag:s22] =	dma.local [hbm:s5], s20  }
0x9e: {  	_ =	swait.ge [sflag:s22], s20  }
0x9f: {  	s4 =	ssub.s32 $0x0, s20;
	[sflag:s22] =	ssyncset.done $0x0  }
0xa0: {  	[sflag:s22] =	ssyncadd.s32 s4;
	_ =	sdelay $0x1  }
0xa1: {  	s23 =	simm.s32 $0x1B8B  }
0xa2: {  	_ =	swait.ge [sflag:s23], $0x1  }
0xa3: {  	[sflag:s23] =	ssyncset.done $0x0  }
0xa4: {  	s25 =	simm.s32 $0x1B8E;
	s24 =	sld [smem:$0x3FFE];
	[sflag:s23] =	ssyncadd.s32 $0xFFFFFFFF  }
0xa5: {  	s26 =	simm.s32 $execute0_lowered;
	[smem:$0x3FD2] =	sst s25  }
0xa6: {  	s5 =	sshll.u32 s26, $0x1;
	_ =	strace $0x80000046;
	[dreg:$0x1] =	wrdreg $0xFFFFFFFF  }
0xa7: {  	s28 =	simm.s32 $_size_execute0_lowered;
	s3 =	sadd.s32 s3, s5;
	[dreg:$0x0] =	wrdreg $0x0  }
0xa8: {  	s5 =	sshll.u32 s28, $0x1;
	[dreg:$0x2] =	wrdreg s3  }
0xa9: {  	[dreg:$0x3] =	wrdreg s5  }
0xaa: {  	[dreg:$0x4] =	wrdreg $0xC0  }
0xab: {  	_ =	task [dreg:s7], $0x5FFFF  }
0xac: {  	[dreg:$0x1] =	wrdreg $0xFFFFFFFF  }
0xad: {  	[dreg:$0x0] =	wrdreg $0x60  }
0xae: {  	[dreg:$0x2] =	wrdreg s24  }
0xaf: {  	[dreg:$0x3] =	wrdreg s2  }
0xb0: {  	[dreg:$0x4] =	wrdreg $0x161800  }
0xb1: {  	[dreg:$0x5] =	wrdreg $0x9  }
0xb2: {  	_ =	task.clear_ibuf [dreg:s7], $0x6FFFF;
	_ =	strace $0x90000046  }
0xb3: {  	s29 =	simm.s32 $0x9;
	_ =	strace $0x80000048  }
0xb4: {  	_ =	swait.ge [sflag:s29], $0x1  }
0xb5: {  	[sflag:s29] =	ssyncadd.s32 $0xFFFFFFFF  }
0xb6: {  	_ =	strace $0x90000048  }
0xb7: {  	_ =	sfence  }
0xb8: {  	s30 =	sld [smem:$0x0];
	_ =	sdelay $0x2  }
0xb9: {  	s31 =	sshll.u32 s1, $0xD;
	s1 =	sshrl.u32 s1, $0x2  }
0xba: {  	s3 =	sand.u32 $0x4000, s31;
	s1 =	sadd.s32 s1, s30  }
0xbb: {  	s0 =	sor.u32 s3, s0;
	s1 =	sshll.u32 s1, $0x11  }
0xbc: {  	s0 =	sor.u32 s1, s0  }
0xbd: {  	s0 =	sadd.s32 $0x8F2B, s0  }
0xbe: {  	[sflag:s0] =	ssyncadd.remote.s32 $0x1  }
0xbf: {  	_ =	sfence.sel $0xFFFF  }
0xc0: {  	[dreg:$0x0] =	wrdreg $0xFFFFFFFF;
	(pc) =	sbr.abs _section_cstart, $3  }
0xc1: {  	[dreg:$0x1] =	wrdreg $0xFFFFFFFF  }
0xc2: {  	_ =	task.clear_ibuf [dreg:s7], $0x2FFFF;
	_ =	strace $0x9FFFFFFF  }
0xc3: {  	(tm) =	ssettm $0x7FFFFFFF  }
tec
execute0_lowered:
.L_overlay_start_1:
0x0: {  	(tag) =	ssettag $0x1  }
0x1: {  	s2 =	rddreg [dreg:$0x0];
	s24 =	stileid.u32  }
0x2: {  	s0 =	srdreg.scid;
	s6 =	smul.u32 $0xA00, s24  }
0x3: {  	s11 =	rddreg [dreg:$0x1];
	s0 =	sand.u32 $0x1, s0;
	s13 =	smul.u32 $0x1400, s24  }
0x4: {  	s1 =	rddreg [dreg:$0x2];
	s5 =	smul.u32 $0x28000, s0  }
0x5: {  	s3 =	simm.s32 $0x0;
	s10 =	sor.u32 $0x10, s24;
	s12 =	smul.u32 $0x9C400, s0  }
0x6: {  	[smem:$0x7FF] =	sst s3;
	s7 =	sor.u32 $0x40, s24;
	s15 =	smul.u32 $0x1400, s10  }
0x7: {  	s4 =	sadd.s32 $0x65400, s2;
	s8 =	sor.u32 $0x50, s24;
	s19 =	smul.u32 $0x1400, s7  }
0x8: {  	_ =	strace $0x80000047;
	s25 =	ssub.s32 $0x2, s0;
	s21 =	smul.u32 $0x1400, s8  }
0x9: {  	s0 =	sshll.u32 s0, $0x6;
	s16 =	sadd.s32 s6, s2;
	s6 =	sor.u32 $0x30, s24  }
0xa: {  	s9 =	sshrl.u32 s25, $0x1;
	s14 =	sadd.s32 s5, s2;
	s5 =	sor.u32 $0x20, s24  }
0xb: {  	s18 =	smul.u32 $0x1400, s6;
	s20 =	ssub.s32 s25, s9;
	s9 =	sor.u32 $0x60, s24  }
0xc: {  	s2 =	sor.u32 $0x70, s24;
	s13 =	sadd.s32 s12, s13;
	s15 =	sadd.s32 s12, s15  }
0xd: {  	s19 =	sadd.s32 s12, s19;
	s25 =	sshll.u32 s6, $0xC;
	s6 =	smul.u32 $0x5000, s6  }
0xe: {  	s21 =	sadd.s32 s12, s21;
	s26 =	sadd.s32 $0x1400, s16;
	s17 =	smul.u32 $0x1400, s5  }
0xf: {  	s16 =	sadd.s32 $0xB400, s16;
	s22 =	smul.u32 $0x1400, s9;
	[dreg:$0x4] =	wrdreg s26  }
0x10: {  	s23 =	smul.u32 $0x1400, s2;
	[dreg:$0x5] =	wrdreg s16;
	s13 =	sshrl.u32 s13, $0x3  }
0x11: {  	s15 =	sshrl.u32 s15, $0x3;
	s31 =	sshrl.u32 s19, $0x3;
	s19 =	sshll.u32 s24, $0xC  }
0x12: {  	p1 =	sgt.u32 s2, $0x7C;
	s18 =	sadd.s32 s12, s18;
	s13 =	sadd.s32 s11, s13  }
0x13: {  	s28 =	sadd.s32 s11, s15;
	s16 =	sadd.s32 s11, s31;
	s15 =	sadd.s32 $0x15400, s14  }
0x14: {  	s14 =	sadd.s32 s19, s1;
	s31 =	sshll.u32 s9, $0xC;
	s6 =	sshrl.u32 s6, $0x2  }
0x15: {  	s9 =	smul.u32 $0x5000, s9;
	s17 =	sadd.s32 s12, s17;
	[dreg:$0x6] =	wrdreg s13  }
0x16: {  	s22 =	sadd.s32 s12, s22;
	s12 =	sadd.s32 s12, s23;
	[dreg:$0x7] =	wrdreg s28  }
0x17: {  	s30 =	sshrl.u32 s18, $0x3;
	[dreg:$0xa] =	wrdreg s16;
	s23 =	sshll.u32 s5, $0xC  }
0x18: {  	s28 =	sadd.s32 s25, s1;
	s16 =	sshll.u32 s2, $0xC;
	s5 =	smul.u32 $0x5000, s5  }
0x19: {  	s2 =	smul.u32 $0x5000, s2;
	s6 =	sadd.s32 s6, s1;
	[dreg:$0xf] =	wrdreg s14  }
0x1a: {  	s29 =	sshrl.u32 s17, $0x3;
	s17 =	sshrl.u32 s21, $0x3;
	s18 =	sshrl.u32 s22, $0x3  }
0x1b: {  	s12 =	sshrl.u32 s12, $0x3;
	s21 =	smax.u32 s20, $0x1;
	s22 =	sshll.u32 s10, $0xC  }
0x1c: {  	s26 =	sadd.s32 s23, s1;
	[dreg:$0x12] =	wrdreg s28;
	s10 =	smul.u32 $0x5000, s10  }
0x1d: {  	s9 =	sshrl.u32 s9, $0x2;
	s25 =	sshrl.u32 s6, $0x3;
	[dreg:$0xe] =	wrdreg s21  }
0x1e: {  	s13 =	sadd.s32 s11, s29;
	[dreg:$0x11] =	wrdreg s26;
	s29 =	sshll.u32 s7, $0xC  }
0x1f: {  	s5 =	sshrl.u32 s5, $0x2;
	s7 =	smul.u32 $0x5000, s7;
	s2 =	sshrl.u32 s2, $0x2  }
0x20: {  	s9 =	sadd.s32 s9, s1;
	s26 =	sor.u32 $0xA100, s0;
	[dreg:$0x1b] =	wrdreg s25  }
0x21: {  	[dreg:$0x8] =	wrdreg s13;
	s13 =	sadd.s32 s11, s30;
	s30 =	sshll.u32 s8, $0xC  }
0x22: {  	s10 =	sshrl.u32 s10, $0x2;
	s5 =	sadd.s32 s5, s1;
	s8 =	smul.u32 $0x5000, s8  }
0x23: {  	s2 =	sadd.s32 s2, s1;
	[dreg:$0x9] =	wrdreg s13;
	s13 =	sadd.s32 s11, s17  }
0x24: {  	s17 =	sor.u32 $0x90, s24;
	s10 =	sadd.s32 s10, s1;
	s7 =	sshrl.u32 s7, $0x2  }
0x25: {  	s0 =	sshrl.u32 @!p1 s2, $0x3;
	[dreg:$0xb] =	wrdreg s13;
	s13 =	sadd.s32 s11, s18  }
0x26: {  	s11 =	sadd.s32 s11, s12;
	s12 =	sadd.s32 s30, s1;
	[dreg:$0x1f] =	wrdreg s0  }
0x27: {  	s18 =	smul.u32 $0x5000, s24;
	p0 =	sgt.u32 s17, $0x9C;
	[dreg:$0xc] =	wrdreg s13  }
0x28: {  	s19 =	sshll.u32 s17, $0xC;
	s8 =	sshrl.u32 s8, $0x2;
	[dreg:$0xd] =	wrdreg s11  }
0x29: {  	s7 =	sadd.s32 s7, s1;
	s23 =	sshrl.u32 s10, $0x3;
	[dreg:$0x14] =	wrdreg s12  }
0x2a: {  	s24 =	sshrl.u32 s5, $0x3;
	s30 =	sshrl.u32 s9, $0x3;
	[dreg:$0x19] =	wrdreg s23  }
0x2b: {  	s9 =	simm.s32 $0x7;
	s11 =	sadd.s32 s22, s1;
	[dreg:$0x1a] =	wrdreg s24  }
0x2c: {  	s13 =	sadd.s32 s31, s1;
	s8 =	sadd.s32 s8, s1;
	[dreg:$0x1e] =	wrdreg s30  }
0x2d: {  	s28 =	sshrl.u32 s7, $0x3;
	s31 =	sadd.s32 $0x80000, s14;
	[dreg:$0x10] =	wrdreg s11  }
0x2e: {  	s12 =	simm.s32 $0x16100;
	s14 =	simm.s32 $0x14000;
	[dreg:$0x15] =	wrdreg s13  }
0x2f: {  	s11 =	sadd.s32 s29, s1;
	s20 =	sshrl.u32 s18, $0x2;
	[dreg:$0x1c] =	wrdreg s28  }
0x30: {  	s29 =	sshrl.u32 s8, $0x3;
	[smem:$0x7FD] =	sst s31;
	s8 =	simm.s32 $0x12000  }
.Ltmp0:
0x31: {  	s13 =	simm.s32 $0x16080;
	[dreg:$0x13] =	wrdreg s11;
	(pc) =	sbr.rel .LBB2_1-.Ltmp0, $4  }
0x32: {  	s18 =	simm.s32 $0x6;
	s11 =	sadd.s32 s16, s1;
	[dreg:$0x1d] =	wrdreg s29  }
0x33: {  	s21 =	sadd.s32 s20, s1;
	[dreg:$0x16] =	wrdreg s11;
	s11 =	sadd.s32 s19, s1  }
0x34: {  	s16 =	simm.s32 $0x5;
	s22 =	sshrl.u32 s21, $0x3;
	[dreg:$0x17] =	wrdreg s11  }
0x35: {  	v0 =	vimm.f32 $0.0e+00;
	s19 =	simm.s32 $0x16000;
	[dreg:$0x18] =	wrdreg s22;
	s11 =	simm.s32 $0x40  }
.LBB2_12:
0x36: {  	_ =	swait.ge [sflag:s16], $0x2000  }
0x37: {  	[sflag:s16] =	ssyncset.done $0x0  }
0x38: {  	[sflag:s16] =	ssyncadd.s32 $0xFFFFE000  }
0x39: {  	_ =	swait.ge [sflag:s18], $0x2000  }
0x3a: {  	[sflag:s18] =	ssyncset.done $0x0  }
0x3b: {  	[sflag:s18] =	ssyncadd.s32 $0xFFFFE000  }
0x3c: {  	s0 =	stileid.u32;
	[bflag:$0x0] =	sbarrier.arrive $0xFFFF  }
0x3d: {  	s0 =	sshll.u32 s0, $0x6;
	s2 =	rddreg [dreg:$0x6]  }
0x3e: {  	s0 =	sor.u32 $0x1C07, s0;
	s5 =	rddreg [dreg:$0x18]  }
0x3f: {  	[hbm:s2], [sflag:s0] =	dma.local [spmem:s5], $0x280  }
0x40: {  	_ =	swait.ge [sflag:s9], $0x280  }
0x41: {  	[sflag:s9] =	ssyncset.done $0x0;
	s7 =	rddreg [dreg:$0x7]  }
0x42: {  	s10 =	rddreg [dreg:$0x19];
	[sflag:s9] =	ssyncadd.s32 $0xFFFFFD80  }
0x43: {  	[hbm:s7], [sflag:s0] =	dma.local [spmem:s10], $0x280  }
0x44: {  	_ =	swait.ge [sflag:s9], $0x280  }
0x45: {  	[sflag:s9] =	ssyncset.done $0x0;
	s17 =	rddreg [dreg:$0x8]  }
0x46: {  	s20 =	rddreg [dreg:$0x1a];
	[sflag:s9] =	ssyncadd.s32 $0xFFFFFD80  }
0x47: {  	[hbm:s17], [sflag:s0] =	dma.local [spmem:s20], $0x280  }
0x48: {  	_ =	swait.ge [sflag:s9], $0x280  }
0x49: {  	[sflag:s9] =	ssyncset.done $0x0;
	s21 =	rddreg [dreg:$0x9]  }
0x4a: {  	s22 =	rddreg [dreg:$0x1b];
	[sflag:s9] =	ssyncadd.s32 $0xFFFFFD80  }
0x4b: {  	[hbm:s21], [sflag:s0] =	dma.local [spmem:s22], $0x280  }
0x4c: {  	_ =	swait.ge [sflag:s9], $0x280  }
0x4d: {  	[sflag:s9] =	ssyncset.done $0x0;
	s23 =	rddreg [dreg:$0xa]  }
0x4e: {  	s24 =	rddreg [dreg:$0x1c];
	[sflag:s9] =	ssyncadd.s32 $0xFFFFFD80  }
0x4f: {  	[hbm:s23], [sflag:s0] =	dma.local [spmem:s24], $0x280  }
0x50: {  	_ =	swait.ge [sflag:s9], $0x280  }
0x51: {  	[sflag:s9] =	ssyncset.done $0x0;
	s25 =	rddreg [dreg:$0xb]  }
0x52: {  	s28 =	rddreg [dreg:$0x1d];
	[sflag:s9] =	ssyncadd.s32 $0xFFFFFD80  }
0x53: {  	[hbm:s25], [sflag:s0] =	dma.local [spmem:s28], $0x280  }
0x54: {  	_ =	swait.ge [sflag:s9], $0x280  }
0x55: {  	[sflag:s9] =	ssyncset.done $0x0;
	s29 =	rddreg [dreg:$0xc]  }
0x56: {  	s30 =	rddreg [dreg:$0x1e];
	[sflag:s9] =	ssyncadd.s32 $0xFFFFFD80  }
0x57: {  	[hbm:s29], [sflag:s0] =	dma.local [spmem:s30], $0x280  }
0x58: {  	_ =	swait.ge [sflag:s9], $0x280  }
0x59: {  	[sflag:s9] =	ssyncset.done $0x0;
	s2 =	rddreg [dreg:$0xd]  }
0x5a: {  	s5 =	rddreg [dreg:$0x1f];
	[sflag:s9] =	ssyncadd.s32 $0xFFFFFD80  }
0x5b: {  	[hbm:s2], [sflag:s0] =	dma.local @!p1 [spmem:s5], $0x280  }
0x5c: {  	s0 =	simm.s32 @!p1 $0x7  }
0x5d: {  	_ =	swait.ge @!p1 [sflag:s0], $0x280  }
0x5e: {  	s3 =	sadd.s32 $0x1, s3;
	s31 =	rddreg [dreg:$0xe]  }
0x5f: {  	p2 =	sne.s32 s3, s31  }
.Ltmp1:
0x60: {  	_ = 	snop;
	(pc) =	sbr.rel @!p2 .LBB2_13-.Ltmp1, $3  }
0x61: {  	_ =	sdelay $0x1  }
0x62: {  	[sflag:s0] =	ssyncset.done @!p1 $0x0  }
0x63: {  	[sflag:s0] =	ssyncadd.s32 @!p1 $0xFFFFFD80  }
.LBB2_1:
0x64: {  	s0 =	simm.s32 $0x0;
	s2 =	simm.s32 $0x200  }
.LBB2_2:
0x65: {  	p2 =	sne.s32 s2, $0x7E00;
	[tilespmem:s0+$0x12070] =	vst v0  }
0x66: {  	[tilespmem:s0+$0x12000] =	vst v0  }
0x67: {  	[tilespmem:s0+$0x12010] =	vst v0  }
.Ltmp2:
0x68: {  	[tilespmem:s0+$0x12020] =	vst v0;
	(pc) =	sbr.rel @p2 .LBB2_2-.Ltmp2, $4  }
0x69: {  	[tilespmem:s0+$0x12030] =	vst v0  }
0x6a: {  	[tilespmem:s0+$0x12040] =	vst v0  }
0x6b: {  	[tilespmem:s0+$0x12050] =	vst v0  }
0x6c: {  	[tilespmem:s0+$0x12060] =	vst v0;
	s0 =	sshra.s32 s2, $0x2;
	s2 =	sadd.s32 $0x200, s2  }
0x6d: {  	[tilespmem:s0+$0x12070] =	vst v0  }
0x6e: {  	[tilespmem:s0+$0x12000] =	vst v0  }
0x6f: {  	[tilespmem:s0+$0x12010] =	vst v0  }
0x70: {  	[tilespmem:s0+$0x12020] =	vst v0  }
0x71: {  	[tilespmem:s0+$0x12030] =	vst v0  }
0x72: {  	[tilespmem:s0+$0x12040] =	vst v0  }
0x73: {  	[tilespmem:s0+$0x12050] =	vst v0  }
0x74: {  	[tilespmem:s0+$0x12060] =	vst v0;
	s6 =	rddreg [dreg:$0xf]  }
0x75: {  	[spmem:s6] =	stream.linear.scatter [tilespmem:s8], [sflag:$0x7], $0x1000, $0x38;
	[tilespmem:$0x1FE80] =	vst v63  }
0x76: {  	_ =	swait.ge [sflag:s9], $0x1000  }
0x77: {  	[sflag:s9] =	ssyncset.done $0x0  }
0x78: {  	s7 =	rddreg [dreg:$0x10];
	[sflag:s9] =	ssyncadd.s32 $0xFFFFF000  }
0x79: {  	[spmem:s7] =	stream.linear.scatter [tilespmem:s8], [sflag:$0x7], $0x1000, $0x38;
	[tilespmem:$0x1FE80] =	vst v63  }
0x7a: {  	_ =	swait.ge [sflag:s9], $0x1000  }
0x7b: {  	[sflag:s9] =	ssyncset.done $0x0  }
0x7c: {  	s10 =	rddreg [dreg:$0x11];
	[sflag:s9] =	ssyncadd.s32 $0xFFFFF000  }
0x7d: {  	[spmem:s10] =	stream.linear.scatter [tilespmem:s8], [sflag:$0x7], $0x1000, $0x38;
	[tilespmem:$0x1FE80] =	vst v63  }
0x7e: {  	_ =	swait.ge [sflag:s9], $0x1000  }
0x7f: {  	[sflag:s9] =	ssyncset.done $0x0  }
0x80: {  	s17 =	rddreg [dreg:$0x12];
	[sflag:s9] =	ssyncadd.s32 $0xFFFFF000  }
0x81: {  	[spmem:s17] =	stream.linear.scatter [tilespmem:s8], [sflag:$0x7], $0x1000, $0x38;
	[tilespmem:$0x1FE80] =	vst v63  }
0x82: {  	_ =	swait.ge [sflag:s9], $0x1000  }
0x83: {  	[sflag:s9] =	ssyncset.done $0x0  }
0x84: {  	s20 =	rddreg [dreg:$0x13];
	[sflag:s9] =	ssyncadd.s32 $0xFFFFF000  }
0x85: {  	[spmem:s20] =	stream.linear.scatter [tilespmem:s8], [sflag:$0x7], $0x1000, $0x38;
	[tilespmem:$0x1FE80] =	vst v63  }
0x86: {  	_ =	swait.ge [sflag:s9], $0x1000  }
0x87: {  	[sflag:s9] =	ssyncset.done $0x0  }
0x88: {  	s21 =	rddreg [dreg:$0x14];
	[sflag:s9] =	ssyncadd.s32 $0xFFFFF000  }
0x89: {  	[spmem:s21] =	stream.linear.scatter [tilespmem:s8], [sflag:$0x7], $0x1000, $0x38;
	[tilespmem:$0x1FE80] =	vst v63  }
0x8a: {  	_ =	swait.ge [sflag:s9], $0x1000  }
0x8b: {  	[sflag:s9] =	ssyncset.done $0x0  }
0x8c: {  	s22 =	rddreg [dreg:$0x15];
	[sflag:s9] =	ssyncadd.s32 $0xFFFFF000  }
0x8d: {  	[spmem:s22] =	stream.linear.scatter [tilespmem:s8], [sflag:$0x7], $0x1000, $0x38;
	[tilespmem:$0x1FE80] =	vst v63  }
0x8e: {  	_ =	swait.ge [sflag:s9], $0x1000  }
0x8f: {  	[sflag:s9] =	ssyncset.done $0x0  }
0x90: {  	s23 =	rddreg [dreg:$0x16];
	[sflag:s9] =	ssyncadd.s32 $0xFFFFF000  }
0x91: {  	[spmem:s23] =	stream.linear.scatter [tilespmem:s8], [sflag:$0x7], $0x1000, $0x38;
	[tilespmem:$0x1FE80] =	vst v63  }
0x92: {  	_ =	swait.ge [sflag:s9], $0x1000  }
0x93: {  	s24 =	sld [smem:$0x7FD]  }
0x94: {  	[sflag:s9] =	ssyncset.done $0x0  }
0x95: {  	[sflag:s9] =	ssyncadd.s32 $0xFFFFF000  }
0x96: {  	[spmem:s24] =	stream.linear.scatter [tilespmem:s8], [sflag:$0x7], $0x1000, $0x38;
	[tilespmem:$0x1FE80] =	vst v63  }
0x97: {  	_ =	swait.ge [sflag:s9], $0x1000  }
0x98: {  	[sflag:s9] =	ssyncset.done $0x0  }
0x99: {  	s0 =	simm.s32 @!p0 $0x12000;
	s2 =	rddreg [dreg:$0x17];
	[sflag:s9] =	ssyncadd.s32 $0xFFFFF000  }
0x9a: {  	[spmem:s2] =	stream.linear.scatter @!p0 [tilespmem:s0], [sflag:$0x7], $0x1000, $0x38;
	[tilespmem:$0x1FE80] =	vst v63  }
0x9b: {  	s0 =	simm.s32 @!p0 $0x7  }
0x9c: {  	_ =	swait.ge @!p0 [sflag:s0], $0x1000  }
0x9d: {  	[sflag:s0] =	ssyncset.done @!p0 $0x0  }
0x9e: {  	s20 =	simm.s32 $0x0;
	s25 =	rddreg [dreg:$0x4];
	[sflag:s0] =	ssyncadd.s32 @!p0 $0xFFFFF000  }
0x9f: {  	[tilespmem:s20], [sflag:$0x7] =	stream.linear.gather [hbm4b:s25+s20], $0x5000, $0x38;
	[tilespmem:$0x1FE80] =	vst v63  }
0xa0: {  	_ =	swait.ge [sflag:s9], $0x5000  }
0xa1: {  	[sflag:s9] =	ssyncset.done $0x0  }
0xa2: {  	s29 =	simm.s32 $0x5000;
	s28 =	rddreg [dreg:$0x5];
	[sflag:s9] =	ssyncadd.s32 $0xFFFFB000  }
0xa3: {  	[tilespmem:s29], [sflag:$0x7] =	stream.linear.gather [hbm4b:s28+s20], $0x5000, $0x38;
	[tilespmem:$0x1FE80] =	vst v63  }
0xa4: {  	_ =	swait.ge [sflag:s9], $0x5000  }
0xa5: {  	[sflag:s9] =	ssyncset.done $0x0  }
.Ltmp3:
0xa6: {  	[sflag:s9] =	ssyncadd.s32 $0xFFFFB000;
	(pc) =	sbr.rel .LBB2_4-.Ltmp3, $4  }
0xa7: {  	s30 =	simm.s32 $0xA000;
	[bflag:$0x0] =	sbarrier.arrive $0xFFFF  }
0xa8: {  	[tilespmem:s30], [sflag:$0x1] =	stream.indirect.gather [hbm4b:s4+s11], $0x80, s20, s11, $0xb8;
	[tilespmem:$0x1FE80] =	vst v63  }
0xa9: {  	s31 =	simm.s32 $0xE000;
	p2 =	por $0x0, $0x0  }
0xaa: {  	[tilespmem:s31], [sflag:$0x3] =	stream.indirect.gather [hbm4b:s15+s11], $0x80, s29, s11, $0xb8;
	[tilespmem:$0x1FE80] =	vst v63  }
.LBB2_11:
0xab: {  	p3 =	sne.s32 s10, $0x140  }
.Ltmp4:
0xac: {  	_ = 	snop;
	(pc) =	sbr.rel @!p3 .LBB2_12-.Ltmp4, $2  }
0xad: {  	_ =	sdelay $0x2  }
0xae: {  	p2 =	por !p2, !p2;
	s20 =	smov.u32 s10  }
.LBB2_4:
0xaf: {  	s10 =	sadd.s32 $0x1, s20;
	p3 =	seq.s32 s20, $0x13F  }
0xb0: {  	s21 =	sand.u32 $0x1, s20;
	s0 =	sand.u32 @!p3 $0x1, s10  }
0xb1: {  	s6 =	sshll.u32 @!p3 s10, $0x6;
	s22 =	simm.s32 @!p3 $0x40;
	s2 =	sshll.u32 @!p3 s0, $0xD  }
0xb2: {  	s30 =	sadd.s32 $0x1, s21;
	s7 =	sadd.s32 @!p3 $0x1, s0;
	s5 =	sadd.s32 @!p3 $0xA000, s2  }
0xb3: {  	[tilespmem:s5], [sflag:s7] =	stream.indirect.gather @!p3 [hbm4b:s4+s22], $0x80, s6, s22, $0xb8;
	[tilespmem:$0x1FE80] =	vst v63  }
0xb4: {  	s0 =	sadd.s32 @!p3 $0x3, s0;
	s2 =	sadd.s32 @!p3 $0xE000, s2;
	s5 =	sadd.s32 @!p3 $0x5000, s6  }
0xb5: {  	[tilespmem:s2], [sflag:s0] =	stream.indirect.gather @!p3 [hbm4b:s15+s22], $0x80, s5, s22, $0xb8;
	[tilespmem:$0x1FE80] =	vst v63  }
0xb6: {  	p3 =	seq.s32 s21, $0x1;
	_ =	swait.ge [sflag:s30], $0x2000  }
.Ltmp5:
0xb7: {  	[sflag:s30] =	ssyncset.done $0x0;
	(pc) =	sbr.rel @p3 .LBB2_8-.Ltmp5, $4  }
0xb8: {  	s31 =	sadd.s32 $0x3, s21;
	[sflag:s30] =	ssyncadd.s32 $0xFFFFE000  }
0xb9: {  	_ =	swait.ge [sflag:s31], $0x2000  }
0xba: {  	[sflag:s31] =	ssyncset.done $0x0  }
0xbb: {  	[sflag:s31] =	ssyncadd.s32 $0xFFFFE000  }
0xbc: {  	p3 =	slt.u32 s20, $0x2  }
0xbd: {  	s0 =	simm.s32 @!p3 $0x5  }
0xbe: {  	_ =	swait.ge @!p3 [sflag:s0], $0x2000  }
0xbf: {  	s2 =	sshll.u32 s20, $0x6;
	[sflag:s0] =	ssyncset.done @!p3 $0x0  }
0xc0: {  	s7 =	sand.u32 $0x3FFFFFC0, s2;
	[sflag:s0] =	ssyncadd.s32 @!p3 $0xFFFFE000  }
0xc1: {  	v1 =	vld [tilespmem:s7+$0x0];
	_ =	sdelay $0x4  }
0xc2: {  	v2 =	vand.u32 $0x1, v1  }
0xc3: {  	v1 =	vshrl.u32 v1, $0x1;
	v2 =	vcvt.s32.f32 v2  }
0xc4: {  	[tilespmem:$0x16000] =	vst v1  }
0xc5: {  	[tilespmem:$0x16100] =	vst v2  }
0xc6: {  	v1 =	vld [tilespmem:s7+$0x10];
	_ =	sdelay $0x4  }
0xc7: {  	v2 =	vand.u32 $0x1, v1  }
0xc8: {  	v1 =	vshrl.u32 v1, $0x1;
	v2 =	vcvt.s32.f32 v2  }
0xc9: {  	[tilespmem:$0x16010] =	vst v1  }
0xca: {  	[tilespmem:$0x16110] =	vst v2  }
0xcb: {  	v1 =	vld [tilespmem:s7+$0x20];
	_ =	sdelay $0x4  }
0xcc: {  	v2 =	vand.u32 $0x1, v1  }
0xcd: {  	v1 =	vshrl.u32 v1, $0x1;
	v2 =	vcvt.s32.f32 v2  }
0xce: {  	[tilespmem:$0x16020] =	vst v1  }
0xcf: {  	[tilespmem:$0x16120] =	vst v2  }
0xd0: {  	v1 =	vld [tilespmem:s7+$0x30];
	_ =	sdelay $0x4  }
0xd1: {  	v2 =	vand.u32 $0x1, v1  }
0xd2: {  	v1 =	vshrl.u32 v1, $0x1;
	v2 =	vcvt.s32.f32 v2  }
0xd3: {  	[tilespmem:$0x16030] =	vst v1  }
0xd4: {  	[tilespmem:$0x16130] =	vst v2  }
0xd5: {  	s22 =	simm.s32 $0xE100;
	v1 =	vld [tilespmem:s26+$0x80]  }
0xd6: {  	v2 =	vld [tilespmem:s22+$0x80];
	_ =	sdelay $0x2  }
0xd7: {  	v3 =	vld [tilespmem:s26+$0xFFFFFF00]  }
0xd8: {  	v4 =	vld [tilespmem:s22+$0xFFFFFF00]  }
0xd9: {  	v1 =	vadd.f32 v2, v1;
	_ =	sdelay $0x1  }
0xda: {  	v5 =	vld [tilespmem:s22+$0xFFFFFF80];
	v1 =	vsub.f32 $0.0e+00, v1  }
0xdb: {  	v2 =	vld [tilespmem:s26+$0xFFFFFF80]  }
0xdc: {  	v3 =	vadd.f32 v4, v3;
	v1 =	vmul.f32 $1.442695020e+00, v1  }
0xdd: {  	v6 =	vld [tilespmem:s26+$0x0]  }
0xde: {  	v4 =	vld [tilespmem:s22+$0x0];
	(erf) = vpow2.f32 v1;
	v1 =	vsub.f32 $0.0e+00, v3;
	_ =	sdelay $0x1  }
0xdf: {  	v2 =	vadd.f32 v5, v2;
	v1 =	vmul.f32 $1.442695020e+00, v1;
	_ =	sdelay $0x1  }
0xe0: {  	v2 =	vsub.f32 $0.0e+00, v2;
	(erf) = vpow2.f32 v1  }
0xe1: {  	v3 =	vadd.f32 v4, v6  }
0xe2: {  	v1 =	vmul.f32 $1.442695020e+00, v2  }
0xe3: {  	v2 =	vsub.f32 $0.0e+00, v3  }
0xe4: {  	(erf) = vpow2.f32 v1  }
0xe5: {  	v2 =	vmul.f32 $1.442695020e+00, v2  }
0xe6: {  	v1 =	vpop (erf)  }
0xe7: {  	s17 =	simm.s32 $0x3;
	(erf) = vpow2.f32 v2;
	v1 =	vadd.f32 $1.000000000e+00, v1  }
0xe8: {  	s23 =	simm.s32 $0x0;
	v2 =	vmov s17  }
0xe9: {  	(erf) = vrcp.f32 v1;
	v1 =	vmov s23;
	v3 =	vpop (erf)  }
0xea: {  	v1 =	vand.u32 $0xFFFFFFFC, v1;
	v3 =	vadd.f32 $1.000000000e+00, v3  }
0xeb: {  	s24 =	simm.s32 $0x1;
	v1 =	vbroadcast v1, $0x0  }
0xec: {  	(erf) = vrcp.f32 v3;
	v3 =	vmov s24  }
0xed: {  	s25 =	simm.s32 $0x2;
	v25 =	vld.idx.msk [tilespmem:v2+s12+$0x0], $0xffff;
	v4 =	vpop (erf);
	v3 =	vand.u32 $0xFFFFFFFD, v3  }
0xee: {  	v5 =	vmov s25;
	v2 =	vld [tilespmem:s22+$0xC0];
	v4 =	vadd.f32 $1.000000000e+00, v4  }
0xef: {  	v5 =	vand.u32 $0xFFFFFFFE, v5;
	v6 =	vbroadcast v3, $0x0  }
0xf0: {  	v7 =	vld [tilespmem:s22+$0xFFFFFF40];
	v5 =	vbroadcast v5, $0x0;
	v3 =	vpop (erf)  }
0xf1: {  	(erf) = vrcp.f32 v4;
	v8 =	vadd.f32 $1.000000000e+00, v3;
	v3 =	vld.idx.msk [tilespmem:v1+s12+$0x0], $0xffff  }
0xf2: {  	v4 =	vpop (erf)  }
0xf3: {  	v23 =	vsub.f32 $1.000000000e+00, v25;
	v1 =	vmul.f32 v4, v2;
	(erf) = vrcp.f32 v8  }
0xf4: {  	v4 =	vld [tilespmem:s22+$0xFFFFFFC0]  }
0xf5: {  	v8 =	vmul.f32 v1, v23;
	v2 =	vld.idx.msk [tilespmem:v6+s12+$0x0], $0xffff;
	v11 =	vpop (erf)  }
0xf6: {  	s23 =	simm.s32 $0x12100;
	v10 =	vmul.f32 v1, v25;
	v1 =	vld.idx.msk [tilespmem:v5+s12+$0x0], $0xffff;
	v6 =	vsub.f32 $1.000000000e+00, v3;
	v5 =	vmul.f32 v11, v7  }
0xf7: {  	[tilespmem:s23+$0x80] =	vst v8  }
0xf8: {  	v9 =	vld [tilespmem:s22+$0x40];
	[tilespmem:s23+$0xC0] =	vst v10;
	v8 =	vmul.f32 v5, v6  }
0xf9: {  	v7 =	vld [tilespmem:s26+$0x90]  }
0xfa: {  	v10 =	vld [tilespmem:s22+$0x90];
	v11 =	vpop (erf)  }
0xfb: {  	v12 =	vmul.f32 v5, v3;
	v11 =	vmul.f32 v11, v4;
	v5 =	vsub.f32 $1.000000000e+00, v2  }
0xfc: {  	[tilespmem:s23+$0xFFFFFF00] =	vst v8;
	v8 =	vpop (erf)  }
0xfd: {  	[tilespmem:s23+$0xFFFFFF40] =	vst v12;
	v8 =	vmul.f32 v8, v9;
	v9 =	vmul.f32 v11, v5  }
0xfe: {  	v4 =	vsub.f32 $1.000000000e+00, v1;
	v12 =	vld [tilespmem:s26+$0xFFFFFF10];
	v11 =	vmul.f32 v11, v2  }
0xff: {  	v13 =	vld [tilespmem:s22+$0xFFFFFF10];
	v7 =	vadd.f32 v10, v7;
	[tilespmem:s23+$0xFFFFFF80] =	vst v9  }
0x100: {  	v10 =	vmul.f32 v8, v4;
	[tilespmem:s23+$0xFFFFFFC0] =	vst v11  }
0x101: {  	v7 =	vsub.f32 $0.0e+00, v7;
	v8 =	vmul.f32 v8, v1;
	v9 =	vld [tilespmem:s26+$0xFFFFFF90]  }
0x102: {  	[tilespmem:s23+$0x0] =	vst v10;
	v10 =	vld [tilespmem:s22+$0xFFFFFF90]  }
0x103: {  	v7 =	vmul.f32 $1.442695020e+00, v7;
	[tilespmem:s23+$0x40] =	vst v8  }
0x104: {  	v11 =	vadd.f32 v13, v12;
	v8 =	vld [tilespmem:s26+$0x10]  }
0x105: {  	v12 =	vld [tilespmem:s22+$0x10];
	(erf) = vpow2.f32 v7  }
0x106: {  	v7 =	vsub.f32 $0.0e+00, v11  }
0x107: {  	s29 =	sadd.s32 $0x200, s26;
	v9 =	vadd.f32 v10, v9  }
0x108: {  	s24 =	simm.s32 $0xE300;
	v11 =	vld [tilespmem:s29+$0x80];
	v7 =	vmul.f32 $1.442695020e+00, v7  }
0x109: {  	v10 =	vld [tilespmem:s24+$0x80];
	v9 =	vsub.f32 $0.0e+00, v9  }
0x10a: {  	(erf) = vpow2.f32 v7;
	v8 =	vadd.f32 v12, v8  }
0x10b: {  	v7 =	vld [tilespmem:s29+$0xFFFFFF00];
	v9 =	vmul.f32 $1.442695020e+00, v9  }
0x10c: {  	v12 =	vld [tilespmem:s24+$0xFFFFFF00];
	v8 =	vsub.f32 $0.0e+00, v8  }
0x10d: {  	v13 =	vld [tilespmem:s29+$0xFFFFFF80];
	(erf) = vpow2.f32 v9  }
0x10e: {  	v10 =	vadd.f32 v10, v11;
	v8 =	vmul.f32 $1.442695020e+00, v8;
	v11 =	vpop (erf);
	v9 =	vld [tilespmem:s24+$0xFFFFFF80]  }
0x10f: {  	v11 =	vadd.f32 $1.000000000e+00, v11  }
0x110: {  	v14 =	vld [tilespmem:s29+$0x0];
	v10 =	vsub.f32 $0.0e+00, v10;
	(erf) = vpow2.f32 v8  }
0x111: {  	v7 =	vadd.f32 v12, v7;
	v8 =	vld [tilespmem:s24+$0x0]  }
0x112: {  	(erf) = vrcp.f32 v11;
	v10 =	vmul.f32 $1.442695020e+00, v10  }
0x113: {  	v7 =	vsub.f32 $0.0e+00, v7;
	v11 =	vpop (erf);
	v9 =	vadd.f32 v9, v13  }
0x114: {  	(erf) = vpow2.f32 v10;
	v10 =	vadd.f32 $1.000000000e+00, v11  }
0x115: {  	v7 =	vmul.f32 $1.442695020e+00, v7;
	v9 =	vsub.f32 $0.0e+00, v9  }
0x116: {  	v8 =	vadd.f32 v8, v14;
	(erf) = vrcp.f32 v10;
	v11 =	vpop (erf)  }
0x117: {  	v10 =	vld [tilespmem:s22+$0xD0];
	(erf) = vpow2.f32 v7;
	v9 =	vmul.f32 $1.442695020e+00, v9;
	v7 =	vadd.f32 $1.000000000e+00, v11  }
0x118: {  	v8 =	vsub.f32 $0.0e+00, v8  }
0x119: {  	v11 =	vpop (erf);
	(erf) = vpow2.f32 v9  }
0x11a: {  	v8 =	vmul.f32 $1.442695020e+00, v8;
	v9 =	vadd.f32 $1.000000000e+00, v11  }
0x11b: {  	(erf) = vrcp.f32 v7;
	v7 =	vpop (erf)  }
0x11c: {  	s5 =	simm.s32 $0x5;
	s6 =	simm.s32 $0x7;
	s2 =	simm.s32 $0x4;
	(erf) = vpow2.f32 v8;
	v7 =	vmul.f32 v7, v10  }
0x11d: {  	v16 =	vmov s6;
	v12 =	vld [tilespmem:s22+$0xFFFFFF50];
	v11 =	vmov s2;
	v10 =	vmov s5  }
0x11e: {  	v15 =	vld [tilespmem:s24+$0xFFFFFF40];
	(erf) = vrcp.f32 v9;
	v9 =	vpop (erf);
	v10 =	vand.u32 $0xFFFFFFFD, v10;
	v14 =	vmul.f32 v7, v23  }
0x11f: {  	s7 =	simm.s32 $0x6;
	v18 =	vld [tilespmem:s24+$0xFFFFFFC0];
	v8 =	vand.u32 $0xFFFFFFFC, v11;
	v9 =	vadd.f32 $1.000000000e+00, v9;
	v7 =	vmul.f32 v7, v25  }
0x120: {  	v17 =	vmov s7;
	v11 =	vld [tilespmem:s22+$0xFFFFFFD0];
	v8 =	vbroadcast v8, $0x0;
	v19 =	vpop (erf);
	[tilespmem:s23+$0x90] =	vst v14  }
0x121: {  	v13 =	vld [tilespmem:s22+$0x50];
	(erf) = vrcp.f32 v9;
	v9 =	vand.u32 $0xFFFFFFFE, v17;
	v14 =	vbroadcast v10, $0x0;
	v10 =	vpop (erf);
	[tilespmem:s23+$0xD0] =	vst v7  }
0x122: {  	v12 =	vmul.f32 v19, v12;
	v7 =	vbroadcast v9, $0x0;
	v9 =	vadd.f32 $1.000000000e+00, v10;
	v20 =	vld [tilespmem:s26+$0xA0];
	v10 =	vpop (erf)  }
0x123: {  	v19 =	vld [tilespmem:s22+$0xA0];
	v21 =	vadd.f32 $1.000000000e+00, v10  }
0x124: {  	v22 =	vpop (erf);
	v10 =	vld.idx.msk [tilespmem:v16+s12+$0x0], $0xffff;
	v16 =	vmul.f32 v12, v6  }
0x125: {  	(erf) = vrcp.f32 v9;
	v24 =	vpop (erf);
	v11 =	vmul.f32 v22, v11;
	v22 =	vld [tilespmem:s24+$0xC0]  }
0x126: {  	v12 =	vmul.f32 v12, v3;
	v9 =	vld.idx.msk [tilespmem:v8+s12+$0x0], $0xffff;
	v24 =	vadd.f32 $1.000000000e+00, v24  }
0x127: {  	(erf) = vrcp.f32 v21;
	[tilespmem:s23+$0xFFFFFF10] =	vst v16;
	v21 =	vpop (erf);
	v8 =	vld.idx.msk [tilespmem:v14+s12+$0x0], $0xffff;
	v14 =	vmul.f32 v11, v5  }
0x128: {  	v17 =	vld [tilespmem:s24+$0x40];
	[tilespmem:s23+$0xFFFFFF50] =	vst v12;
	(erf) = vrcp.f32 v24;
	v13 =	vmul.f32 v21, v13  }
0x129: {  	v16 =	vld [tilespmem:s26+$0xFFFFFF20];
	v11 =	vmul.f32 v11, v2;
	v12 =	vadd.f32 v19, v20  }
0x12a: {  	v7 =	vld.idx.msk [tilespmem:v7+s12+$0x0], $0xffff;
	[tilespmem:s23+$0xFFFFFF90] =	vst v14;
	v19 =	vmul.f32 v13, v4  }
0x12b: {  	v21 =	vld [tilespmem:s22+$0xFFFFFF20];
	v20 =	vpop (erf);
	[tilespmem:s23+$0xFFFFFFD0] =	vst v11;
	v11 =	vsub.f32 $0.0e+00, v12;
	v13 =	vmul.f32 v13, v1  }
0x12c: {  	v14 =	vsub.f32 $1.000000000e+00, v10;
	v12 =	vmul.f32 v20, v22;
	v20 =	vld [tilespmem:s26+$0xFFFFFFA0];
	[tilespmem:s23+$0x10] =	vst v19  }
0x12d: {  	v11 =	vmul.f32 $1.442695020e+00, v11;
	v19 =	vld [tilespmem:s22+$0xFFFFFFA0];
	[tilespmem:s23+$0x50] =	vst v13  }
0x12e: {  	v13 =	vmul.f32 v12, v14;
	v26 =	vmul.f32 v12, v10;
	v22 =	vld [tilespmem:s26+$0x20];
	v24 =	vpop (erf)  }
0x12f: {  	v12 =	vsub.f32 $1.000000000e+00, v9;
	v27 =	vld [tilespmem:s22+$0x20];
	(erf) = vpow2.f32 v11;
	v11 =	vmul.f32 v24, v15  }
0x130: {  	s25 =	simm.s32 $0x12300;
	v15 =	vadd.f32 v21, v16;
	v16 =	vpop (erf)  }
0x131: {  	[tilespmem:s25+$0x80] =	vst v13;
	v13 =	vsub.f32 $1.000000000e+00, v8;
	v16 =	vmul.f32 v16, v18;
	v21 =	vmul.f32 v11, v12;
	v28 =	vpop (erf)  }
0x132: {  	[tilespmem:s25+$0xC0] =	vst v26;
	v18 =	vmul.f32 v11, v9;
	v11 =	vsub.f32 $1.000000000e+00, v7;
	v17 =	vmul.f32 v28, v17  }
0x133: {  	v24 =	vld [tilespmem:s29+$0x90];
	v15 =	vsub.f32 $0.0e+00, v15;
	v19 =	vadd.f32 v19, v20;
	[tilespmem:s25+$0xFFFFFF00] =	vst v21  }
0x134: {  	v26 =	vld [tilespmem:s24+$0x90];
	v20 =	vmul.f32 v16, v13;
	v21 =	vadd.f32 v27, v22;
	[tilespmem:s25+$0xFFFFFF40] =	vst v18;
	v22 =	vmul.f32 v17, v11  }
0x135: {  	v16 =	vmul.f32 v16, v8;
	v15 =	vmul.f32 $1.442695020e+00, v15;
	v18 =	vsub.f32 $0.0e+00, v19;
	v19 =	vld [tilespmem:s29+$0xFFFFFF10]  }
0x136: {  	[tilespmem:s25+$0xFFFFFF80] =	vst v20;
	v20 =	vld [tilespmem:s24+$0xFFFFFF10];
	v17 =	vmul.f32 v17, v7;
	v21 =	vsub.f32 $0.0e+00, v21  }
0x137: {  	[tilespmem:s25+$0xFFFFFFC0] =	vst v16;
	(erf) = vpow2.f32 v15;
	v18 =	vmul.f32 $1.442695020e+00, v18  }
0x138: {  	v15 =	vld [tilespmem:s29+$0xFFFFFF90];
	[tilespmem:s25+$0x0] =	vst v22;
	v21 =	vmul.f32 $1.442695020e+00, v21;
	v22 =	vpop (erf)  }
0x139: {  	v16 =	vadd.f32 v26, v24;
	[tilespmem:s25+$0x40] =	vst v17;
	(erf) = vpow2.f32 v18;
	v18 =	vld [tilespmem:s24+$0xFFFFFF90];
	v17 =	vadd.f32 $1.000000000e+00, v22  }
0x13a: {  	(erf) = vpow2.f32 v21;
	v21 =	vld [tilespmem:s29+$0x10]  }
0x13b: {  	v16 =	vsub.f32 $0.0e+00, v16;
	v22 =	vld [tilespmem:s24+$0x10];
	(erf) = vrcp.f32 v17;
	v17 =	vadd.f32 v20, v19;
	_ =	sdelay $0x1  }
0x13c: {  	v16 =	vmul.f32 $1.442695020e+00, v16;
	v17 =	vsub.f32 $0.0e+00, v17  }
0x13d: {  	s30 =	sadd.s32 $0x200, s29  }
0x13e: {  	s28 =	simm.s32 $0xE500;
	s17 =	simm.s32 $0x8;
	v19 =	vld [tilespmem:s30+$0x80];
	(erf) = vpow2.f32 v16;
	v16 =	vmul.f32 $1.442695020e+00, v17  }
0x13f: {  	v20 =	vmov s17;
	v15 =	vadd.f32 v18, v15;
	v18 =	vadd.f32 v22, v21;
	v21 =	vpop (erf);
	v22 =	vld [tilespmem:s28+$0x80]  }
0x140: {  	v17 =	vld [tilespmem:s22+$0xE0];
	(erf) = vpow2.f32 v16;
	v16 =	vand.u32 $0xFFFFFFFC, v20;
	v20 =	vadd.f32 $1.000000000e+00, v21  }
0x141: {  	v27 =	vld [tilespmem:s28+$0xFFFFFF00];
	v15 =	vsub.f32 $0.0e+00, v15  }
0x142: {  	v24 =	vld [tilespmem:s30+$0xFFFFFF00];
	v18 =	vsub.f32 $0.0e+00, v18;
	v21 =	vpop (erf)  }
0x143: {  	v15 =	vmul.f32 $1.442695020e+00, v15;
	v26 =	vpop (erf)  }
0x144: {  	v28 =	vld [tilespmem:s30+$0xFFFFFF80];
	v21 =	vadd.f32 $1.000000000e+00, v21;
	v18 =	vmul.f32 $1.442695020e+00, v18;
	(erf) = vrcp.f32 v20;
	v20 =	vpop (erf)  }
0x145: {  	v19 =	vadd.f32 v22, v19;
	(erf) = vpow2.f32 v15;
	v15 =	vmul.f32 v20, v17;
	v17 =	vld [tilespmem:s28+$0xFFFFFF80]  }
0x146: {  	(erf) = vrcp.f32 v21  }
0x147: {  	v24 =	vadd.f32 v27, v24;
	v19 =	vsub.f32 $0.0e+00, v19;
	(erf) = vpow2.f32 v18  }
0x148: {  	v21 =	vld [tilespmem:s30+$0x0];
	v20 =	vadd.f32 $1.000000000e+00, v26;
	v22 =	vpop (erf);
	v18 =	vmul.f32 v15, v23;
	v15 =	vmul.f32 v15, v25  }
0x149: {  	v24 =	vsub.f32 $0.0e+00, v24;
	v26 =	vld [tilespmem:s28+$0x0];
	v22 =	vadd.f32 $1.000000000e+00, v22  }
0x14a: {  	s2 =	simm.s32 $0x9;
	s5 =	simm.s32 $0xA;
	(erf) = vrcp.f32 v20;
	[tilespmem:s23+$0xE0] =	vst v15;
	v15 =	vadd.f32 v17, v28;
	v17 =	vmul.f32 $1.442695020e+00, v19  }
0x14b: {  	v29 =	vmov s2;
	v31 =	vmov s5;
	(erf) = vrcp.f32 v22  }
0x14c: {  	v30 =	vld [tilespmem:s22+$0xFFFFFF60];
	v24 =	vmul.f32 $1.442695020e+00, v24;
	[tilespmem:s23+$0xA0] =	vst v18;
	v19 =	vpop (erf);
	(erf) = vpow2.f32 v17;
	v17 =	vand.u32 $0xFFFFFFFE, v31  }
0x14d: {  	v16 =	vbroadcast v16, $0x0;
	v18 =	vand.u32 $0xFFFFFFFD, v29;
	v27 =	vld [tilespmem:s26+$0xB0];
	v19 =	vadd.f32 $1.000000000e+00, v19  }
0x14e: {  	v18 =	vbroadcast v18, $0x0;
	v28 =	vld [tilespmem:s22+$0xB0];
	v21 =	vadd.f32 v26, v21;
	v29 =	vpop (erf);
	v15 =	vsub.f32 $0.0e+00, v15  }
0x14f: {  	v20 =	vld [tilespmem:s22+$0xFFFFFFE0];
	(erf) = vrcp.f32 v19;
	v19 =	vbroadcast v17, $0x0;
	v17 =	vpop (erf)  }
0x150: {  	v21 =	vsub.f32 $0.0e+00, v21;
	v31 =	vld [tilespmem:s24+$0xD0];
	v15 =	vmul.f32 $1.442695020e+00, v15;
	v17 =	vadd.f32 $1.000000000e+00, v17  }
0x151: {  	v34 =	vld [tilespmem:s28+$0xFFFFFF40];
	v29 =	vmul.f32 v29, v30;
	(erf) = vpow2.f32 v24;
	v33 =	vpop (erf)  }
0x152: {  	v32 =	vld [tilespmem:s24+$0xFFFFFFD0];
	v21 =	vmul.f32 $1.442695020e+00, v21;
	(erf) = vpow2.f32 v15;
	v30 =	vpop (erf)  }
0x153: {  	v22 =	vld [tilespmem:s22+$0x60];
	v27 =	vadd.f32 v28, v27;
	v15 =	vadd.f32 $1.000000000e+00, v30;
	v30 =	vpop (erf);
	(erf) = vrcp.f32 v17  }
0x154: {  	v26 =	vld [tilespmem:s24+$0xFFFFFF50];
	v20 =	vmul.f32 v33, v20;
	(erf) = vpow2.f32 v21;
	v17 =	vpop (erf)  }
0x155: {  	v24 =	vld [tilespmem:s24+$0x50];
	v27 =	vsub.f32 $0.0e+00, v27;
	v21 =	vmul.f32 v29, v6;
	v31 =	vmul.f32 v17, v31  }
0x156: {  	v29 =	vmul.f32 v29, v3;
	(erf) = vrcp.f32 v15;
	v15 =	vld.idx.msk [tilespmem:v18+s12+$0x0], $0xffff  }
0x157: {  	v17 =	vld.idx.msk [tilespmem:v16+s12+$0x0], $0xffff;
	[tilespmem:s23+$0xFFFFFF20] =	vst v21;
	v21 =	vmul.f32 $1.442695020e+00, v27;
	v27 =	vmul.f32 v31, v14  }
0x158: {  	v18 =	vpop (erf);
	v16 =	vld.idx.msk [tilespmem:v19+s12+$0x0], $0xffff;
	[tilespmem:s23+$0xFFFFFF60] =	vst v29;
	v19 =	vmul.f32 v31, v10  }
0x159: {  	s6 =	simm.s32 $0xB;
	v33 =	vmul.f32 v20, v5;
	v18 =	vadd.f32 $1.000000000e+00, v18;
	v31 =	vpop (erf);
	[tilespmem:s25+$0x90] =	vst v27;
	v27 =	vld [tilespmem:s26+$0xFFFFFF30]  }
0x15a: {  	v20 =	vmul.f32 v20, v2;
	(erf) = vpow2.f32 v21;
	v21 =	vmov s6;
	[tilespmem:s25+$0xD0] =	vst v19;
	v19 =	vld [tilespmem:s22+$0xFFFFFF30];
	v29 =	vpop (erf)  }
0x15b: {  	(erf) = vrcp.f32 v18;
	v26 =	vmul.f32 v31, v26;
	v31 =	vld [tilespmem:s29+$0xA0];
	v18 =	vadd.f32 $1.000000000e+00, v29;
	v29 =	vpop (erf)  }
0x15c: {  	v36 =	vld [tilespmem:s24+$0xA0];
	v37 =	vpop (erf)  }
0x15d: {  	s31 =	simm.s32 $0xE700;
	v35 =	vld [tilespmem:s28+$0x40];
	v45 =	vmul.f32 v26, v12;
	v29 =	vadd.f32 $1.000000000e+00, v29;
	v32 =	vmul.f32 v37, v32  }
0x15e: {  	v43 =	vld [tilespmem:s31+$0x80];
	[tilespmem:s23+$0xFFFFFFE0] =	vst v20;
	v26 =	vmul.f32 v26, v9;
	(erf) = vrcp.f32 v18;
	v20 =	vpop (erf)  }
0x15f: {  	v18 =	vld.idx.msk [tilespmem:v21+s12+$0x0], $0xffff;
	[tilespmem:s25+$0xFFFFFF10] =	vst v45;
	(erf) = vrcp.f32 v29;
	v21 =	vpop (erf);
	v29 =	vmul.f32 v32, v13  }
0x160: {  	v22 =	vmul.f32 v30, v22;
	v20 =	vadd.f32 $1.000000000e+00, v20;
	[tilespmem:s25+$0xFFFFFF50] =	vst v26;
	v26 =	vld [tilespmem:s28+$0xC0];
	v21 =	vmul.f32 v21, v24  }
0x161: {  	v28 =	vld [tilespmem:s28+$0xFFFFFFC0];
	v19 =	vadd.f32 v19, v27;
	v30 =	vmul.f32 v32, v8;
	[tilespmem:s25+$0xFFFFFF90] =	vst v29;
	v29 =	vadd.f32 v36, v31  }
0x162: {  	v24 =	vld [tilespmem:s29+$0xFFFFFF20];
	(erf) = vrcp.f32 v20;
	v20 =	vmul.f32 v21, v11  }
0x163: {  	v47 =	vld [tilespmem:s24+$0xFFFFFF20];
	v48 =	vpop (erf);
	v19 =	vsub.f32 $0.0e+00, v19;
	v21 =	vmul.f32 v21, v7;
	[tilespmem:s25+$0xFFFFFFD0] =	vst v30;
	v29 =	vsub.f32 $0.0e+00, v29  }
0x164: {  	v31 =	vmul.f32 v22, v4;
	v30 =	vmul.f32 v22, v1;
	v22 =	vadd.f32 $1.000000000e+00, v48;
	v49 =	vpop (erf);
	v50 =	vld [tilespmem:s29+$0xFFFFFFA0];
	[tilespmem:s25+$0x10] =	vst v20  }
0x165: {  	v51 =	vld [tilespmem:s24+$0xFFFFFFA0];
	v20 =	vsub.f32 $1.000000000e+00, v18;
	v26 =	vmul.f32 v49, v26;
	[tilespmem:s25+$0x50] =	vst v21;
	v21 =	vmul.f32 $1.442695020e+00, v29  }
0x166: {  	(erf) = vrcp.f32 v22;
	v38 =	vld [tilespmem:s29+$0x20];
	v29 =	vmul.f32 $1.442695020e+00, v19  }
0x167: {  	[tilespmem:s23+$0xFFFFFFA0] =	vst v33;
	v40 =	vld [tilespmem:s24+$0x20];
	v39 =	vmul.f32 v26, v20;
	v42 =	vmul.f32 v26, v18;
	v41 =	vpop (erf)  }
0x168: {  	s5 =	simm.s32 $0x12500;
	v52 =	vld [tilespmem:s22+$0xF0];
	v22 =	vsub.f32 $1.000000000e+00, v17;
	[tilespmem:s23+$0x20] =	vst v31;
	(erf) = vpow2.f32 v21;
	v34 =	vmul.f32 v41, v34  }
0x169: {  	v46 =	vld [tilespmem:s26+$0xFFFFFFB0];
	v32 =	vadd.f32 v47, v24;
	v19 =	vsub.f32 $1.000000000e+00, v15;
	[tilespmem:s5+$0x80] =	vst v39;
	(erf) = vpow2.f32 v29;
	v21 =	vpop (erf)  }
0x16a: {  	v58 =	vld [tilespmem:s22+$0xFFFFFFB0];
	[tilespmem:s5+$0xC0] =	vst v42;
	v31 =	vadd.f32 v51, v50;
	v53 =	vmul.f32 v34, v22;
	v28 =	vmul.f32 v21, v28  }
0x16b: {  	[tilespmem:s23+$0x60] =	vst v30;
	v32 =	vsub.f32 $0.0e+00, v32;
	v54 =	vld [tilespmem:s30+$0x90];
	v30 =	vmul.f32 v34, v17  }
0x16c: {  	s2 =	sadd.s32 $0x200, s30;
	v55 =	vld [tilespmem:s28+$0x90];
	v56 =	vadd.f32 v40, v38;
	v31 =	vsub.f32 $0.0e+00, v31;
	v29 =	vpop (erf);
	[tilespmem:s5+$0xFFFFFF00] =	vst v53;
	v57 =	vmul.f32 v28, v19  }
0x16d: {  	v37 =	vld [tilespmem:s2+$0x0];
	v21 =	vsub.f32 $1.000000000e+00, v16;
	v29 =	vmul.f32 v29, v35;
	[tilespmem:s5+$0xFFFFFF40] =	vst v30;
	v28 =	vmul.f32 v28, v15  }
0x16e: {  	v30 =	vmul.f32 $1.442695020e+00, v32;
	v60 =	vsub.f32 $0.0e+00, v56;
	v31 =	vmul.f32 $1.442695020e+00, v31;
	v61 =	vld [tilespmem:s30+$0xFFFFFF10];
	[tilespmem:s5+$0xFFFFFF80] =	vst v57  }
0x16f: {  	v63 =	vld [tilespmem:s28+$0xFFFFFF10];
	v59 =	vmul.f32 v29, v21;
	[tilespmem:s5+$0xFFFFFFC0] =	vst v28  }
0x170: {  	(erf) = vpow2.f32 v30;
	v28 =	vmul.f32 $1.442695020e+00, v60;
	v44 =	vld [tilespmem:s30+$0xFFFFFF90]  }
0x171: {  	v62 =	vpop (erf);
	v29 =	vmul.f32 v29, v16;
	v30 =	vadd.f32 v55, v54;
	(erf) = vpow2.f32 v31;
	v45 =	vld [tilespmem:s28+$0xFFFFFF90]  }
0x172: {  	v27 =	vld [tilespmem:s24+$0xFFFFFF60];
	[tilespmem:s5+$0x0] =	vst v59;
	v31 =	vpop (erf);
	(erf) = vpow2.f32 v28;
	v28 =	vadd.f32 v58, v46  }
0x173: {  	v24 =	vld [tilespmem:s24+$0x60];
	[tilespmem:s5+$0x40] =	vst v29;
	v30 =	vsub.f32 $0.0e+00, v30;
	v46 =	vmul.f32 v62, v52;
	v29 =	vadd.f32 $1.000000000e+00, v31;
	v47 =	vpop (erf)  }
0x174: {  	v48 =	vld [tilespmem:s28+$0x10];
	v36 =	vadd.f32 $1.000000000e+00, v47;
	v28 =	vsub.f32 $0.0e+00, v28  }
0x175: {  	v31 =	vld [tilespmem:s30+$0x10];
	v49 =	vmul.f32 v46, v25;
	v25 =	vadd.f32 v63, v61;
	(erf) = vrcp.f32 v29  }
0x176: {  	v35 =	vld [tilespmem:s26+$0x30];
	v50 =	vmul.f32 $1.442695020e+00, v30;
	v32 =	vadd.f32 v45, v44  }
0x177: {  	v55 =	vld [tilespmem:s22+$0x30];
	v52 =	vmul.f32 $1.442695020e+00, v28;
	(erf) = vrcp.f32 v36;
	v25 =	vsub.f32 $0.0e+00, v25  }
0x178: {  	s6 =	simm.s32 $0xC;
	v26 =	vld [tilespmem:s24+$0xFFFFFFE0];
	(erf) = vpow2.f32 v50;
	v32 =	vsub.f32 $0.0e+00, v32  }
0x179: {  	v51 =	vmov s6;
	v39 =	vld [tilespmem:s31+$0xFFFFFF80];
	(erf) = vpow2.f32 v52;
	v25 =	vmul.f32 $1.442695020e+00, v25  }
0x17a: {  	s7 =	simm.s32 $0xD;
	v57 =	vld [tilespmem:s24+$0xE0];
	v33 =	vmul.f32 v46, v23;
	v56 =	vadd.f32 v48, v31;
	v58 =	vpop (erf);
	v23 =	vmul.f32 $1.442695020e+00, v32  }
0x17b: {  	v38 =	vld [tilespmem:s31+$0xFFFFFF00];
	v53 =	vand.u32 $0xFFFFFFFC, v51;
	v54 =	vmov s7;
	v60 =	vadd.f32 $1.000000000e+00, v58  }
0x17c: {  	v59 =	vld [tilespmem:s2+$0x80];
	v35 =	vadd.f32 v55, v35;
	v61 =	vpop (erf);
	v62 =	vsub.f32 $0.0e+00, v56;
	(erf) = vpow2.f32 v25  }
0x17d: {  	v40 =	vld [tilespmem:s31+$0x0];
	v31 =	vbroadcast v53, $0x0;
	v44 =	vadd.f32 $1.000000000e+00, v61;
	(erf) = vrcp.f32 v60;
	v25 =	vpop (erf)  }
0x17e: {  	v36 =	vld [tilespmem:s2+$0xFFFFFF00];
	v35 =	vsub.f32 $0.0e+00, v35;
	v46 =	vmul.f32 $1.442695020e+00, v62;
	(erf) = vpow2.f32 v23;
	v23 =	vpop (erf)  }
0x17f: {  	v30 =	vld [tilespmem:s28+$0xFFFFFFD0];
	v45 =	vadd.f32 $1.000000000e+00, v25;
	(erf) = vrcp.f32 v44;
	v47 =	vmul.f32 v23, v57  }
0x180: {  	v34 =	vand.u32 $0xFFFFFFFD, v54;
	v41 =	vmul.f32 $1.442695020e+00, v35;
	v25 =	vld [tilespmem:s2+$0xFFFFFF80];
	(erf) = vpow2.f32 v46;
	v23 =	vpop (erf)  }
0x181: {  	s17 =	simm.s32 $0xE;
	v29 =	vld [tilespmem:s28+$0xFFFFFF50];
	[tilespmem:s23+$0xF0] =	vst v49;
	v42 =	vadd.f32 v43, v59;
	(erf) = vrcp.f32 v45;
	v63 =	vpop (erf);
	v43 =	vmul.f32 v47, v14  }
0x182: {  	s0 =	simm.s32 $0x12500;
	s7 =	simm.s32 $0x10;
	v28 =	vld [tilespmem:s28+$0x50];
	[tilespmem:s23+$0xB0] =	vst v33;
	v32 =	vmov s17;
	v44 =	vadd.f32 $1.000000000e+00, v63;
	v45 =	vmul.f32 v47, v10;
	v35 =	vpop (erf)  }
.LBB2_6:
0x183: {  	p3 =	slt.u32 s7, $0x3C;
	v33 =	vld [tilespmem:s31+$0xFFFFFF40];
	v36 =	vadd.f32 v38, v36;
	v32 =	vand.u32 $0xFFFFFFFE, v32;
	v38 =	vsub.f32 $0.0e+00, v42;
	[tilespmem:s25+$0xA0] =	vst v43  }
0x184: {  	v42 =	vbroadcast v34, $0x0;
	v43 =	vadd.f32 $1.000000000e+00, v35;
	v34 =	vld [tilespmem:s31+$0xFFFFFFC0];
	(erf) = vrcp.f32 v44;
	[tilespmem:s25+$0xE0] =	vst v45  }
0x185: {  	v36 =	vsub.f32 $0.0e+00, v36;
	v25 =	vadd.f32 v39, v25;
	v47 =	vmul.f32 $1.442695020e+00, v38;
	v35 =	vpop (erf);
	v39 =	vld [tilespmem:s29+$0xB0]  }
0x186: {  	v44 =	vbroadcast v32, $0x0;
	v48 =	vadd.f32 $1.000000000e+00, v35;
	v45 =	vld [tilespmem:s24+$0xB0];
	v46 =	vpop (erf);
	(erf) = vpow2.f32 v41  }
0x187: {  	v25 =	vsub.f32 $0.0e+00, v25;
	v35 =	vld [tilespmem:s31+$0x40];
	v37 =	vadd.f32 v40, v37;
	(erf) = vpow2.f32 v47;
	v38 =	vpop (erf)  }
0x188: {  	v36 =	vmul.f32 $1.442695020e+00, v36;
	v38 =	vadd.f32 $1.000000000e+00, v38;
	(erf) = vrcp.f32 v48;
	v32 =	vpop (erf);
	v40 =	vld [tilespmem:s22+$0xFFFFFF70]  }
0x189: {  	v27 =	vmul.f32 v46, v27;
	v25 =	vmul.f32 $1.442695020e+00, v25;
	v37 =	vsub.f32 $0.0e+00, v37;
	v41 =	vld [tilespmem:s28+$0xD0];
	v47 =	vpop (erf)  }
0x18a: {  	v46 =	vmul.f32 v32, v26;
	(erf) = vpow2.f32 v36;
	v36 =	vadd.f32 $1.000000000e+00, v47;
	v47 =	vpop (erf);
	v26 =	vld [tilespmem:s22+$0xFFFFFFF0]  }
0x18b: {  	v48 =	vmul.f32 $1.442695020e+00, v37;
	(erf) = vpow2.f32 v25;
	v25 =	vadd.f32 v45, v39;
	v32 =	vld [tilespmem:s22+$0x70];
	s22 =	smov.u32 s24;
	s24 =	smov.u32 s28;
	s28 =	smov.u32 s31  }
0x18c: {  	v24 =	vmul.f32 v47, v24;
	(erf) = vrcp.f32 v38  }
0x18d: {  	v38 =	vmul.f32 v27, v12;
	(erf) = vpow2.f32 v48;
	v37 =	vpop (erf);
	v45 =	vsub.f32 $0.0e+00, v25  }
0x18e: {  	v37 =	vmul.f32 v37, v41;
	(erf) = vrcp.f32 v36  }
0x18f: {  	v27 =	vmul.f32 v27, v9;
	v36 =	vld.idx.msk [tilespmem:v31+s12+$0x0], $0xffff;
	[tilespmem:s25+$0xFFFFFF20] =	vst v38;
	v38 =	vmul.f32 $1.442695020e+00, v45;
	v25 =	vpop (erf)  }
0x190: {  	v31 =	vld.idx.msk [tilespmem:v42+s12+$0x0], $0xffff;
	v39 =	vpop (erf);
	v41 =	vmul.f32 v37, v20;
	v42 =	vmul.f32 v46, v13;
	v45 =	vadd.f32 $1.000000000e+00, v25  }
0x191: {  	s17 =	sadd.s32 $0x3, s6;
	s6 =	smov.u32 s7;
	v37 =	vmul.f32 v37, v18;
	v25 =	vld.idx.msk [tilespmem:v44+s12+$0x0], $0xffff;
	v39 =	vadd.f32 $1.000000000e+00, v39;
	v44 =	vpop (erf);
	[tilespmem:s25+$0xFFFFFF60] =	vst v27;
	(erf) = vpow2.f32 v38  }
0x192: {  	v27 =	vmov s17;
	v50 =	vmul.f32 v44, v29;
	[tilespmem:s5+$0x90] =	vst v41;
	v38 =	vld [tilespmem:s29+$0xFFFFFF30];
	v41 =	vmul.f32 v46, v8  }
0x193: {  	v44 =	vpop (erf);
	(erf) = vrcp.f32 v39;
	[tilespmem:s5+$0xD0] =	vst v37;
	v37 =	vld [tilespmem:s22+$0xFFFFFF30];
	v39 =	vmul.f32 v24, v11  }
0x194: {  	v44 =	vadd.f32 $1.000000000e+00, v44;
	v46 =	vpop (erf);
	v47 =	vmul.f32 v50, v22;
	v48 =	vmul.f32 v50, v17;
	v49 =	vld [tilespmem:s30+$0xA0];
	[tilespmem:s25+$0xFFFFFFA0] =	vst v42  }
0x195: {  	v24 =	vmul.f32 v24, v7;
	v42 =	vadd.f32 $1.000000000e+00, v46;
	v46 =	vld [tilespmem:s24+$0xA0];
	v29 =	vpop (erf);
	[tilespmem:s25+$0xFFFFFFE0] =	vst v41;
	(erf) = vrcp.f32 v43  }
0x196: {  	(erf) = vrcp.f32 v44;
	v41 =	vpop (erf);
	[tilespmem:s5+$0xFFFFFF10] =	vst v47;
	v43 =	vmul.f32 v29, v30;
	v29 =	vld [tilespmem:s29+$0xFFFFFFB0]  }
0x197: {  	v23 =	vmul.f32 v23, v40;
	v41 =	vadd.f32 $1.000000000e+00, v41;
	v30 =	vld.idx.msk [tilespmem:v27+s12+$0x0], $0xffff;
	(erf) = vrcp.f32 v42;
	[tilespmem:s5+$0xFFFFFF50] =	vst v48;
	v27 =	vpop (erf)  }
0x198: {  	v40 =	vld [tilespmem:s31+$0xC0];
	v42 =	vmul.f32 v43, v19;
	v27 =	vmul.f32 v27, v28;
	v28 =	vadd.f32 v37, v38;
	[tilespmem:s25+$0x20] =	vst v39  }
0x199: {  	v38 =	vmul.f32 v43, v15;
	(erf) = vrcp.f32 v41;
	v37 =	vld [tilespmem:s30+$0xFFFFFF20];
	[tilespmem:s25+$0x60] =	vst v24  }
0x19a: {  	v24 =	vld [tilespmem:s24+$0xFFFFFF20];
	[tilespmem:s5+$0xFFFFFF90] =	vst v42;
	v39 =	vmul.f32 v27, v21;
	v41 =	vmul.f32 v27, v16;
	v42 =	vadd.f32 v46, v49;
	v43 =	vpop (erf)  }
0x19b: {  	v28 =	vsub.f32 $0.0e+00, v28;
	v27 =	vld [tilespmem:s24+$0xFFFFFF60];
	[tilespmem:s5+$0xFFFFFFD0] =	vst v38;
	v38 =	vadd.f32 $1.000000000e+00, v43;
	(erf) = vrcp.f32 v45  }
0x19c: {  	v46 =	vmul.f32 v23, v6;
	v43 =	vpop (erf);
	v44 =	vld [tilespmem:s30+$0xFFFFFFA0];
	[tilespmem:s5+$0x10] =	vst v39;
	v39 =	vsub.f32 $0.0e+00, v42;
	v42 =	vmul.f32 v23, v3  }
0x19d: {  	v23 =	vsub.f32 $1.000000000e+00, v30;
	v3 =	vmovc v9;
	v9 =	vmovc v17;
	v47 =	vmul.f32 v43, v40;
	v43 =	vld [tilespmem:s24+$0xFFFFFFA0];
	[tilespmem:s5+$0x50] =	vst v41;
	(erf) = vrcp.f32 v38  }
0x19e: {  	v28 =	vmul.f32 $1.442695020e+00, v28;
	v38 =	vsub.f32 $1.000000000e+00, v36;
	v41 =	vld [tilespmem:s30+$0x20];
	v48 =	vmul.f32 $1.442695020e+00, v39;
	[tilespmem:s23+$0xFFFFFF30] =	vst v46;
	v6 =	vpop (erf)  }
0x19f: {  	v39 =	vmul.f32 v47, v23;
	v45 =	vpop (erf);
	v24 =	vadd.f32 v24, v37;
	v37 =	vld [tilespmem:s24+$0x20];
	[tilespmem:s23+$0xFFFFFF70] =	vst v42;
	v42 =	vmul.f32 v6, v26  }
0x1a0: {  	s5 =	sadd.s32 $0x200, s5;
	v46 =	vsub.f32 $1.000000000e+00, v31;
	v47 =	vmul.f32 v47, v30;
	v40 =	vpop (erf);
	v26 =	vld [tilespmem:s24+$0xFFFFFFE0];
	(erf) = vpow2.f32 v48  }
0x1a1: {  	v17 =	vmovc v36;
	v33 =	vmul.f32 v45, v33;
	v34 =	vmul.f32 v40, v34;
	[tilespmem:s5+$0x80] =	vst v39;
	v39 =	vsub.f32 $0.0e+00, v24;
	v24 =	vld [tilespmem:s24+$0x60]  }
0x1a2: {  	v5 =	vmul.f32 v42, v5;
	[tilespmem:s5+$0xC0] =	vst v47;
	v6 =	vpop (erf);
	v36 =	vadd.f32 v43, v44;
	v40 =	vld [tilespmem:s22+$0xF0];
	(erf) = vpow2.f32 v28  }
0x1a3: {  	v28 =	vmul.f32 v33, v38;
	v43 =	vsub.f32 $1.000000000e+00, v25;
	v35 =	vmul.f32 v6, v35;
	v44 =	vld [tilespmem:s2+$0x90];
	v6 =	vmovc v12;
	v12 =	vmovc v22  }
0x1a4: {  	v33 =	vmul.f32 v33, v17;
	v45 =	vmul.f32 v34, v46;
	v47 =	vld [tilespmem:s31+$0x90];
	v37 =	vadd.f32 v37, v41;
	[tilespmem:s23+$0xFFFFFFB0] =	vst v5;
	v41 =	vpop (erf)  }
0x1a5: {  	v22 =	vmovc v38;
	v49 =	vsub.f32 $0.0e+00, v36;
	[tilespmem:s5+$0xFFFFFF00] =	vst v28;
	v28 =	vmul.f32 v34, v31;
	v34 =	vmul.f32 v35, v43;
	v36 =	vld [tilespmem:s22+$0xFFFFFFB0]  }
0x1a6: {  	[tilespmem:s5+$0xFFFFFF40] =	vst v33;
	v33 =	vmul.f32 v35, v25;
	v35 =	vmul.f32 $1.442695020e+00, v39;
	v50 =	vsub.f32 $0.0e+00, v37;
	v39 =	vld [tilespmem:s29+$0x30];
	v38 =	vpop (erf);
	s29 =	smov.u32 s30;
	s30 =	smov.u32 s2  }
0x1a7: {  	v5 =	vmovc v13;
	v13 =	vmovc v19;
	v19 =	vmov v46;
	v48 =	vld [tilespmem:s2+$0xFFFFFF10];
	[tilespmem:s5+$0xFFFFFF80] =	vst v45;
	v45 =	vmul.f32 $1.442695020e+00, v49;
	v38 =	vmul.f32 v38, v40  }
0x1a8: {  	v40 =	vmov s7;
	v46 =	vld [tilespmem:s31+$0xFFFFFF10];
	[tilespmem:s5+$0xFFFFFFC0] =	vst v28;
	v28 =	vmul.f32 $1.442695020e+00, v50;
	(erf) = vpow2.f32 v35  }
0x1a9: {  	v35 =	vld [tilespmem:s2+$0xFFFFFF90];
	[tilespmem:s5+$0x0] =	vst v34;
	v34 =	vadd.f32 v47, v44;
	(erf) = vpow2.f32 v45;
	v37 =	vpop (erf);
	v44 =	vmul.f32 v38, v10  }
0x1aa: {  	v10 =	vmovc v18;
	v18 =	vmovc v30;
	v45 =	vld [tilespmem:s31+$0xFFFFFF90];
	[tilespmem:s5+$0x40] =	vst v33;
	v33 =	vadd.f32 $1.000000000e+00, v37;
	(erf) = vpow2.f32 v28;
	v28 =	vadd.f32 v36, v29  }
0x1ab: {  	v32 =	vmul.f32 v41, v32;
	v36 =	vld [tilespmem:s2+$0x10];
	v30 =	vsub.f32 $0.0e+00, v34;
	[tilespmem:s25+$0xF0] =	vst v44;
	v29 =	vpop (erf);
	v34 =	vmul.f32 v42, v2  }
0x1ac: {  	v2 =	vmovc v8;
	v8 =	vmovc v15;
	v37 =	vld [tilespmem:s31+$0x10];
	(erf) = vrcp.f32 v33;
	v33 =	vadd.f32 $1.000000000e+00, v29;
	v28 =	vsub.f32 $0.0e+00, v28  }
0x1ad: {  	v15 =	vmovc v31;
	v29 =	vld [tilespmem:s31+$0xFFFFFF50];
	v41 =	vadd.f32 v46, v48;
	v42 =	vmul.f32 $1.442695020e+00, v30;
	[tilespmem:s23+$0xFFFFFFF0] =	vst v34;
	v34 =	vmul.f32 v32, v4  }
0x1ae: {  	v31 =	vand.u32 $0xFFFFFFFC, v40;
	v4 =	vmovc v11;
	v11 =	vmovc v21;
	v30 =	vld [tilespmem:s31+$0xFFFFFFD0];
	v40 =	vmul.f32 $1.442695020e+00, v28;
	(erf) = vrcp.f32 v33  }
0x1af: {  	s17 =	sadd.s32 $0x1, s7;
	v21 =	vmovc v43;
	v33 =	vsub.f32 $0.0e+00, v41;
	v35 =	vadd.f32 v45, v35;
	v28 =	vld [tilespmem:s31+$0x50];
	(erf) = vpow2.f32 v42;
	[tilespmem:s23+$0x30] =	vst v34  }
0x1b0: {  	v32 =	vmul.f32 v32, v1;
	v1 =	vmovc v7;
	v7 =	vmovc v16;
	v34 =	vmov s17;
	v41 =	vld [tilespmem:s22+$0x30];
	(erf) = vpow2.f32 v40  }
0x1b1: {  	s2 =	sadd.s32 $0x200, s2;
	v45 =	vmul.f32 $1.442695020e+00, v33;
	v33 =	vsub.f32 $0.0e+00, v35;
	v35 =	vadd.f32 v37, v36;
	v37 =	vld [tilespmem:s24+$0xE0];
	v36 =	vpop (erf)  }
0x1b2: {  	v38 =	vmul.f32 v38, v14;
	v31 =	vbroadcast v31, $0x0;
	s31 =	sadd.s32 $0x200, s31;
	v40 =	vld [tilespmem:s2+$0x80];
	v42 =	vadd.f32 $1.000000000e+00, v36;
	v43 =	vpop (erf);
	[tilespmem:s23+$0x70] =	vst v32;
	s23 =	smov.u32 s25;
	s25 =	smov.u32 s0  }
0x1b3: {  	s0 =	smov.u32 s5;
	v44 =	vld [tilespmem:s31+$0x80];
	v32 =	vmul.f32 $1.442695020e+00, v33;
	v33 =	vsub.f32 $0.0e+00, v35;
	(erf) = vpow2.f32 v45;
	v16 =	vpop (erf)  }
0x1b4: {  	v14 =	vmovc v20;
	v35 =	vadd.f32 $1.000000000e+00, v43;
	v36 =	vld [tilespmem:s2+$0xFFFFFF00];
	v45 =	vadd.f32 $1.000000000e+00, v16;
	(erf) = vrcp.f32 v42;
	[tilespmem:s23+$0xB0] =	vst v38;
	v16 =	vmovc v25  }
.Ltmp6:
0x1b5: {  	s17 =	sadd.s32 $0x2, s7;
	v38 =	vld [tilespmem:s31+$0xFFFFFF00];
	v33 =	vmul.f32 $1.442695020e+00, v33;
	(erf) = vpow2.f32 v32;
	v20 =	vpop (erf);
	v41 =	vadd.f32 v41, v39;
	(pc) =	sbr.rel @p3 .LBB2_6-.Ltmp6, $4  }
0x1b6: {  	v32 =	vmov s17;
	v25 =	vld [tilespmem:s2+$0xFFFFFF80];
	v46 =	vmul.f32 v20, v37;
	(erf) = vrcp.f32 v35;
	v20 =	vmovc v23  }
0x1b7: {  	v34 =	vand.u32 $0xFFFFFFFD, v34;
	v39 =	vld [tilespmem:s31+$0xFFFFFF80];
	(erf) = vpow2.f32 v33;
	v33 =	vsub.f32 $0.0e+00, v41;
	v23 =	vpop (erf)  }
0x1b8: {  	v37 =	vld [tilespmem:s2+$0x0];
	v42 =	vadd.f32 v44, v40;
	v35 =	vpop (erf);
	v43 =	vmul.f32 v46, v14;
	(erf) = vrcp.f32 v45  }
0x1b9: {  	s7 =	sadd.s32 $0x4, s7;
	v45 =	vmul.f32 v46, v10;
	v40 =	vld [tilespmem:s31+$0x0];
	v44 =	vadd.f32 $1.000000000e+00, v35;
	v41 =	vmul.f32 $1.442695020e+00, v33;
	v35 =	vpop (erf)  }
0x1ba: {  	v33 =	vsub.f32 $0.0e+00, v42  }
0x1bb: {  	[tilespmem:s25+$0xA0] =	vst v43  }
0x1bc: {  	v36 =	vadd.f32 v38, v36;
	(erf) = vrcp.f32 v44;
	[tilespmem:s25+$0xE0] =	vst v45;
	v33 =	vmul.f32 $1.442695020e+00, v33  }
0x1bd: {  	v25 =	vadd.f32 v39, v25;
	v62 =	vpop (erf);
	v63 =	vld [tilespmem:s29+$0xB0];
	(erf) = vpow2.f32 v41  }
0x1be: {  	v36 =	vsub.f32 $0.0e+00, v36;
	v45 =	vld [tilespmem:s24+$0xB0];
	v38 =	vadd.f32 $1.000000000e+00, v62;
	(erf) = vpow2.f32 v33  }
0x1bf: {  	v25 =	vsub.f32 $0.0e+00, v25;
	v46 =	vadd.f32 v40, v37  }
0x1c0: {  	v61 =	vbroadcast v34, $0x0;
	v47 =	vpop (erf);
	v36 =	vmul.f32 $1.442695020e+00, v36  }
0x1c1: {  	v49 =	vld [tilespmem:s28+$0xD0];
	v48 =	vpop (erf);
	(erf) = vrcp.f32 v38;
	v25 =	vmul.f32 $1.442695020e+00, v25;
	v33 =	vsub.f32 $0.0e+00, v46  }
0x1c2: {  	v27 =	vmul.f32 v47, v27;
	v40 =	vadd.f32 $1.000000000e+00, v48;
	v42 =	vpop (erf);
	(erf) = vpow2.f32 v36  }
0x1c3: {  	v50 =	vpop (erf);
	v51 =	vadd.f32 v45, v63;
	v33 =	vmul.f32 $1.442695020e+00, v33;
	(erf) = vpow2.f32 v25  }
0x1c4: {  	v52 =	vadd.f32 $1.000000000e+00, v50;
	v36 =	vpop (erf);
	(erf) = vrcp.f32 v40  }
0x1c5: {  	v54 =	vmul.f32 v27, v12;
	v25 =	vsub.f32 $0.0e+00, v51;
	(erf) = vpow2.f32 v33;
	v53 =	vpop (erf)  }
0x1c6: {  	v33 =	vmul.f32 v53, v49;
	(erf) = vrcp.f32 v52;
	v37 =	vpop (erf)  }
0x1c7: {  	v41 =	vld [tilespmem:s31+$0xFFFFFFC0];
	v27 =	vmul.f32 v27, v9;
	v55 =	vmul.f32 $1.442695020e+00, v25;
	v56 =	vpop (erf)  }
0x1c8: {  	v38 =	vld [tilespmem:s31+$0xFFFFFF40];
	[tilespmem:s25+$0xFFFFFF20] =	vst v54;
	v57 =	vmul.f32 v33, v20;
	v58 =	vadd.f32 $1.000000000e+00, v56  }
0x1c9: {  	s6 =	sadd.s32 $0x3, s6;
	[tilespmem:s25+$0xFFFFFF60] =	vst v27;
	v27 =	vld.idx.msk [tilespmem:v61+s12+$0x0], $0xffff;
	v59 =	vmul.f32 v33, v18;
	(erf) = vpow2.f32 v55  }
0x1ca: {  	v60 =	vmov s6;
	v63 =	vld [tilespmem:s29+$0xFFFFFF30];
	v62 =	vpop (erf);
	[tilespmem:s5+$0x90] =	vst v57;
	(erf) = vrcp.f32 v58  }
0x1cb: {  	v32 =	vand.u32 $0xFFFFFFFE, v32;
	v49 =	vld [tilespmem:s24+$0xFFFFFF30];
	v29 =	vmul.f32 v62, v29;
	v48 =	vpop (erf);
	[tilespmem:s5+$0xD0] =	vst v59  }
0x1cc: {  	v35 =	vadd.f32 $1.000000000e+00, v35;
	v32 =	vbroadcast v32, $0x0;
	v51 =	vld [tilespmem:s30+$0xA0];
	v50 =	vpop (erf)  }
0x1cd: {  	v34 =	vadd.f32 $1.000000000e+00, v48;
	v53 =	vld [tilespmem:s28+$0xA0];
	v52 =	vmul.f32 v29, v22;
	v47 =	vmul.f32 v29, v17;
	v46 =	vpop (erf)  }
0x1ce: {  	v57 =	vld [tilespmem:s31+$0xC0];
	(erf) = vrcp.f32 v35;
	v54 =	vpop (erf);
	v30 =	vmul.f32 v46, v30  }
0x1cf: {  	v26 =	vmul.f32 v42, v26;
	v58 =	vadd.f32 $1.000000000e+00, v37;
	v29 =	vld.idx.msk [tilespmem:v60+s12+$0x0], $0xffff;
	(erf) = vrcp.f32 v34;
	[tilespmem:s5+$0xFFFFFF10] =	vst v52;
	v56 =	vpop (erf)  }
0x1d0: {  	v25 =	vld.idx.msk [tilespmem:v31+s12+$0x0], $0xffff;
	v40 =	vadd.f32 $1.000000000e+00, v50;
	[tilespmem:s5+$0xFFFFFF50] =	vst v47;
	v35 =	vmul.f32 v56, v28;
	v59 =	vmul.f32 v30, v19  }
0x1d1: {  	v31 =	vadd.f32 v49, v63;
	v55 =	vadd.f32 $1.000000000e+00, v54;
	v63 =	vld [tilespmem:s30+$0xFFFFFF20];
	v30 =	vmul.f32 v30, v15  }
0x1d2: {  	(erf) = vrcp.f32 v40;
	v50 =	vld [tilespmem:s28+$0xFFFFFF20];
	v61 =	vadd.f32 v53, v51;
	v62 =	vpop (erf);
	v60 =	vmul.f32 v35, v21;
	[tilespmem:s5+$0xFFFFFF90] =	vst v59  }
0x1d3: {  	v31 =	vsub.f32 $0.0e+00, v31;
	v28 =	vld.idx.msk [tilespmem:v32+s12+$0x0], $0xffff;
	(erf) = vrcp.f32 v55;
	v47 =	vmul.f32 v35, v16;
	[tilespmem:s5+$0xFFFFFFD0] =	vst v30;
	v49 =	vpop (erf)  }
0x1d4: {  	v39 =	vsub.f32 $0.0e+00, v61;
	v30 =	vsub.f32 $1.000000000e+00, v29;
	v51 =	vld [tilespmem:s30+$0xFFFFFFA0];
	[tilespmem:s5+$0x10] =	vst v60;
	v33 =	vmul.f32 v49, v57  }
0x1d5: {  	v31 =	vmul.f32 $1.442695020e+00, v31;
	v48 =	vadd.f32 $1.000000000e+00, v62;
	(erf) = vrcp.f32 v58;
	v52 =	vld [tilespmem:s28+$0xFFFFFFA0];
	[tilespmem:s5+$0x50] =	vst v47  }
0x1d6: {  	v53 =	vmul.f32 $1.442695020e+00, v39;
	v55 =	vld [tilespmem:s30+$0x20];
	v54 =	vmul.f32 v33, v30  }
0x1d7: {  	s17 =	sadd.s32 $0x200, s5;
	(erf) = vrcp.f32 v48;
	v57 =	vld [tilespmem:s28+$0x20];
	v56 =	vmul.f32 v33, v29  }
0x1d8: {  	v58 =	vmul.f32 v26, v13;
	v40 =	vadd.f32 v50, v63;
	(erf) = vpow2.f32 v53;
	v33 =	vpop (erf);
	[tilespmem:s17+$0x80] =	vst v54  }
0x1d9: {  	v34 =	vld [tilespmem:s31+$0x40];
	v60 =	vmul.f32 v26, v8;
	v26 =	vsub.f32 $1.000000000e+00, v27;
	(erf) = vpow2.f32 v31;
	[tilespmem:s17+$0xC0] =	vst v56;
	v59 =	vpop (erf)  }
0x1da: {  	v32 =	vsub.f32 $1.000000000e+00, v28;
	v31 =	vsub.f32 $1.000000000e+00, v25;
	v62 =	vld [tilespmem:s2+$0x90];
	v37 =	vmul.f32 v59, v38  }
0x1db: {  	v40 =	vsub.f32 $0.0e+00, v40;
	v35 =	vadd.f32 v52, v51;
	v63 =	vld [tilespmem:s31+$0x90];
	v61 =	vpop (erf)  }
0x1dc: {  	[tilespmem:s25+$0xFFFFFFA0] =	vst v58;
	v39 =	vadd.f32 v57, v55;
	v41 =	vmul.f32 v61, v41;
	v51 =	vmul.f32 v37, v31  }
0x1dd: {  	[tilespmem:s25+$0xFFFFFFE0] =	vst v60;
	v55 =	vsub.f32 $0.0e+00, v35;
	v57 =	vmul.f32 $1.442695020e+00, v40;
	v50 =	vpop (erf);
	v37 =	vmul.f32 v37, v25  }
0x1de: {  	v53 =	vld [tilespmem:s29+$0xFFFFFFB0];
	v39 =	vsub.f32 $0.0e+00, v39;
	v52 =	vmul.f32 v50, v34;
	v54 =	vmul.f32 v41, v26;
	[tilespmem:s17+$0xFFFFFF00] =	vst v51  }
0x1df: {  	v48 =	vld [tilespmem:s24+$0xFFFFFFB0];
	v42 =	vmul.f32 $1.442695020e+00, v55;
	v34 =	vpop (erf);
	v41 =	vmul.f32 v41, v27;
	[tilespmem:s17+$0xFFFFFF40] =	vst v37  }
0x1e0: {  	v35 =	vpop (erf);
	v39 =	vmul.f32 $1.442695020e+00, v39;
	v56 =	vmul.f32 v52, v32;
	v38 =	vadd.f32 v63, v62;
	v59 =	vld [tilespmem:s2+$0xFFFFFF10];
	[tilespmem:s17+$0xFFFFFF80] =	vst v54  }
0x1e1: {  	(erf) = vpow2.f32 v57;
	v58 =	vmul.f32 v52, v28;
	v61 =	vpop (erf);
	v60 =	vld [tilespmem:s31+$0xFFFFFF10];
	[tilespmem:s17+$0xFFFFFFC0] =	vst v41  }
0x1e2: {  	(erf) = vpow2.f32 v42;
	v37 =	vadd.f32 $1.000000000e+00, v61;
	v62 =	vpop (erf);
	v41 =	vld [tilespmem:s2+$0xFFFFFF90];
	[tilespmem:s17+$0x0] =	vst v56;
	v38 =	vsub.f32 $0.0e+00, v38  }
0x1e3: {  	v24 =	vmul.f32 v36, v24;
	(erf) = vpow2.f32 v39;
	v46 =	vld [tilespmem:s31+$0xFFFFFF90];
	[tilespmem:s17+$0x40] =	vst v58;
	v63 =	vadd.f32 $1.000000000e+00, v62  }
0x1e4: {  	v40 =	vld [tilespmem:s2+$0x10];
	(erf) = vrcp.f32 v37;
	v47 =	vmul.f32 $1.442695020e+00, v38  }
0x1e5: {  	v48 =	vadd.f32 v48, v53;
	v49 =	vld [tilespmem:s31+$0x10];
	(erf) = vrcp.f32 v63  }
0x1e6: {  	v52 =	vmul.f32 v24, v11;
	v50 =	vadd.f32 v60, v59;
	(erf) = vpow2.f32 v47  }
0x1e7: {  	v51 =	vsub.f32 $0.0e+00, v48;
	v24 =	vmul.f32 v24, v7  }
0x1e8: {  	[tilespmem:s25+$0x20] =	vst v52;
	v53 =	vadd.f32 v46, v41;
	v36 =	vsub.f32 $0.0e+00, v50  }
0x1e9: {  	v56 =	vld [tilespmem:s28+$0xE0];
	[tilespmem:s25+$0x60] =	vst v24;
	v37 =	vmul.f32 $1.442695020e+00, v51  }
0x1ea: {  	v62 =	vld [tilespmem:s24+$0x30];
	v55 =	vadd.f32 v49, v40;
	v57 =	vpop (erf);
	v54 =	vsub.f32 $0.0e+00, v53;
	v36 =	vmul.f32 $1.442695020e+00, v36  }
0x1eb: {  	v60 =	vld [tilespmem:s29+$0x30];
	(erf) = vpow2.f32 v37;
	v58 =	vadd.f32 $1.000000000e+00, v57;
	v59 =	vpop (erf)  }
0x1ec: {  	v39 =	vsub.f32 $0.0e+00, v55;
	v61 =	vpop (erf);
	v38 =	vmul.f32 $1.442695020e+00, v54;
	(erf) = vpow2.f32 v36  }
0x1ed: {  	v37 =	vadd.f32 $1.000000000e+00, v59;
	v63 =	vpop (erf);
	(erf) = vrcp.f32 v58  }
0x1ee: {  	v39 =	vmul.f32 $1.442695020e+00, v39;
	v24 =	vpop (erf);
	(erf) = vpow2.f32 v38  }
0x1ef: {  	v36 =	vadd.f32 $1.000000000e+00, v61;
	v43 =	vmul.f32 v63, v56;
	(erf) = vrcp.f32 v37;
	v44 =	vpop (erf)  }
0x1f0: {  	v46 =	vadd.f32 v62, v60;
	(erf) = vpow2.f32 v39;
	v37 =	vadd.f32 $1.000000000e+00, v44  }
0x1f1: {  	v45 =	vmul.f32 v43, v20;
	(erf) = vrcp.f32 v36  }
0x1f2: {  	v38 =	vmul.f32 v43, v18;
	v36 =	vsub.f32 $0.0e+00, v46;
	(erf) = vrcp.f32 v37  }
0x1f3: {  	[tilespmem:s0+$0xA0] =	vst v45  }
0x1f4: {  	[tilespmem:s0+$0xE0] =	vst v38;
	v36 =	vmul.f32 $1.442695020e+00, v36;
	v37 =	vpop (erf)  }
0x1f5: {  	v39 =	vld [tilespmem:s30+$0xB0];
	v47 =	vpop (erf)  }
0x1f6: {  	v48 =	vld [tilespmem:s28+$0xB0];
	v49 =	vpop (erf)  }
0x1f7: {  	v51 =	vld [tilespmem:s31+$0xD0];
	v38 =	vadd.f32 $1.000000000e+00, v47;
	v50 =	vpop (erf)  }
0x1f8: {  	(erf) = vpow2.f32 v36;
	v36 =	vpop (erf)  }
0x1f9: {  	v42 =	vadd.f32 $1.000000000e+00, v50;
	(erf) = vrcp.f32 v38;
	v52 =	vpop (erf)  }
0x1fa: {  	v44 =	vpop (erf)  }
0x1fb: {  	v39 =	vadd.f32 v48, v39;
	v38 =	vadd.f32 $1.000000000e+00, v52;
	(erf) = vrcp.f32 v42;
	v53 =	vpop (erf)  }
0x1fc: {  	v54 =	vld [tilespmem:s28+$0xFFFFFF60];
	v40 =	vmul.f32 v53, v51  }
0x1fd: {  	v39 =	vsub.f32 $0.0e+00, v39;
	(erf) = vrcp.f32 v38  }
0x1fe: {  	v55 =	vld [tilespmem:s31+$0xFFFFFF50];
	v43 =	vmul.f32 v40, v30  }
0x1ff: {  	v39 =	vmul.f32 $1.442695020e+00, v39;
	v40 =	vmul.f32 v40, v29  }
0x200: {  	v56 =	vld [tilespmem:s31+$0xFFFFFFD0];
	[tilespmem:s17+$0x90] =	vst v43  }
0x201: {  	v57 =	vld [tilespmem:s31+$0x50];
	v41 =	vmul.f32 v49, v54;
	(erf) = vpow2.f32 v39;
	v42 =	vpop (erf);
	[tilespmem:s17+$0xD0] =	vst v40  }
0x202: {  	v58 =	vpop (erf);
	v40 =	vld [tilespmem:s2+$0xA0]  }
0x203: {  	v59 =	vmul.f32 v41, v22;
	v60 =	vld [tilespmem:s31+$0xA0];
	v38 =	vmul.f32 v58, v55  }
0x204: {  	v41 =	vmul.f32 v41, v17;
	v61 =	vpop (erf)  }
0x205: {  	[tilespmem:s0+$0xFFFFFF20] =	vst v59;
	v62 =	vmul.f32 v38, v31;
	v45 =	vmul.f32 v61, v56  }
0x206: {  	v47 =	vld [tilespmem:s28+$0xFFFFFFE0];
	[tilespmem:s0+$0xFFFFFF60] =	vst v41;
	v38 =	vmul.f32 v38, v25;
	v63 =	vpop (erf)  }
0x207: {  	v52 =	vld [tilespmem:s30+$0xFFFFFF30];
	[tilespmem:s17+$0xFFFFFF10] =	vst v62;
	v53 =	vmul.f32 v45, v26;
	v41 =	vmul.f32 v63, v57  }
0x208: {  	v54 =	vld [tilespmem:s28+$0xFFFFFF30];
	[tilespmem:s17+$0xFFFFFF50] =	vst v38;
	v55 =	vmul.f32 v45, v27;
	v39 =	vadd.f32 v60, v40  }
0x209: {  	v37 =	vadd.f32 $1.000000000e+00, v37;
	v56 =	vld [tilespmem:s2+$0xFFFFFF20];
	[tilespmem:s17+$0xFFFFFF90] =	vst v53;
	v57 =	vmul.f32 v41, v32  }
0x20a: {  	v42 =	vadd.f32 $1.000000000e+00, v42;
	v49 =	vpop (erf);
	v58 =	vld [tilespmem:s31+$0xFFFFFF20];
	v41 =	vmul.f32 v41, v28;
	[tilespmem:s17+$0xFFFFFFD0] =	vst v55;
	v59 =	vsub.f32 $0.0e+00, v39  }
0x20b: {  	(erf) = vrcp.f32 v37;
	v60 =	vadd.f32 $1.000000000e+00, v49;
	v61 =	vld [tilespmem:s2+$0xFFFFFFA0];
	[tilespmem:s17+$0x10] =	vst v57  }
0x20c: {  	(erf) = vrcp.f32 v42;
	v62 =	vld [tilespmem:s31+$0xFFFFFFA0];
	[tilespmem:s17+$0x50] =	vst v41;
	v38 =	vmul.f32 $1.442695020e+00, v59  }
0x20d: {  	(erf) = vrcp.f32 v60;
	v63 =	vld [tilespmem:s2+$0x20]  }
0x20e: {  	v45 =	vadd.f32 v54, v52;
	v41 =	vld [tilespmem:s31+$0x20];
	(erf) = vpow2.f32 v38;
	_ =	sdelay $0x1  }
0x20f: {  	v38 =	vsub.f32 $0.0e+00, v45  }
0x210: {  	v36 =	vmul.f32 v36, v47;
	v40 =	vadd.f32 v58, v56  }
0x211: {  	v39 =	vadd.f32 v62, v61;
	v38 =	vmul.f32 $1.442695020e+00, v38  }
0x212: {  	v40 =	vsub.f32 $0.0e+00, v40;
	v41 =	vadd.f32 v41, v63  }
0x213: {  	v46 =	vmul.f32 v36, v19;
	v37 =	vpop (erf);
	v39 =	vsub.f32 $0.0e+00, v39  }
0x214: {  	v47 =	vmul.f32 v36, v15;
	v36 =	vpop (erf);
	v40 =	vmul.f32 $1.442695020e+00, v40;
	v41 =	vsub.f32 $0.0e+00, v41  }
0x215: {  	(erf) = vpow2.f32 v38;
	v38 =	vpop (erf);
	v39 =	vmul.f32 $1.442695020e+00, v39  }
0x216: {  	(erf) = vpow2.f32 v40;
	v41 =	vmul.f32 $1.442695020e+00, v41;
	v48 =	vpop (erf)  }
0x217: {  	[tilespmem:s0+$0xFFFFFFA0] =	vst v46;
	(erf) = vpow2.f32 v39;
	v49 =	vadd.f32 $1.000000000e+00, v48  }
0x218: {  	[tilespmem:s0+$0xFFFFFFE0] =	vst v47;
	(erf) = vpow2.f32 v41  }
0x219: {  	v50 =	vld [tilespmem:s30+$0xFFFFFFB0];
	(erf) = vrcp.f32 v49  }
0x21a: {  	v51 =	vld [tilespmem:s28+$0xFFFFFFB0]  }
0x21b: {  	v52 =	vld [tilespmem:s28+$0x60];
	_ =	sdelay $0x2  }
0x21c: {  	v54 =	vld [tilespmem:s31+$0xE0];
	v53 =	vpop (erf)  }
0x21d: {  	v39 =	vadd.f32 v51, v50;
	v55 =	vpop (erf)  }
0x21e: {  	v41 =	vmul.f32 v44, v52;
	v56 =	vpop (erf)  }
0x21f: {  	v39 =	vsub.f32 $0.0e+00, v39;
	v57 =	vpop (erf)  }
0x220: {  	v58 =	vmul.f32 v41, v21;
	v42 =	vadd.f32 $1.000000000e+00, v53;
	v59 =	vpop (erf)  }
0x221: {  	v39 =	vmul.f32 $1.442695020e+00, v39;
	v43 =	vmul.f32 v59, v54  }
0x222: {  	v41 =	vmul.f32 v41, v16;
	(erf) = vrcp.f32 v42;
	v40 =	vadd.f32 $1.000000000e+00, v55  }
0x223: {  	[tilespmem:s0+$0x20] =	vst v58;
	(erf) = vpow2.f32 v39;
	v60 =	vmul.f32 v43, v30  }
0x224: {  	[tilespmem:s0+$0x60] =	vst v41;
	(erf) = vrcp.f32 v40;
	v61 =	vmul.f32 v43, v29  }
0x225: {  	v41 =	vld [tilespmem:s30+$0x30];
	[tilespmem:s17+$0xA0] =	vst v60  }
0x226: {  	v62 =	vld [tilespmem:s28+$0x30];
	[tilespmem:s17+$0xE0] =	vst v61  }
0x227: {  	v40 =	vld [tilespmem:s2+$0xB0]  }
0x228: {  	v63 =	vld [tilespmem:s31+$0xB0]  }
0x229: {  	v48 =	vld [tilespmem:s31+$0xFFFFFF60];
	_ =	sdelay $0x1  }
0x22a: {  	v39 =	vadd.f32 v62, v41;
	v46 =	vpop (erf)  }
0x22b: {  	v44 =	vadd.f32 $1.000000000e+00, v56;
	v49 =	vpop (erf)  }
0x22c: {  	v39 =	vsub.f32 $0.0e+00, v39;
	v50 =	vpop (erf);
	v40 =	vadd.f32 v63, v40  }
0x22d: {  	v45 =	vadd.f32 $1.000000000e+00, v57;
	v51 =	vmul.f32 v50, v48  }
0x22e: {  	(erf) = vrcp.f32 v44;
	v39 =	vmul.f32 $1.442695020e+00, v39;
	v40 =	vsub.f32 $0.0e+00, v40  }
0x22f: {  	(erf) = vrcp.f32 v45;
	v43 =	vmul.f32 v51, v31  }
0x230: {  	v42 =	vmul.f32 v51, v25;
	v40 =	vmul.f32 $1.442695020e+00, v40  }
0x231: {  	(erf) = vpow2.f32 v39;
	[tilespmem:s17+$0xFFFFFF20] =	vst v43  }
0x232: {  	v52 =	vld [tilespmem:s31+$0xFFFFFFE0];
	[tilespmem:s17+$0xFFFFFF60] =	vst v42;
	(erf) = vpow2.f32 v40  }
0x233: {  	v53 =	vld [tilespmem:s2+$0xFFFFFF30]  }
0x234: {  	v42 =	vld [tilespmem:s31+$0xFFFFFF30];
	_ =	sdelay $0x2  }
0x235: {  	v54 =	vld [tilespmem:s31+$0x60];
	v44 =	vpop (erf)  }
0x236: {  	v39 =	vmul.f32 v44, v52  }
0x237: {  	v55 =	vpop (erf);
	v40 =	vadd.f32 v42, v53  }
0x238: {  	v41 =	vadd.f32 $1.000000000e+00, v49;
	v58 =	vmul.f32 v39, v26;
	v57 =	vpop (erf)  }
0x239: {  	v39 =	vmul.f32 v39, v27;
	v43 =	vadd.f32 $1.000000000e+00, v57;
	v40 =	vsub.f32 $0.0e+00, v40;
	v59 =	vpop (erf)  }
0x23a: {  	v56 =	vmul.f32 v55, v54;
	(erf) = vrcp.f32 v41;
	v60 =	vadd.f32 $1.000000000e+00, v59  }
0x23b: {  	(erf) = vrcp.f32 v43;
	v40 =	vmul.f32 $1.442695020e+00, v40  }
0x23c: {  	[tilespmem:s17+$0xFFFFFFA0] =	vst v58;
	(erf) = vrcp.f32 v60  }
0x23d: {  	v61 =	vld [tilespmem:s22+$0xFFFFFF70];
	[tilespmem:s17+$0xFFFFFFE0] =	vst v39;
	v62 =	vmul.f32 v56, v32;
	(erf) = vpow2.f32 v40  }
0x23e: {  	v54 =	vld [tilespmem:s31+$0xFFFFFFB0];
	v52 =	vmul.f32 v56, v28  }
0x23f: {  	v53 =	vld [tilespmem:s2+$0xFFFFFFB0];
	[tilespmem:s17+$0x20] =	vst v62  }
0x240: {  	v57 =	vld [tilespmem:s24+$0xF0];
	[tilespmem:s17+$0x60] =	vst v52  }
0x241: {  	v55 =	vld [tilespmem:s2+$0x30]  }
0x242: {  	v56 =	vld [tilespmem:s31+$0x30]  }
0x243: {  	v63 =	vld [tilespmem:s22+$0xFFFFFFF0];
	v45 =	vpop (erf)  }
0x244: {  	v23 =	vmul.f32 v23, v61;
	v39 =	vadd.f32 v54, v53;
	v48 =	vpop (erf)  }
0x245: {  	v58 =	vld [tilespmem:s22+$0x70];
	v40 =	vpop (erf)  }
0x246: {  	v3 =	vmul.f32 v23, v3;
	v39 =	vsub.f32 $0.0e+00, v39;
	v59 =	vpop (erf)  }
0x247: {  	v62 =	vld [tilespmem:s24+$0xFFFFFF70];
	v35 =	vmul.f32 v35, v57;
	v42 =	vadd.f32 v56, v55;
	v60 =	vadd.f32 $1.000000000e+00, v59  }
0x248: {  	v33 =	vmul.f32 v33, v63;
	v39 =	vmul.f32 $1.442695020e+00, v39  }
0x249: {  	[tilespmem:s23+$0xFFFFFF70] =	vst v3;
	v3 =	vmul.f32 v35, v10;
	v61 =	vsub.f32 $0.0e+00, v42;
	(erf) = vrcp.f32 v60  }
0x24a: {  	v41 =	vld [tilespmem:s24+$0xFFFFFFF0];
	(erf) = vpow2.f32 v39;
	v39 =	vmul.f32 v34, v58  }
0x24b: {  	v2 =	vmul.f32 v33, v2;
	v43 =	vld [tilespmem:s28+$0xF0];
	v63 =	vmul.f32 $1.442695020e+00, v61  }
0x24c: {  	v44 =	vmul.f32 v24, v62;
	[tilespmem:s25+$0xF0] =	vst v3;
	v3 =	vmul.f32 v39, v4  }
0x24d: {  	[tilespmem:s23+$0xFFFFFFF0] =	vst v2;
	v2 =	vld [tilespmem:s24+$0x70];
	(erf) = vpow2.f32 v63;
	v1 =	vmul.f32 v39, v1  }
0x24e: {  	[tilespmem:s23+$0x30] =	vst v3;
	v3 =	vmul.f32 v35, v14  }
0x24f: {  	v47 =	vmul.f32 v37, v41;
	[tilespmem:s23+$0x70] =	vst v1;
	v1 =	vmul.f32 v44, v12  }
0x250: {  	v50 =	vmul.f32 v38, v43;
	[tilespmem:s25+$0xB0] =	vst v3;
	v3 =	vmul.f32 v44, v9  }
0x251: {  	v49 =	vld [tilespmem:s28+$0xFFFFFF70];
	[tilespmem:s25+$0xFFFFFF30] =	vst v1;
	v1 =	vmul.f32 v47, v13  }
0x252: {  	v2 =	vmul.f32 v36, v2;
	[tilespmem:s25+$0xFFFFFF70] =	vst v3;
	v3 =	vmul.f32 v50, v18  }
0x253: {  	v54 =	vld [tilespmem:s31+$0xF0];
	v51 =	vpop (erf);
	[tilespmem:s25+$0xFFFFFFB0] =	vst v1;
	v1 =	vmul.f32 v47, v8  }
0x254: {  	v53 =	vpop (erf);
	[tilespmem:s0+$0xF0] =	vst v3;
	v3 =	vmul.f32 v2, v11  }
0x255: {  	v6 =	vmul.f32 v23, v6;
	v55 =	vadd.f32 $1.000000000e+00, v53;
	[tilespmem:s25+$0xFFFFFFF0] =	vst v1;
	v1 =	vmul.f32 v2, v7;
	v2 =	vld [tilespmem:s28+$0x70]  }
0x256: {  	v52 =	vld [tilespmem:s28+$0xFFFFFFF0];
	v10 =	vmul.f32 v46, v49;
	v56 =	vpop (erf);
	[tilespmem:s25+$0x30] =	vst v3;
	v3 =	vmul.f32 v50, v20  }
0x257: {  	[tilespmem:s23+$0xFFFFFF30] =	vst v6;
	v5 =	vmul.f32 v33, v5;
	v57 =	vadd.f32 $1.000000000e+00, v56;
	(erf) = vrcp.f32 v55  }
0x258: {  	v6 =	vmul.f32 v40, v54;
	[tilespmem:s0+$0xB0] =	vst v3;
	v3 =	vmul.f32 v10, v17  }
0x259: {  	[tilespmem:s23+$0xFFFFFFB0] =	vst v5;
	(erf) = vrcp.f32 v57  }
0x25a: {  	v59 =	vld [tilespmem:s31+$0xFFFFFF70];
	v2 =	vmul.f32 v48, v2;
	[tilespmem:s0+$0xFFFFFF70] =	vst v3;
	v3 =	vmul.f32 v6, v29  }
0x25b: {  	v58 =	vmul.f32 v10, v22;
	[tilespmem:s25+$0x70] =	vst v1;
	v1 =	vmul.f32 v45, v52  }
0x25c: {  	v61 =	vld [tilespmem:s31+$0xFFFFFFF0];
	[tilespmem:s17+$0xF0] =	vst v3;
	v3 =	vmul.f32 v2, v21  }
0x25d: {  	[tilespmem:s0+$0xFFFFFF30] =	vst v58;
	v60 =	vmul.f32 v1, v19;
	v1 =	vmul.f32 v1, v15  }
0x25e: {  	v62 =	vld [tilespmem:s31+$0x70];
	[tilespmem:s0+$0x30] =	vst v3;
	v3 =	vmul.f32 v6, v30  }
0x25f: {  	[tilespmem:s0+$0xFFFFFFF0] =	vst v1;
	v1 =	vmul.f32 v2, v16;
	v2 =	vmul.f32 v51, v59  }
0x260: {  	[tilespmem:s0+$0xFFFFFFB0] =	vst v60;
	v63 =	vpop (erf)  }
0x261: {  	[tilespmem:s0+$0x70] =	vst v1;
	v1 =	vmul.f32 v2, v31;
	v5 =	vmul.f32 v63, v61  }
0x262: {  	v2 =	vmul.f32 v2, v25;
	[tilespmem:s17+$0xB0] =	vst v3;
	v3 =	vpop (erf)  }
0x263: {  	[tilespmem:s17+$0xFFFFFF30] =	vst v1;
	v1 =	vmul.f32 v5, v26;
	v3 =	vmul.f32 v3, v62  }
0x264: {  	p3 =	seq.s32 s21, $0x0;
	[tilespmem:s17+$0xFFFFFF70] =	vst v2;
	v2 =	vmul.f32 v5, v27  }
.Ltmp7:
0x265: {  	[tilespmem:s17+$0xFFFFFFB0] =	vst v1;
	v1 =	vmul.f32 v3, v32;
	(pc) =	sbr.rel @p3 .LBB2_11-.Ltmp7, $4  }
0x266: {  	[tilespmem:s17+$0xFFFFFFF0] =	vst v2;
	v2 =	vmul.f32 v3, v28  }
0x267: {  	[tilespmem:s17+$0x30] =	vst v1  }
0x268: {  	[tilespmem:s17+$0x70] =	vst v2  }
0x269: {  	[spmem:s1] =	stream.indirect.scatter.add.f32 [tilespmem:s8], [sflag:$0x5], $0x80, s19, s11, $0xb8;
	[tilespmem:$0x1FE80] =	vst v63  }
.LBB2_8:
0x26a: {  	p3 =	slt.u32 s20, $0x2  }
0x26b: {  	s0 =	simm.s32 @!p3 $0x6  }
0x26c: {  	_ =	swait.ge @!p3 [sflag:s0], $0x2000  }
0x26d: {  	s2 =	sshll.u32 s20, $0x6;
	[sflag:s0] =	ssyncset.done @!p3 $0x0  }
0x26e: {  	s6 =	sand.u32 $0x7FC0, s2;
	[sflag:s0] =	ssyncadd.s32 @!p3 $0xFFFFE000  }
0x26f: {  	v1 =	vld [tilespmem:s6+$0x0];
	_ =	sdelay $0x4  }
0x270: {  	v2 =	vand.u32 $0x1, v1  }
0x271: {  	v1 =	vshrl.u32 v1, $0x1;
	v2 =	vcvt.s32.f32 v2  }
0x272: {  	[tilespmem:$0x16080] =	vst v1  }
0x273: {  	[tilespmem:$0x16100] =	vst v2  }
0x274: {  	v1 =	vld [tilespmem:s6+$0x10];
	_ =	sdelay $0x4  }
0x275: {  	v2 =	vand.u32 $0x1, v1  }
0x276: {  	v1 =	vshrl.u32 v1, $0x1;
	v2 =	vcvt.s32.f32 v2  }
0x277: {  	[tilespmem:$0x16090] =	vst v1  }
0x278: {  	[tilespmem:$0x16110] =	vst v2  }
0x279: {  	v1 =	vld [tilespmem:s6+$0x20];
	_ =	sdelay $0x4  }
0x27a: {  	v2 =	vand.u32 $0x1, v1  }
0x27b: {  	v1 =	vshrl.u32 v1, $0x1;
	v2 =	vcvt.s32.f32 v2  }
0x27c: {  	[tilespmem:$0x160A0] =	vst v1  }
0x27d: {  	[tilespmem:$0x16120] =	vst v2  }
0x27e: {  	v1 =	vld [tilespmem:s6+$0x30];
	_ =	sdelay $0x4  }
0x27f: {  	s0 =	simm.s32 $0x1;
	v2 =	vand.u32 $0x1, v1  }
0x280: {  	s0 =	simm.s32 @!p2 $0x0;
	v1 =	vshrl.u32 v1, $0x1;
	v2 =	vcvt.s32.f32 v2  }
0x281: {  	s7 =	sshll.u32 s0, $0xD;
	[tilespmem:$0x160B0] =	vst v1  }
0x282: {  	s0 =	sadd.s32 s7, s26;
	[tilespmem:$0x16130] =	vst v2  }
0x283: {  	s20 =	sadd.s32 $0xE100, s7;
	v1 =	vld [tilespmem:s0+$0x80]  }
0x284: {  	v2 =	vld [tilespmem:s20+$0x80];
	_ =	sdelay $0x2  }
0x285: {  	v3 =	vld [tilespmem:s0+$0xFFFFFF00]  }
0x286: {  	v4 =	vld [tilespmem:s20+$0xFFFFFF00]  }
0x287: {  	v1 =	vadd.f32 v2, v1;
	_ =	sdelay $0x1  }
0x288: {  	v5 =	vld [tilespmem:s20+$0xFFFFFF80];
	v1 =	vsub.f32 $0.0e+00, v1  }
0x289: {  	v2 =	vld [tilespmem:s0+$0xFFFFFF80]  }
0x28a: {  	v3 =	vadd.f32 v4, v3;
	v1 =	vmul.f32 $1.442695020e+00, v1  }
0x28b: {  	v6 =	vld [tilespmem:s0+$0x0]  }
0x28c: {  	v4 =	vld [tilespmem:s20+$0x0];
	(erf) = vpow2.f32 v1;
	v1 =	vsub.f32 $0.0e+00, v3;
	_ =	sdelay $0x1  }
0x28d: {  	v2 =	vadd.f32 v5, v2;
	v1 =	vmul.f32 $1.442695020e+00, v1;
	_ =	sdelay $0x1  }
0x28e: {  	v2 =	vsub.f32 $0.0e+00, v2;
	(erf) = vpow2.f32 v1  }
0x28f: {  	v3 =	vadd.f32 v4, v6  }
0x290: {  	v1 =	vmul.f32 $1.442695020e+00, v2  }
0x291: {  	v2 =	vsub.f32 $0.0e+00, v3  }
0x292: {  	(erf) = vpow2.f32 v1  }
0x293: {  	v2 =	vmul.f32 $1.442695020e+00, v2  }
0x294: {  	v1 =	vpop (erf)  }
0x295: {  	s17 =	simm.s32 $0x3;
	(erf) = vpow2.f32 v2;
	v1 =	vadd.f32 $1.000000000e+00, v1  }
0x296: {  	s21 =	simm.s32 $0x0;
	v2 =	vmov s17  }
0x297: {  	(erf) = vrcp.f32 v1;
	v1 =	vmov s21;
	v3 =	vpop (erf)  }
0x298: {  	v1 =	vand.u32 $0xFFFFFFFC, v1;
	v3 =	vadd.f32 $1.000000000e+00, v3  }
0x299: {  	s22 =	simm.s32 $0x1;
	v1 =	vbroadcast v1, $0x0  }
0x29a: {  	(erf) = vrcp.f32 v3;
	v3 =	vmov s22  }
0x29b: {  	s23 =	simm.s32 $0x2;
	v25 =	vld.idx.msk [tilespmem:v2+s12+$0x0], $0xffff;
	v4 =	vpop (erf);
	v3 =	vand.u32 $0xFFFFFFFD, v3  }
0x29c: {  	v5 =	vmov s23;
	v2 =	vld [tilespmem:s20+$0xC0];
	v4 =	vadd.f32 $1.000000000e+00, v4  }
0x29d: {  	v5 =	vand.u32 $0xFFFFFFFE, v5;
	v6 =	vbroadcast v3, $0x0  }
0x29e: {  	v7 =	vld [tilespmem:s20+$0xFFFFFF40];
	v5 =	vbroadcast v5, $0x0;
	v3 =	vpop (erf)  }
0x29f: {  	(erf) = vrcp.f32 v4;
	v8 =	vadd.f32 $1.000000000e+00, v3;
	v3 =	vld.idx.msk [tilespmem:v1+s12+$0x0], $0xffff  }
0x2a0: {  	v4 =	vpop (erf)  }
0x2a1: {  	v23 =	vsub.f32 $1.000000000e+00, v25;
	v1 =	vmul.f32 v4, v2;
	(erf) = vrcp.f32 v8  }
0x2a2: {  	v4 =	vld [tilespmem:s20+$0xFFFFFFC0]  }
0x2a3: {  	v8 =	vmul.f32 v1, v23;
	v2 =	vld.idx.msk [tilespmem:v6+s12+$0x0], $0xffff;
	v11 =	vpop (erf)  }
0x2a4: {  	s21 =	simm.s32 $0x14100;
	v10 =	vmul.f32 v1, v25;
	v1 =	vld.idx.msk [tilespmem:v5+s12+$0x0], $0xffff;
	v6 =	vsub.f32 $1.000000000e+00, v3;
	v5 =	vmul.f32 v11, v7  }
0x2a5: {  	[tilespmem:s21+$0x80] =	vst v8  }
0x2a6: {  	v9 =	vld [tilespmem:s20+$0x40];
	[tilespmem:s21+$0xC0] =	vst v10;
	v8 =	vmul.f32 v5, v6  }
0x2a7: {  	v7 =	vld [tilespmem:s0+$0x90]  }
0x2a8: {  	v10 =	vld [tilespmem:s20+$0x90];
	v11 =	vpop (erf)  }
0x2a9: {  	v12 =	vmul.f32 v5, v3;
	v11 =	vmul.f32 v11, v4;
	v5 =	vsub.f32 $1.000000000e+00, v2  }
0x2aa: {  	[tilespmem:s21+$0xFFFFFF00] =	vst v8;
	v8 =	vpop (erf)  }
0x2ab: {  	[tilespmem:s21+$0xFFFFFF40] =	vst v12;
	v8 =	vmul.f32 v8, v9;
	v9 =	vmul.f32 v11, v5  }
0x2ac: {  	v4 =	vsub.f32 $1.000000000e+00, v1;
	v12 =	vld [tilespmem:s0+$0xFFFFFF10];
	v11 =	vmul.f32 v11, v2  }
0x2ad: {  	v13 =	vld [tilespmem:s20+$0xFFFFFF10];
	v7 =	vadd.f32 v10, v7;
	[tilespmem:s21+$0xFFFFFF80] =	vst v9  }
0x2ae: {  	v10 =	vmul.f32 v8, v4;
	[tilespmem:s21+$0xFFFFFFC0] =	vst v11  }
0x2af: {  	v7 =	vsub.f32 $0.0e+00, v7;
	v8 =	vmul.f32 v8, v1;
	v9 =	vld [tilespmem:s0+$0xFFFFFF90]  }
0x2b0: {  	[tilespmem:s21+$0x0] =	vst v10;
	v10 =	vld [tilespmem:s20+$0xFFFFFF90]  }
0x2b1: {  	v7 =	vmul.f32 $1.442695020e+00, v7;
	[tilespmem:s21+$0x40] =	vst v8  }
0x2b2: {  	v11 =	vadd.f32 v13, v12;
	v8 =	vld [tilespmem:s0+$0x10]  }
0x2b3: {  	v12 =	vld [tilespmem:s20+$0x10];
	(erf) = vpow2.f32 v7  }
0x2b4: {  	v7 =	vsub.f32 $0.0e+00, v11  }
0x2b5: {  	s25 =	sadd.s32 $0x200, s0;
	v9 =	vadd.f32 v10, v9  }
0x2b6: {  	s22 =	sadd.s32 $0x200, s20;
	v11 =	vld [tilespmem:s25+$0x80];
	v7 =	vmul.f32 $1.442695020e+00, v7  }
0x2b7: {  	v10 =	vld [tilespmem:s22+$0x80];
	v9 =	vsub.f32 $0.0e+00, v9  }
0x2b8: {  	(erf) = vpow2.f32 v7;
	v8 =	vadd.f32 v12, v8  }
0x2b9: {  	v7 =	vld [tilespmem:s25+$0xFFFFFF00];
	v9 =	vmul.f32 $1.442695020e+00, v9  }
0x2ba: {  	v12 =	vld [tilespmem:s22+$0xFFFFFF00];
	v8 =	vsub.f32 $0.0e+00, v8  }
0x2bb: {  	v13 =	vld [tilespmem:s25+$0xFFFFFF80];
	(erf) = vpow2.f32 v9  }
0x2bc: {  	v10 =	vadd.f32 v10, v11;
	v8 =	vmul.f32 $1.442695020e+00, v8;
	v11 =	vpop (erf);
	v9 =	vld [tilespmem:s22+$0xFFFFFF80]  }
0x2bd: {  	v11 =	vadd.f32 $1.000000000e+00, v11  }
0x2be: {  	v14 =	vld [tilespmem:s25+$0x0];
	v10 =	vsub.f32 $0.0e+00, v10;
	(erf) = vpow2.f32 v8  }
0x2bf: {  	v7 =	vadd.f32 v12, v7;
	v8 =	vld [tilespmem:s22+$0x0]  }
0x2c0: {  	(erf) = vrcp.f32 v11;
	v10 =	vmul.f32 $1.442695020e+00, v10  }
0x2c1: {  	v7 =	vsub.f32 $0.0e+00, v7;
	v11 =	vpop (erf);
	v9 =	vadd.f32 v9, v13  }
0x2c2: {  	(erf) = vpow2.f32 v10;
	v10 =	vadd.f32 $1.000000000e+00, v11  }
0x2c3: {  	v7 =	vmul.f32 $1.442695020e+00, v7;
	v9 =	vsub.f32 $0.0e+00, v9  }
0x2c4: {  	v8 =	vadd.f32 v8, v14;
	(erf) = vrcp.f32 v10;
	v11 =	vpop (erf)  }
0x2c5: {  	v10 =	vld [tilespmem:s20+$0xD0];
	(erf) = vpow2.f32 v7;
	v9 =	vmul.f32 $1.442695020e+00, v9;
	v7 =	vadd.f32 $1.000000000e+00, v11  }
0x2c6: {  	v8 =	vsub.f32 $0.0e+00, v8  }
0x2c7: {  	v11 =	vpop (erf);
	(erf) = vpow2.f32 v9  }
0x2c8: {  	v8 =	vmul.f32 $1.442695020e+00, v8;
	v9 =	vadd.f32 $1.000000000e+00, v11  }
0x2c9: {  	(erf) = vrcp.f32 v7;
	v7 =	vpop (erf)  }
0x2ca: {  	s24 =	simm.s32 $0x4;
	s30 =	simm.s32 $0x5;
	s31 =	simm.s32 $0x7;
	(erf) = vpow2.f32 v8;
	v7 =	vmul.f32 v7, v10  }
0x2cb: {  	v16 =	vmov s31;
	v12 =	vld [tilespmem:s20+$0xFFFFFF50];
	v11 =	vmov s24;
	v10 =	vmov s30  }
0x2cc: {  	v15 =	vld [tilespmem:s22+$0xFFFFFF40];
	(erf) = vrcp.f32 v9;
	v9 =	vpop (erf);
	v10 =	vand.u32 $0xFFFFFFFD, v10;
	v14 =	vmul.f32 v7, v23  }
0x2cd: {  	s5 =	simm.s32 $0x6;
	v18 =	vld [tilespmem:s22+$0xFFFFFFC0];
	v8 =	vand.u32 $0xFFFFFFFC, v11;
	v9 =	vadd.f32 $1.000000000e+00, v9;
	v7 =	vmul.f32 v7, v25  }
0x2ce: {  	v17 =	vmov s5;
	v11 =	vld [tilespmem:s20+$0xFFFFFFD0];
	v8 =	vbroadcast v8, $0x0;
	v19 =	vpop (erf);
	[tilespmem:s21+$0x90] =	vst v14  }
0x2cf: {  	v13 =	vld [tilespmem:s20+$0x50];
	(erf) = vrcp.f32 v9;
	v9 =	vand.u32 $0xFFFFFFFE, v17;
	v14 =	vbroadcast v10, $0x0;
	v10 =	vpop (erf);
	[tilespmem:s21+$0xD0] =	vst v7  }
0x2d0: {  	v12 =	vmul.f32 v19, v12;
	v7 =	vbroadcast v9, $0x0;
	v9 =	vadd.f32 $1.000000000e+00, v10;
	v20 =	vld [tilespmem:s0+$0xA0];
	v10 =	vpop (erf)  }
0x2d1: {  	v19 =	vld [tilespmem:s20+$0xA0];
	v21 =	vadd.f32 $1.000000000e+00, v10  }
0x2d2: {  	v22 =	vpop (erf);
	v10 =	vld.idx.msk [tilespmem:v16+s12+$0x0], $0xffff;
	v16 =	vmul.f32 v12, v6  }
0x2d3: {  	(erf) = vrcp.f32 v9;
	v24 =	vpop (erf);
	v11 =	vmul.f32 v22, v11;
	v22 =	vld [tilespmem:s22+$0xC0]  }
0x2d4: {  	v12 =	vmul.f32 v12, v3;
	v9 =	vld.idx.msk [tilespmem:v8+s12+$0x0], $0xffff;
	v24 =	vadd.f32 $1.000000000e+00, v24  }
0x2d5: {  	(erf) = vrcp.f32 v21;
	[tilespmem:s21+$0xFFFFFF10] =	vst v16;
	v21 =	vpop (erf);
	v8 =	vld.idx.msk [tilespmem:v14+s12+$0x0], $0xffff;
	v14 =	vmul.f32 v11, v5  }
0x2d6: {  	v17 =	vld [tilespmem:s22+$0x40];
	[tilespmem:s21+$0xFFFFFF50] =	vst v12;
	(erf) = vrcp.f32 v24;
	v13 =	vmul.f32 v21, v13  }
0x2d7: {  	v16 =	vld [tilespmem:s0+$0xFFFFFF20];
	v11 =	vmul.f32 v11, v2;
	v12 =	vadd.f32 v19, v20  }
0x2d8: {  	v7 =	vld.idx.msk [tilespmem:v7+s12+$0x0], $0xffff;
	[tilespmem:s21+$0xFFFFFF90] =	vst v14;
	v19 =	vmul.f32 v13, v4  }
0x2d9: {  	v21 =	vld [tilespmem:s20+$0xFFFFFF20];
	v20 =	vpop (erf);
	[tilespmem:s21+$0xFFFFFFD0] =	vst v11;
	v11 =	vsub.f32 $0.0e+00, v12;
	v13 =	vmul.f32 v13, v1  }
0x2da: {  	v14 =	vsub.f32 $1.000000000e+00, v10;
	v12 =	vmul.f32 v20, v22;
	v20 =	vld [tilespmem:s0+$0xFFFFFFA0];
	[tilespmem:s21+$0x10] =	vst v19  }
0x2db: {  	v11 =	vmul.f32 $1.442695020e+00, v11;
	v19 =	vld [tilespmem:s20+$0xFFFFFFA0];
	[tilespmem:s21+$0x50] =	vst v13  }
0x2dc: {  	v13 =	vmul.f32 v12, v14;
	v26 =	vmul.f32 v12, v10;
	v22 =	vld [tilespmem:s0+$0x20];
	v24 =	vpop (erf)  }
0x2dd: {  	v12 =	vsub.f32 $1.000000000e+00, v9;
	v27 =	vld [tilespmem:s20+$0x20];
	(erf) = vpow2.f32 v11;
	v11 =	vmul.f32 v24, v15  }
0x2de: {  	s23 =	simm.s32 $0x14300;
	v15 =	vadd.f32 v21, v16;
	v16 =	vpop (erf)  }
0x2df: {  	[tilespmem:s23+$0x80] =	vst v13;
	v13 =	vsub.f32 $1.000000000e+00, v8;
	v16 =	vmul.f32 v16, v18;
	v21 =	vmul.f32 v11, v12;
	v28 =	vpop (erf)  }
0x2e0: {  	[tilespmem:s23+$0xC0] =	vst v26;
	v18 =	vmul.f32 v11, v9;
	v11 =	vsub.f32 $1.000000000e+00, v7;
	v17 =	vmul.f32 v28, v17  }
0x2e1: {  	v24 =	vld [tilespmem:s25+$0x90];
	v15 =	vsub.f32 $0.0e+00, v15;
	v19 =	vadd.f32 v19, v20;
	[tilespmem:s23+$0xFFFFFF00] =	vst v21  }
0x2e2: {  	v26 =	vld [tilespmem:s22+$0x90];
	v20 =	vmul.f32 v16, v13;
	v21 =	vadd.f32 v27, v22;
	[tilespmem:s23+$0xFFFFFF40] =	vst v18;
	v22 =	vmul.f32 v17, v11  }
0x2e3: {  	v16 =	vmul.f32 v16, v8;
	v15 =	vmul.f32 $1.442695020e+00, v15;
	v18 =	vsub.f32 $0.0e+00, v19;
	v19 =	vld [tilespmem:s25+$0xFFFFFF10]  }
0x2e4: {  	[tilespmem:s23+$0xFFFFFF80] =	vst v20;
	v20 =	vld [tilespmem:s22+$0xFFFFFF10];
	v17 =	vmul.f32 v17, v7;
	v21 =	vsub.f32 $0.0e+00, v21  }
0x2e5: {  	[tilespmem:s23+$0xFFFFFFC0] =	vst v16;
	(erf) = vpow2.f32 v15;
	v18 =	vmul.f32 $1.442695020e+00, v18  }
0x2e6: {  	v15 =	vld [tilespmem:s25+$0xFFFFFF90];
	[tilespmem:s23+$0x0] =	vst v22;
	v21 =	vmul.f32 $1.442695020e+00, v21;
	v22 =	vpop (erf)  }
0x2e7: {  	v16 =	vadd.f32 v26, v24;
	[tilespmem:s23+$0x40] =	vst v17;
	(erf) = vpow2.f32 v18;
	v18 =	vld [tilespmem:s22+$0xFFFFFF90];
	v17 =	vadd.f32 $1.000000000e+00, v22  }
0x2e8: {  	(erf) = vpow2.f32 v21;
	v21 =	vld [tilespmem:s25+$0x10]  }
0x2e9: {  	v16 =	vsub.f32 $0.0e+00, v16;
	v22 =	vld [tilespmem:s22+$0x10];
	(erf) = vrcp.f32 v17;
	v17 =	vadd.f32 v20, v19;
	_ =	sdelay $0x1  }
0x2ea: {  	v16 =	vmul.f32 $1.442695020e+00, v16;
	v17 =	vsub.f32 $0.0e+00, v17  }
0x2eb: {  	s28 =	sadd.s32 $0x200, s25  }
0x2ec: {  	s5 =	simm.s32 $0x8;
	s24 =	sadd.s32 $0x200, s22;
	v19 =	vld [tilespmem:s28+$0x80];
	(erf) = vpow2.f32 v16;
	v16 =	vmul.f32 $1.442695020e+00, v17  }
0x2ed: {  	v20 =	vmov s5;
	v15 =	vadd.f32 v18, v15;
	v18 =	vadd.f32 v22, v21;
	v21 =	vpop (erf);
	v22 =	vld [tilespmem:s24+$0x80]  }
0x2ee: {  	v17 =	vld [tilespmem:s20+$0xE0];
	(erf) = vpow2.f32 v16;
	v16 =	vand.u32 $0xFFFFFFFC, v20;
	v20 =	vadd.f32 $1.000000000e+00, v21  }
0x2ef: {  	v27 =	vld [tilespmem:s24+$0xFFFFFF00];
	v15 =	vsub.f32 $0.0e+00, v15  }
0x2f0: {  	v24 =	vld [tilespmem:s28+$0xFFFFFF00];
	v18 =	vsub.f32 $0.0e+00, v18;
	v21 =	vpop (erf)  }
0x2f1: {  	v15 =	vmul.f32 $1.442695020e+00, v15;
	v26 =	vpop (erf)  }
0x2f2: {  	v28 =	vld [tilespmem:s28+$0xFFFFFF80];
	v21 =	vadd.f32 $1.000000000e+00, v21;
	v18 =	vmul.f32 $1.442695020e+00, v18;
	(erf) = vrcp.f32 v20;
	v20 =	vpop (erf)  }
0x2f3: {  	v19 =	vadd.f32 v22, v19;
	(erf) = vpow2.f32 v15;
	v15 =	vmul.f32 v20, v17;
	v17 =	vld [tilespmem:s24+$0xFFFFFF80]  }
0x2f4: {  	(erf) = vrcp.f32 v21  }
0x2f5: {  	v24 =	vadd.f32 v27, v24;
	v19 =	vsub.f32 $0.0e+00, v19;
	(erf) = vpow2.f32 v18  }
0x2f6: {  	v21 =	vld [tilespmem:s28+$0x0];
	v20 =	vadd.f32 $1.000000000e+00, v26;
	v22 =	vpop (erf);
	v18 =	vmul.f32 v15, v23;
	v15 =	vmul.f32 v15, v25  }
0x2f7: {  	v24 =	vsub.f32 $0.0e+00, v24;
	v26 =	vld [tilespmem:s24+$0x0];
	v22 =	vadd.f32 $1.000000000e+00, v22  }
0x2f8: {  	s7 =	simm.s32 $0xA;
	s6 =	simm.s32 $0x9;
	(erf) = vrcp.f32 v20;
	[tilespmem:s21+$0xE0] =	vst v15;
	v15 =	vadd.f32 v17, v28;
	v17 =	vmul.f32 $1.442695020e+00, v19  }
0x2f9: {  	v31 =	vmov s7;
	v29 =	vmov s6;
	(erf) = vrcp.f32 v22  }
0x2fa: {  	v30 =	vld [tilespmem:s20+$0xFFFFFF60];
	v24 =	vmul.f32 $1.442695020e+00, v24;
	[tilespmem:s21+$0xA0] =	vst v18;
	v19 =	vpop (erf);
	(erf) = vpow2.f32 v17;
	v17 =	vand.u32 $0xFFFFFFFE, v31  }
0x2fb: {  	v16 =	vbroadcast v16, $0x0;
	v18 =	vand.u32 $0xFFFFFFFD, v29;
	v27 =	vld [tilespmem:s0+$0xB0];
	v19 =	vadd.f32 $1.000000000e+00, v19  }
0x2fc: {  	v18 =	vbroadcast v18, $0x0;
	v28 =	vld [tilespmem:s20+$0xB0];
	v21 =	vadd.f32 v26, v21;
	v29 =	vpop (erf);
	v15 =	vsub.f32 $0.0e+00, v15  }
0x2fd: {  	v20 =	vld [tilespmem:s20+$0xFFFFFFE0];
	(erf) = vrcp.f32 v19;
	v19 =	vbroadcast v17, $0x0;
	v17 =	vpop (erf)  }
0x2fe: {  	v21 =	vsub.f32 $0.0e+00, v21;
	v31 =	vld [tilespmem:s22+$0xD0];
	v15 =	vmul.f32 $1.442695020e+00, v15;
	v17 =	vadd.f32 $1.000000000e+00, v17  }
0x2ff: {  	v34 =	vld [tilespmem:s24+$0xFFFFFF40];
	v29 =	vmul.f32 v29, v30;
	(erf) = vpow2.f32 v24;
	v33 =	vpop (erf)  }
0x300: {  	v32 =	vld [tilespmem:s22+$0xFFFFFFD0];
	v21 =	vmul.f32 $1.442695020e+00, v21;
	(erf) = vpow2.f32 v15;
	v30 =	vpop (erf)  }
0x301: {  	v22 =	vld [tilespmem:s20+$0x60];
	v27 =	vadd.f32 v28, v27;
	v15 =	vadd.f32 $1.000000000e+00, v30;
	v30 =	vpop (erf);
	(erf) = vrcp.f32 v17  }
0x302: {  	v26 =	vld [tilespmem:s22+$0xFFFFFF50];
	v20 =	vmul.f32 v33, v20;
	(erf) = vpow2.f32 v21;
	v17 =	vpop (erf)  }
0x303: {  	v24 =	vld [tilespmem:s22+$0x50];
	v27 =	vsub.f32 $0.0e+00, v27;
	v21 =	vmul.f32 v29, v6;
	v31 =	vmul.f32 v17, v31  }
0x304: {  	v29 =	vmul.f32 v29, v3;
	(erf) = vrcp.f32 v15;
	v15 =	vld.idx.msk [tilespmem:v18+s12+$0x0], $0xffff  }
0x305: {  	v17 =	vld.idx.msk [tilespmem:v16+s12+$0x0], $0xffff;
	[tilespmem:s21+$0xFFFFFF20] =	vst v21;
	v21 =	vmul.f32 $1.442695020e+00, v27;
	v27 =	vmul.f32 v31, v14  }
0x306: {  	v18 =	vpop (erf);
	v16 =	vld.idx.msk [tilespmem:v19+s12+$0x0], $0xffff;
	[tilespmem:s21+$0xFFFFFF60] =	vst v29;
	v19 =	vmul.f32 v31, v10  }
0x307: {  	s17 =	simm.s32 $0xB;
	v33 =	vmul.f32 v20, v5;
	v18 =	vadd.f32 $1.000000000e+00, v18;
	v31 =	vpop (erf);
	[tilespmem:s23+$0x90] =	vst v27;
	v27 =	vld [tilespmem:s0+$0xFFFFFF30]  }
0x308: {  	v20 =	vmul.f32 v20, v2;
	(erf) = vpow2.f32 v21;
	v21 =	vmov s17;
	[tilespmem:s23+$0xD0] =	vst v19;
	v19 =	vld [tilespmem:s20+$0xFFFFFF30];
	v29 =	vpop (erf)  }
0x309: {  	(erf) = vrcp.f32 v18;
	v26 =	vmul.f32 v31, v26;
	v31 =	vld [tilespmem:s25+$0xA0];
	v18 =	vadd.f32 $1.000000000e+00, v29;
	v29 =	vpop (erf)  }
0x30a: {  	v36 =	vld [tilespmem:s22+$0xA0];
	v37 =	vpop (erf)  }
0x30b: {  	v35 =	vld [tilespmem:s24+$0x40];
	s29 =	sadd.s32 $0x200, s24;
	v45 =	vmul.f32 v26, v12;
	v29 =	vadd.f32 $1.000000000e+00, v29;
	v32 =	vmul.f32 v37, v32  }
0x30c: {  	v43 =	vld [tilespmem:s29+$0x80];
	[tilespmem:s21+$0xFFFFFFE0] =	vst v20;
	v26 =	vmul.f32 v26, v9;
	(erf) = vrcp.f32 v18;
	v20 =	vpop (erf)  }
0x30d: {  	v18 =	vld.idx.msk [tilespmem:v21+s12+$0x0], $0xffff;
	[tilespmem:s23+$0xFFFFFF10] =	vst v45;
	(erf) = vrcp.f32 v29;
	v21 =	vpop (erf);
	v29 =	vmul.f32 v32, v13  }
0x30e: {  	v22 =	vmul.f32 v30, v22;
	v20 =	vadd.f32 $1.000000000e+00, v20;
	[tilespmem:s23+$0xFFFFFF50] =	vst v26;
	v26 =	vld [tilespmem:s24+$0xC0];
	v21 =	vmul.f32 v21, v24  }
0x30f: {  	v28 =	vld [tilespmem:s24+$0xFFFFFFC0];
	v19 =	vadd.f32 v19, v27;
	v30 =	vmul.f32 v32, v8;
	[tilespmem:s23+$0xFFFFFF90] =	vst v29;
	v29 =	vadd.f32 v36, v31  }
0x310: {  	v24 =	vld [tilespmem:s25+$0xFFFFFF20];
	(erf) = vrcp.f32 v20;
	v20 =	vmul.f32 v21, v11  }
0x311: {  	v47 =	vld [tilespmem:s22+$0xFFFFFF20];
	v48 =	vpop (erf);
	v19 =	vsub.f32 $0.0e+00, v19;
	v21 =	vmul.f32 v21, v7;
	[tilespmem:s23+$0xFFFFFFD0] =	vst v30;
	v29 =	vsub.f32 $0.0e+00, v29  }
0x312: {  	v31 =	vmul.f32 v22, v4;
	v30 =	vmul.f32 v22, v1;
	v22 =	vadd.f32 $1.000000000e+00, v48;
	v49 =	vpop (erf);
	v50 =	vld [tilespmem:s25+$0xFFFFFFA0];
	[tilespmem:s23+$0x10] =	vst v20  }
0x313: {  	v51 =	vld [tilespmem:s22+$0xFFFFFFA0];
	v20 =	vsub.f32 $1.000000000e+00, v18;
	v26 =	vmul.f32 v49, v26;
	[tilespmem:s23+$0x50] =	vst v21;
	v21 =	vmul.f32 $1.442695020e+00, v29  }
0x314: {  	(erf) = vrcp.f32 v22;
	v38 =	vld [tilespmem:s25+$0x20];
	v29 =	vmul.f32 $1.442695020e+00, v19  }
0x315: {  	[tilespmem:s21+$0xFFFFFFA0] =	vst v33;
	v40 =	vld [tilespmem:s22+$0x20];
	v39 =	vmul.f32 v26, v20;
	v42 =	vmul.f32 v26, v18;
	v41 =	vpop (erf)  }
0x316: {  	s5 =	simm.s32 $0x14500;
	v52 =	vld [tilespmem:s20+$0xF0];
	v22 =	vsub.f32 $1.000000000e+00, v17;
	[tilespmem:s21+$0x20] =	vst v31;
	(erf) = vpow2.f32 v21;
	v34 =	vmul.f32 v41, v34  }
0x317: {  	v46 =	vld [tilespmem:s0+$0xFFFFFFB0];
	v32 =	vadd.f32 v47, v24;
	v19 =	vsub.f32 $1.000000000e+00, v15;
	[tilespmem:s5+$0x80] =	vst v39;
	(erf) = vpow2.f32 v29;
	v21 =	vpop (erf)  }
0x318: {  	v58 =	vld [tilespmem:s20+$0xFFFFFFB0];
	[tilespmem:s5+$0xC0] =	vst v42;
	v31 =	vadd.f32 v51, v50;
	v53 =	vmul.f32 v34, v22;
	v28 =	vmul.f32 v21, v28  }
0x319: {  	[tilespmem:s21+$0x60] =	vst v30;
	v32 =	vsub.f32 $0.0e+00, v32;
	v54 =	vld [tilespmem:s28+$0x90];
	v30 =	vmul.f32 v34, v17  }
0x31a: {  	s2 =	sadd.s32 $0x200, s28;
	v55 =	vld [tilespmem:s24+$0x90];
	v56 =	vadd.f32 v40, v38;
	v31 =	vsub.f32 $0.0e+00, v31;
	v29 =	vpop (erf);
	[tilespmem:s5+$0xFFFFFF00] =	vst v53;
	v57 =	vmul.f32 v28, v19  }
0x31b: {  	v37 =	vld [tilespmem:s2+$0x0];
	v21 =	vsub.f32 $1.000000000e+00, v16;
	v29 =	vmul.f32 v29, v35;
	[tilespmem:s5+$0xFFFFFF40] =	vst v30;
	v28 =	vmul.f32 v28, v15  }
0x31c: {  	v30 =	vmul.f32 $1.442695020e+00, v32;
	v60 =	vsub.f32 $0.0e+00, v56;
	v31 =	vmul.f32 $1.442695020e+00, v31;
	v61 =	vld [tilespmem:s28+$0xFFFFFF10];
	[tilespmem:s5+$0xFFFFFF80] =	vst v57  }
0x31d: {  	v63 =	vld [tilespmem:s24+$0xFFFFFF10];
	v59 =	vmul.f32 v29, v21;
	[tilespmem:s5+$0xFFFFFFC0] =	vst v28  }
0x31e: {  	(erf) = vpow2.f32 v30;
	v28 =	vmul.f32 $1.442695020e+00, v60;
	v44 =	vld [tilespmem:s28+$0xFFFFFF90]  }
0x31f: {  	v62 =	vpop (erf);
	v29 =	vmul.f32 v29, v16;
	v30 =	vadd.f32 v55, v54;
	(erf) = vpow2.f32 v31;
	v45 =	vld [tilespmem:s24+$0xFFFFFF90]  }
0x320: {  	v27 =	vld [tilespmem:s22+$0xFFFFFF60];
	[tilespmem:s5+$0x0] =	vst v59;
	v31 =	vpop (erf);
	(erf) = vpow2.f32 v28;
	v28 =	vadd.f32 v58, v46  }
0x321: {  	v24 =	vld [tilespmem:s22+$0x60];
	[tilespmem:s5+$0x40] =	vst v29;
	v30 =	vsub.f32 $0.0e+00, v30;
	v46 =	vmul.f32 v62, v52;
	v29 =	vadd.f32 $1.000000000e+00, v31;
	v47 =	vpop (erf)  }
0x322: {  	v48 =	vld [tilespmem:s24+$0x10];
	v36 =	vadd.f32 $1.000000000e+00, v47;
	v28 =	vsub.f32 $0.0e+00, v28  }
0x323: {  	v31 =	vld [tilespmem:s28+$0x10];
	v49 =	vmul.f32 v46, v25;
	v25 =	vadd.f32 v63, v61;
	(erf) = vrcp.f32 v29  }
0x324: {  	v35 =	vld [tilespmem:s0+$0x30];
	v50 =	vmul.f32 $1.442695020e+00, v30;
	v32 =	vadd.f32 v45, v44  }
0x325: {  	v55 =	vld [tilespmem:s20+$0x30];
	v52 =	vmul.f32 $1.442695020e+00, v28;
	(erf) = vrcp.f32 v36;
	v25 =	vsub.f32 $0.0e+00, v25  }
0x326: {  	s6 =	simm.s32 $0xC;
	v26 =	vld [tilespmem:s22+$0xFFFFFFE0];
	(erf) = vpow2.f32 v50;
	v32 =	vsub.f32 $0.0e+00, v32  }
0x327: {  	v51 =	vmov s6;
	v39 =	vld [tilespmem:s29+$0xFFFFFF80];
	(erf) = vpow2.f32 v52;
	v25 =	vmul.f32 $1.442695020e+00, v25  }
0x328: {  	s30 =	simm.s32 $0xD;
	v57 =	vld [tilespmem:s22+$0xE0];
	v33 =	vmul.f32 v46, v23;
	v56 =	vadd.f32 v48, v31;
	v58 =	vpop (erf);
	v23 =	vmul.f32 $1.442695020e+00, v32  }
0x329: {  	v38 =	vld [tilespmem:s29+$0xFFFFFF00];
	v53 =	vand.u32 $0xFFFFFFFC, v51;
	v54 =	vmov s30;
	v60 =	vadd.f32 $1.000000000e+00, v58  }
0x32a: {  	v59 =	vld [tilespmem:s2+$0x80];
	v35 =	vadd.f32 v55, v35;
	v61 =	vpop (erf);
	v62 =	vsub.f32 $0.0e+00, v56;
	(erf) = vpow2.f32 v25  }
0x32b: {  	v40 =	vld [tilespmem:s29+$0x0];
	v31 =	vbroadcast v53, $0x0;
	v44 =	vadd.f32 $1.000000000e+00, v61;
	(erf) = vrcp.f32 v60;
	v25 =	vpop (erf)  }
0x32c: {  	v36 =	vld [tilespmem:s2+$0xFFFFFF00];
	v35 =	vsub.f32 $0.0e+00, v35;
	v46 =	vmul.f32 $1.442695020e+00, v62;
	(erf) = vpow2.f32 v23;
	v23 =	vpop (erf)  }
0x32d: {  	v30 =	vld [tilespmem:s24+$0xFFFFFFD0];
	v45 =	vadd.f32 $1.000000000e+00, v25;
	(erf) = vrcp.f32 v44;
	v47 =	vmul.f32 v23, v57  }
0x32e: {  	v34 =	vand.u32 $0xFFFFFFFD, v54;
	v41 =	vmul.f32 $1.442695020e+00, v35;
	v25 =	vld [tilespmem:s2+$0xFFFFFF80];
	(erf) = vpow2.f32 v46;
	v23 =	vpop (erf)  }
0x32f: {  	s31 =	simm.s32 $0xE;
	v29 =	vld [tilespmem:s24+$0xFFFFFF50];
	[tilespmem:s21+$0xF0] =	vst v49;
	v42 =	vadd.f32 v43, v59;
	(erf) = vrcp.f32 v45;
	v63 =	vpop (erf);
	v43 =	vmul.f32 v47, v14  }
0x330: {  	s7 =	simm.s32 $0x10;
	s0 =	simm.s32 $0x14500;
	v28 =	vld [tilespmem:s24+$0x50];
	[tilespmem:s21+$0xB0] =	vst v33;
	v32 =	vmov s31;
	v44 =	vadd.f32 $1.000000000e+00, v63;
	v45 =	vmul.f32 v47, v10;
	v35 =	vpop (erf)  }
.LBB2_9:
0x331: {  	p3 =	slt.u32 s7, $0x3C;
	v33 =	vld [tilespmem:s29+$0xFFFFFF40];
	v36 =	vadd.f32 v38, v36;
	v32 =	vand.u32 $0xFFFFFFFE, v32;
	v38 =	vsub.f32 $0.0e+00, v42;
	[tilespmem:s23+$0xA0] =	vst v43  }
0x332: {  	v42 =	vbroadcast v34, $0x0;
	v43 =	vadd.f32 $1.000000000e+00, v35;
	v34 =	vld [tilespmem:s29+$0xFFFFFFC0];
	(erf) = vrcp.f32 v44;
	[tilespmem:s23+$0xE0] =	vst v45  }
0x333: {  	v36 =	vsub.f32 $0.0e+00, v36;
	v25 =	vadd.f32 v39, v25;
	v47 =	vmul.f32 $1.442695020e+00, v38;
	v35 =	vpop (erf);
	v39 =	vld [tilespmem:s25+$0xB0]  }
0x334: {  	v44 =	vbroadcast v32, $0x0;
	v48 =	vadd.f32 $1.000000000e+00, v35;
	v45 =	vld [tilespmem:s22+$0xB0];
	v46 =	vpop (erf);
	(erf) = vpow2.f32 v41  }
0x335: {  	v25 =	vsub.f32 $0.0e+00, v25;
	v35 =	vld [tilespmem:s29+$0x40];
	v37 =	vadd.f32 v40, v37;
	(erf) = vpow2.f32 v47;
	v38 =	vpop (erf)  }
0x336: {  	v36 =	vmul.f32 $1.442695020e+00, v36;
	v38 =	vadd.f32 $1.000000000e+00, v38;
	(erf) = vrcp.f32 v48;
	v32 =	vpop (erf);
	v40 =	vld [tilespmem:s20+$0xFFFFFF70]  }
0x337: {  	v27 =	vmul.f32 v46, v27;
	v25 =	vmul.f32 $1.442695020e+00, v25;
	v37 =	vsub.f32 $0.0e+00, v37;
	v41 =	vld [tilespmem:s24+$0xD0];
	v47 =	vpop (erf)  }
0x338: {  	v46 =	vmul.f32 v32, v26;
	(erf) = vpow2.f32 v36;
	v36 =	vadd.f32 $1.000000000e+00, v47;
	v47 =	vpop (erf);
	v26 =	vld [tilespmem:s20+$0xFFFFFFF0]  }
0x339: {  	v48 =	vmul.f32 $1.442695020e+00, v37;
	(erf) = vpow2.f32 v25;
	v25 =	vadd.f32 v45, v39;
	v32 =	vld [tilespmem:s20+$0x70];
	s20 =	smov.u32 s22;
	s22 =	smov.u32 s24;
	s24 =	smov.u32 s29  }
0x33a: {  	v24 =	vmul.f32 v47, v24;
	(erf) = vrcp.f32 v38  }
0x33b: {  	v38 =	vmul.f32 v27, v12;
	(erf) = vpow2.f32 v48;
	v37 =	vpop (erf);
	v45 =	vsub.f32 $0.0e+00, v25  }
0x33c: {  	v37 =	vmul.f32 v37, v41;
	(erf) = vrcp.f32 v36  }
0x33d: {  	v27 =	vmul.f32 v27, v9;
	v36 =	vld.idx.msk [tilespmem:v31+s12+$0x0], $0xffff;
	[tilespmem:s23+$0xFFFFFF20] =	vst v38;
	v38 =	vmul.f32 $1.442695020e+00, v45;
	v25 =	vpop (erf)  }
0x33e: {  	v31 =	vld.idx.msk [tilespmem:v42+s12+$0x0], $0xffff;
	v39 =	vpop (erf);
	v41 =	vmul.f32 v37, v20;
	v42 =	vmul.f32 v46, v13;
	v45 =	vadd.f32 $1.000000000e+00, v25  }
0x33f: {  	s17 =	sadd.s32 $0x3, s6;
	s6 =	smov.u32 s7;
	v37 =	vmul.f32 v37, v18;
	v25 =	vld.idx.msk [tilespmem:v44+s12+$0x0], $0xffff;
	v39 =	vadd.f32 $1.000000000e+00, v39;
	v44 =	vpop (erf);
	[tilespmem:s23+$0xFFFFFF60] =	vst v27;
	(erf) = vpow2.f32 v38  }
0x340: {  	v27 =	vmov s17;
	v50 =	vmul.f32 v44, v29;
	[tilespmem:s5+$0x90] =	vst v41;
	v38 =	vld [tilespmem:s25+$0xFFFFFF30];
	v41 =	vmul.f32 v46, v8  }
0x341: {  	v44 =	vpop (erf);
	(erf) = vrcp.f32 v39;
	[tilespmem:s5+$0xD0] =	vst v37;
	v37 =	vld [tilespmem:s20+$0xFFFFFF30];
	v39 =	vmul.f32 v24, v11  }
0x342: {  	v44 =	vadd.f32 $1.000000000e+00, v44;
	v46 =	vpop (erf);
	v47 =	vmul.f32 v50, v22;
	v48 =	vmul.f32 v50, v17;
	v49 =	vld [tilespmem:s28+$0xA0];
	[tilespmem:s23+$0xFFFFFFA0] =	vst v42  }
0x343: {  	v24 =	vmul.f32 v24, v7;
	v42 =	vadd.f32 $1.000000000e+00, v46;
	v46 =	vld [tilespmem:s22+$0xA0];
	v29 =	vpop (erf);
	[tilespmem:s23+$0xFFFFFFE0] =	vst v41;
	(erf) = vrcp.f32 v43  }
0x344: {  	(erf) = vrcp.f32 v44;
	v41 =	vpop (erf);
	[tilespmem:s5+$0xFFFFFF10] =	vst v47;
	v43 =	vmul.f32 v29, v30;
	v29 =	vld [tilespmem:s25+$0xFFFFFFB0]  }
0x345: {  	v23 =	vmul.f32 v23, v40;
	v41 =	vadd.f32 $1.000000000e+00, v41;
	v30 =	vld.idx.msk [tilespmem:v27+s12+$0x0], $0xffff;
	(erf) = vrcp.f32 v42;
	[tilespmem:s5+$0xFFFFFF50] =	vst v48;
	v27 =	vpop (erf)  }
0x346: {  	v40 =	vld [tilespmem:s29+$0xC0];
	v42 =	vmul.f32 v43, v19;
	v27 =	vmul.f32 v27, v28;
	v28 =	vadd.f32 v37, v38;
	[tilespmem:s23+$0x20] =	vst v39  }
0x347: {  	v38 =	vmul.f32 v43, v15;
	(erf) = vrcp.f32 v41;
	v37 =	vld [tilespmem:s28+$0xFFFFFF20];
	[tilespmem:s23+$0x60] =	vst v24  }
0x348: {  	v24 =	vld [tilespmem:s22+$0xFFFFFF20];
	[tilespmem:s5+$0xFFFFFF90] =	vst v42;
	v39 =	vmul.f32 v27, v21;
	v41 =	vmul.f32 v27, v16;
	v42 =	vadd.f32 v46, v49;
	v43 =	vpop (erf)  }
0x349: {  	v28 =	vsub.f32 $0.0e+00, v28;
	v27 =	vld [tilespmem:s22+$0xFFFFFF60];
	[tilespmem:s5+$0xFFFFFFD0] =	vst v38;
	v38 =	vadd.f32 $1.000000000e+00, v43;
	(erf) = vrcp.f32 v45  }
0x34a: {  	v46 =	vmul.f32 v23, v6;
	v43 =	vpop (erf);
	v44 =	vld [tilespmem:s28+$0xFFFFFFA0];
	[tilespmem:s5+$0x10] =	vst v39;
	v39 =	vsub.f32 $0.0e+00, v42;
	v42 =	vmul.f32 v23, v3  }
0x34b: {  	v23 =	vsub.f32 $1.000000000e+00, v30;
	v3 =	vmovc v9;
	v9 =	vmovc v17;
	v47 =	vmul.f32 v43, v40;
	v43 =	vld [tilespmem:s22+$0xFFFFFFA0];
	[tilespmem:s5+$0x50] =	vst v41;
	(erf) = vrcp.f32 v38  }
0x34c: {  	v28 =	vmul.f32 $1.442695020e+00, v28;
	v38 =	vsub.f32 $1.000000000e+00, v36;
	v41 =	vld [tilespmem:s28+$0x20];
	v48 =	vmul.f32 $1.442695020e+00, v39;
	[tilespmem:s21+$0xFFFFFF30] =	vst v46;
	v6 =	vpop (erf)  }
0x34d: {  	v39 =	vmul.f32 v47, v23;
	v45 =	vpop (erf);
	v24 =	vadd.f32 v24, v37;
	v37 =	vld [tilespmem:s22+$0x20];
	[tilespmem:s21+$0xFFFFFF70] =	vst v42;
	v42 =	vmul.f32 v6, v26  }
0x34e: {  	s5 =	sadd.s32 $0x200, s5;
	v46 =	vsub.f32 $1.000000000e+00, v31;
	v47 =	vmul.f32 v47, v30;
	v40 =	vpop (erf);
	v26 =	vld [tilespmem:s22+$0xFFFFFFE0];
	(erf) = vpow2.f32 v48  }
0x34f: {  	v17 =	vmovc v36;
	v33 =	vmul.f32 v45, v33;
	v34 =	vmul.f32 v40, v34;
	[tilespmem:s5+$0x80] =	vst v39;
	v39 =	vsub.f32 $0.0e+00, v24;
	v24 =	vld [tilespmem:s22+$0x60]  }
0x350: {  	v5 =	vmul.f32 v42, v5;
	[tilespmem:s5+$0xC0] =	vst v47;
	v6 =	vpop (erf);
	v36 =	vadd.f32 v43, v44;
	v40 =	vld [tilespmem:s20+$0xF0];
	(erf) = vpow2.f32 v28  }
0x351: {  	v28 =	vmul.f32 v33, v38;
	v43 =	vsub.f32 $1.000000000e+00, v25;
	v35 =	vmul.f32 v6, v35;
	v44 =	vld [tilespmem:s2+$0x90];
	v6 =	vmovc v12;
	v12 =	vmovc v22  }
0x352: {  	v33 =	vmul.f32 v33, v17;
	v45 =	vmul.f32 v34, v46;
	v47 =	vld [tilespmem:s29+$0x90];
	v37 =	vadd.f32 v37, v41;
	[tilespmem:s21+$0xFFFFFFB0] =	vst v5;
	v41 =	vpop (erf)  }
0x353: {  	v22 =	vmovc v38;
	v49 =	vsub.f32 $0.0e+00, v36;
	[tilespmem:s5+$0xFFFFFF00] =	vst v28;
	v28 =	vmul.f32 v34, v31;
	v34 =	vmul.f32 v35, v43;
	v36 =	vld [tilespmem:s20+$0xFFFFFFB0]  }
0x354: {  	[tilespmem:s5+$0xFFFFFF40] =	vst v33;
	v33 =	vmul.f32 v35, v25;
	v35 =	vmul.f32 $1.442695020e+00, v39;
	v50 =	vsub.f32 $0.0e+00, v37;
	v39 =	vld [tilespmem:s25+$0x30];
	v38 =	vpop (erf);
	s25 =	smov.u32 s28;
	s28 =	smov.u32 s2  }
0x355: {  	v5 =	vmovc v13;
	v13 =	vmovc v19;
	v19 =	vmov v46;
	v48 =	vld [tilespmem:s2+$0xFFFFFF10];
	[tilespmem:s5+$0xFFFFFF80] =	vst v45;
	v45 =	vmul.f32 $1.442695020e+00, v49;
	v38 =	vmul.f32 v38, v40  }
0x356: {  	v40 =	vmov s7;
	v46 =	vld [tilespmem:s29+$0xFFFFFF10];
	[tilespmem:s5+$0xFFFFFFC0] =	vst v28;
	v28 =	vmul.f32 $1.442695020e+00, v50;
	(erf) = vpow2.f32 v35  }
0x357: {  	v35 =	vld [tilespmem:s2+$0xFFFFFF90];
	[tilespmem:s5+$0x0] =	vst v34;
	v34 =	vadd.f32 v47, v44;
	(erf) = vpow2.f32 v45;
	v37 =	vpop (erf);
	v44 =	vmul.f32 v38, v10  }
0x358: {  	v10 =	vmovc v18;
	v18 =	vmovc v30;
	v45 =	vld [tilespmem:s29+$0xFFFFFF90];
	[tilespmem:s5+$0x40] =	vst v33;
	v33 =	vadd.f32 $1.000000000e+00, v37;
	(erf) = vpow2.f32 v28;
	v28 =	vadd.f32 v36, v29  }
0x359: {  	v32 =	vmul.f32 v41, v32;
	v36 =	vld [tilespmem:s2+$0x10];
	v30 =	vsub.f32 $0.0e+00, v34;
	[tilespmem:s23+$0xF0] =	vst v44;
	v29 =	vpop (erf);
	v34 =	vmul.f32 v42, v2  }
0x35a: {  	v2 =	vmovc v8;
	v8 =	vmovc v15;
	v37 =	vld [tilespmem:s29+$0x10];
	(erf) = vrcp.f32 v33;
	v33 =	vadd.f32 $1.000000000e+00, v29;
	v28 =	vsub.f32 $0.0e+00, v28  }
0x35b: {  	v15 =	vmovc v31;
	v29 =	vld [tilespmem:s29+$0xFFFFFF50];
	v41 =	vadd.f32 v46, v48;
	v42 =	vmul.f32 $1.442695020e+00, v30;
	[tilespmem:s21+$0xFFFFFFF0] =	vst v34;
	v34 =	vmul.f32 v32, v4  }
0x35c: {  	v31 =	vand.u32 $0xFFFFFFFC, v40;
	v4 =	vmovc v11;
	v11 =	vmovc v21;
	v30 =	vld [tilespmem:s29+$0xFFFFFFD0];
	v40 =	vmul.f32 $1.442695020e+00, v28;
	(erf) = vrcp.f32 v33  }
0x35d: {  	s17 =	sadd.s32 $0x1, s7;
	v21 =	vmovc v43;
	v33 =	vsub.f32 $0.0e+00, v41;
	v35 =	vadd.f32 v45, v35;
	v28 =	vld [tilespmem:s29+$0x50];
	(erf) = vpow2.f32 v42;
	[tilespmem:s21+$0x30] =	vst v34  }
0x35e: {  	v32 =	vmul.f32 v32, v1;
	v1 =	vmovc v7;
	v7 =	vmovc v16;
	v34 =	vmov s17;
	v41 =	vld [tilespmem:s20+$0x30];
	(erf) = vpow2.f32 v40  }
0x35f: {  	s2 =	sadd.s32 $0x200, s2;
	v45 =	vmul.f32 $1.442695020e+00, v33;
	v33 =	vsub.f32 $0.0e+00, v35;
	v35 =	vadd.f32 v37, v36;
	v37 =	vld [tilespmem:s22+$0xE0];
	v36 =	vpop (erf)  }
0x360: {  	v38 =	vmul.f32 v38, v14;
	v31 =	vbroadcast v31, $0x0;
	s29 =	sadd.s32 $0x200, s29;
	v40 =	vld [tilespmem:s2+$0x80];
	v42 =	vadd.f32 $1.000000000e+00, v36;
	v43 =	vpop (erf);
	[tilespmem:s21+$0x70] =	vst v32;
	s21 =	smov.u32 s23;
	s23 =	smov.u32 s0  }
0x361: {  	s0 =	smov.u32 s5;
	v44 =	vld [tilespmem:s29+$0x80];
	v32 =	vmul.f32 $1.442695020e+00, v33;
	v33 =	vsub.f32 $0.0e+00, v35;
	(erf) = vpow2.f32 v45;
	v16 =	vpop (erf)  }
0x362: {  	v14 =	vmovc v20;
	v35 =	vadd.f32 $1.000000000e+00, v43;
	v36 =	vld [tilespmem:s2+$0xFFFFFF00];
	v45 =	vadd.f32 $1.000000000e+00, v16;
	(erf) = vrcp.f32 v42;
	[tilespmem:s21+$0xB0] =	vst v38;
	v16 =	vmovc v25  }
.Ltmp8:
0x363: {  	s17 =	sadd.s32 $0x2, s7;
	v38 =	vld [tilespmem:s29+$0xFFFFFF00];
	v33 =	vmul.f32 $1.442695020e+00, v33;
	(erf) = vpow2.f32 v32;
	v20 =	vpop (erf);
	v41 =	vadd.f32 v41, v39;
	(pc) =	sbr.rel @p3 .LBB2_9-.Ltmp8, $4  }
0x364: {  	v32 =	vmov s17;
	v25 =	vld [tilespmem:s2+$0xFFFFFF80];
	v46 =	vmul.f32 v20, v37;
	(erf) = vrcp.f32 v35;
	v20 =	vmovc v23  }
0x365: {  	v34 =	vand.u32 $0xFFFFFFFD, v34;
	v39 =	vld [tilespmem:s29+$0xFFFFFF80];
	(erf) = vpow2.f32 v33;
	v33 =	vsub.f32 $0.0e+00, v41;
	v23 =	vpop (erf)  }
0x366: {  	v37 =	vld [tilespmem:s2+$0x0];
	v42 =	vadd.f32 v44, v40;
	v35 =	vpop (erf);
	v43 =	vmul.f32 v46, v14;
	(erf) = vrcp.f32 v45  }
0x367: {  	s7 =	sadd.s32 $0x4, s7;
	v45 =	vmul.f32 v46, v10;
	v40 =	vld [tilespmem:s29+$0x0];
	v44 =	vadd.f32 $1.000000000e+00, v35;
	v41 =	vmul.f32 $1.442695020e+00, v33;
	v35 =	vpop (erf)  }
0x368: {  	v33 =	vsub.f32 $0.0e+00, v42  }
0x369: {  	[tilespmem:s23+$0xA0] =	vst v43  }
0x36a: {  	v36 =	vadd.f32 v38, v36;
	(erf) = vrcp.f32 v44;
	[tilespmem:s23+$0xE0] =	vst v45;
	v33 =	vmul.f32 $1.442695020e+00, v33  }
0x36b: {  	v25 =	vadd.f32 v39, v25;
	v62 =	vpop (erf);
	v63 =	vld [tilespmem:s25+$0xB0];
	(erf) = vpow2.f32 v41  }
0x36c: {  	v36 =	vsub.f32 $0.0e+00, v36;
	v45 =	vld [tilespmem:s22+$0xB0];
	v38 =	vadd.f32 $1.000000000e+00, v62;
	(erf) = vpow2.f32 v33  }
0x36d: {  	v25 =	vsub.f32 $0.0e+00, v25;
	v46 =	vadd.f32 v40, v37  }
0x36e: {  	v61 =	vbroadcast v34, $0x0;
	v47 =	vpop (erf);
	v36 =	vmul.f32 $1.442695020e+00, v36  }
0x36f: {  	v49 =	vld [tilespmem:s24+$0xD0];
	v48 =	vpop (erf);
	(erf) = vrcp.f32 v38;
	v25 =	vmul.f32 $1.442695020e+00, v25;
	v33 =	vsub.f32 $0.0e+00, v46  }
0x370: {  	v27 =	vmul.f32 v47, v27;
	v40 =	vadd.f32 $1.000000000e+00, v48;
	v42 =	vpop (erf);
	(erf) = vpow2.f32 v36  }
0x371: {  	v50 =	vpop (erf);
	v51 =	vadd.f32 v45, v63;
	v33 =	vmul.f32 $1.442695020e+00, v33;
	(erf) = vpow2.f32 v25  }
0x372: {  	v52 =	vadd.f32 $1.000000000e+00, v50;
	v36 =	vpop (erf);
	(erf) = vrcp.f32 v40  }
0x373: {  	v54 =	vmul.f32 v27, v12;
	v25 =	vsub.f32 $0.0e+00, v51;
	(erf) = vpow2.f32 v33;
	v53 =	vpop (erf)  }
0x374: {  	v33 =	vmul.f32 v53, v49;
	(erf) = vrcp.f32 v52;
	v37 =	vpop (erf)  }
0x375: {  	v41 =	vld [tilespmem:s29+$0xFFFFFFC0];
	v27 =	vmul.f32 v27, v9;
	v55 =	vmul.f32 $1.442695020e+00, v25;
	v56 =	vpop (erf)  }
0x376: {  	v38 =	vld [tilespmem:s29+$0xFFFFFF40];
	[tilespmem:s23+$0xFFFFFF20] =	vst v54;
	v57 =	vmul.f32 v33, v20;
	v58 =	vadd.f32 $1.000000000e+00, v56  }
0x377: {  	s6 =	sadd.s32 $0x3, s6;
	[tilespmem:s23+$0xFFFFFF60] =	vst v27;
	v27 =	vld.idx.msk [tilespmem:v61+s12+$0x0], $0xffff;
	v59 =	vmul.f32 v33, v18;
	(erf) = vpow2.f32 v55  }
0x378: {  	v60 =	vmov s6;
	v63 =	vld [tilespmem:s25+$0xFFFFFF30];
	v62 =	vpop (erf);
	[tilespmem:s5+$0x90] =	vst v57;
	(erf) = vrcp.f32 v58  }
0x379: {  	v32 =	vand.u32 $0xFFFFFFFE, v32;
	v49 =	vld [tilespmem:s22+$0xFFFFFF30];
	v29 =	vmul.f32 v62, v29;
	v48 =	vpop (erf);
	[tilespmem:s5+$0xD0] =	vst v59  }
0x37a: {  	v35 =	vadd.f32 $1.000000000e+00, v35;
	v32 =	vbroadcast v32, $0x0;
	v51 =	vld [tilespmem:s28+$0xA0];
	v50 =	vpop (erf)  }
0x37b: {  	v34 =	vadd.f32 $1.000000000e+00, v48;
	v53 =	vld [tilespmem:s24+$0xA0];
	v52 =	vmul.f32 v29, v22;
	v47 =	vmul.f32 v29, v17;
	v46 =	vpop (erf)  }
0x37c: {  	v57 =	vld [tilespmem:s29+$0xC0];
	(erf) = vrcp.f32 v35;
	v54 =	vpop (erf);
	v30 =	vmul.f32 v46, v30  }
0x37d: {  	v26 =	vmul.f32 v42, v26;
	v58 =	vadd.f32 $1.000000000e+00, v37;
	v29 =	vld.idx.msk [tilespmem:v60+s12+$0x0], $0xffff;
	(erf) = vrcp.f32 v34;
	[tilespmem:s5+$0xFFFFFF10] =	vst v52;
	v56 =	vpop (erf)  }
0x37e: {  	v25 =	vld.idx.msk [tilespmem:v31+s12+$0x0], $0xffff;
	v40 =	vadd.f32 $1.000000000e+00, v50;
	[tilespmem:s5+$0xFFFFFF50] =	vst v47;
	v35 =	vmul.f32 v56, v28;
	v59 =	vmul.f32 v30, v19  }
0x37f: {  	v31 =	vadd.f32 v49, v63;
	v55 =	vadd.f32 $1.000000000e+00, v54;
	v63 =	vld [tilespmem:s28+$0xFFFFFF20];
	v30 =	vmul.f32 v30, v15  }
0x380: {  	(erf) = vrcp.f32 v40;
	v50 =	vld [tilespmem:s24+$0xFFFFFF20];
	v61 =	vadd.f32 v53, v51;
	v62 =	vpop (erf);
	v60 =	vmul.f32 v35, v21;
	[tilespmem:s5+$0xFFFFFF90] =	vst v59  }
0x381: {  	v31 =	vsub.f32 $0.0e+00, v31;
	v28 =	vld.idx.msk [tilespmem:v32+s12+$0x0], $0xffff;
	(erf) = vrcp.f32 v55;
	v47 =	vmul.f32 v35, v16;
	[tilespmem:s5+$0xFFFFFFD0] =	vst v30;
	v49 =	vpop (erf)  }
0x382: {  	v39 =	vsub.f32 $0.0e+00, v61;
	v30 =	vsub.f32 $1.000000000e+00, v29;
	v51 =	vld [tilespmem:s28+$0xFFFFFFA0];
	[tilespmem:s5+$0x10] =	vst v60;
	v33 =	vmul.f32 v49, v57  }
0x383: {  	v31 =	vmul.f32 $1.442695020e+00, v31;
	v48 =	vadd.f32 $1.000000000e+00, v62;
	(erf) = vrcp.f32 v58;
	v52 =	vld [tilespmem:s24+$0xFFFFFFA0];
	[tilespmem:s5+$0x50] =	vst v47  }
0x384: {  	v53 =	vmul.f32 $1.442695020e+00, v39;
	v55 =	vld [tilespmem:s28+$0x20];
	v54 =	vmul.f32 v33, v30  }
0x385: {  	s31 =	sadd.s32 $0x200, s5;
	(erf) = vrcp.f32 v48;
	v57 =	vld [tilespmem:s24+$0x20];
	v56 =	vmul.f32 v33, v29  }
0x386: {  	v58 =	vmul.f32 v26, v13;
	v40 =	vadd.f32 v50, v63;
	(erf) = vpow2.f32 v53;
	v33 =	vpop (erf);
	[tilespmem:s31+$0x80] =	vst v54  }
0x387: {  	v34 =	vld [tilespmem:s29+$0x40];
	v60 =	vmul.f32 v26, v8;
	v26 =	vsub.f32 $1.000000000e+00, v27;
	(erf) = vpow2.f32 v31;
	[tilespmem:s31+$0xC0] =	vst v56;
	v59 =	vpop (erf)  }
0x388: {  	v32 =	vsub.f32 $1.000000000e+00, v28;
	v31 =	vsub.f32 $1.000000000e+00, v25;
	v62 =	vld [tilespmem:s2+$0x90];
	v37 =	vmul.f32 v59, v38  }
0x389: {  	v40 =	vsub.f32 $0.0e+00, v40;
	v35 =	vadd.f32 v52, v51;
	v63 =	vld [tilespmem:s29+$0x90];
	v61 =	vpop (erf)  }
0x38a: {  	[tilespmem:s23+$0xFFFFFFA0] =	vst v58;
	v39 =	vadd.f32 v57, v55;
	v41 =	vmul.f32 v61, v41;
	v51 =	vmul.f32 v37, v31  }
0x38b: {  	[tilespmem:s23+$0xFFFFFFE0] =	vst v60;
	v55 =	vsub.f32 $0.0e+00, v35;
	v57 =	vmul.f32 $1.442695020e+00, v40;
	v50 =	vpop (erf);
	v37 =	vmul.f32 v37, v25  }
0x38c: {  	v53 =	vld [tilespmem:s25+$0xFFFFFFB0];
	v39 =	vsub.f32 $0.0e+00, v39;
	v52 =	vmul.f32 v50, v34;
	v54 =	vmul.f32 v41, v26;
	[tilespmem:s31+$0xFFFFFF00] =	vst v51  }
0x38d: {  	v48 =	vld [tilespmem:s22+$0xFFFFFFB0];
	v42 =	vmul.f32 $1.442695020e+00, v55;
	v34 =	vpop (erf);
	v41 =	vmul.f32 v41, v27;
	[tilespmem:s31+$0xFFFFFF40] =	vst v37  }
0x38e: {  	v35 =	vpop (erf);
	v39 =	vmul.f32 $1.442695020e+00, v39;
	v56 =	vmul.f32 v52, v32;
	v38 =	vadd.f32 v63, v62;
	v59 =	vld [tilespmem:s2+$0xFFFFFF10];
	[tilespmem:s31+$0xFFFFFF80] =	vst v54  }
0x38f: {  	(erf) = vpow2.f32 v57;
	v58 =	vmul.f32 v52, v28;
	v61 =	vpop (erf);
	v60 =	vld [tilespmem:s29+$0xFFFFFF10];
	[tilespmem:s31+$0xFFFFFFC0] =	vst v41  }
0x390: {  	(erf) = vpow2.f32 v42;
	v37 =	vadd.f32 $1.000000000e+00, v61;
	v62 =	vpop (erf);
	v41 =	vld [tilespmem:s2+$0xFFFFFF90];
	[tilespmem:s31+$0x0] =	vst v56;
	v38 =	vsub.f32 $0.0e+00, v38  }
0x391: {  	v24 =	vmul.f32 v36, v24;
	(erf) = vpow2.f32 v39;
	v46 =	vld [tilespmem:s29+$0xFFFFFF90];
	[tilespmem:s31+$0x40] =	vst v58;
	v63 =	vadd.f32 $1.000000000e+00, v62  }
0x392: {  	v40 =	vld [tilespmem:s2+$0x10];
	(erf) = vrcp.f32 v37;
	v47 =	vmul.f32 $1.442695020e+00, v38  }
0x393: {  	v48 =	vadd.f32 v48, v53;
	v49 =	vld [tilespmem:s29+$0x10];
	(erf) = vrcp.f32 v63  }
0x394: {  	v52 =	vmul.f32 v24, v11;
	v50 =	vadd.f32 v60, v59;
	(erf) = vpow2.f32 v47  }
0x395: {  	v51 =	vsub.f32 $0.0e+00, v48;
	v24 =	vmul.f32 v24, v7  }
0x396: {  	[tilespmem:s23+$0x20] =	vst v52;
	v53 =	vadd.f32 v46, v41;
	v36 =	vsub.f32 $0.0e+00, v50  }
0x397: {  	v56 =	vld [tilespmem:s24+$0xE0];
	[tilespmem:s23+$0x60] =	vst v24;
	v37 =	vmul.f32 $1.442695020e+00, v51  }
0x398: {  	v62 =	vld [tilespmem:s22+$0x30];
	v55 =	vadd.f32 v49, v40;
	v57 =	vpop (erf);
	v54 =	vsub.f32 $0.0e+00, v53;
	v36 =	vmul.f32 $1.442695020e+00, v36  }
0x399: {  	v60 =	vld [tilespmem:s25+$0x30];
	(erf) = vpow2.f32 v37;
	v58 =	vadd.f32 $1.000000000e+00, v57;
	v59 =	vpop (erf)  }
0x39a: {  	v39 =	vsub.f32 $0.0e+00, v55;
	v61 =	vpop (erf);
	v38 =	vmul.f32 $1.442695020e+00, v54;
	(erf) = vpow2.f32 v36  }
0x39b: {  	v37 =	vadd.f32 $1.000000000e+00, v59;
	v63 =	vpop (erf);
	(erf) = vrcp.f32 v58  }
0x39c: {  	v39 =	vmul.f32 $1.442695020e+00, v39;
	v24 =	vpop (erf);
	(erf) = vpow2.f32 v38  }
0x39d: {  	v36 =	vadd.f32 $1.000000000e+00, v61;
	v43 =	vmul.f32 v63, v56;
	(erf) = vrcp.f32 v37;
	v44 =	vpop (erf)  }
0x39e: {  	v46 =	vadd.f32 v62, v60;
	(erf) = vpow2.f32 v39;
	v37 =	vadd.f32 $1.000000000e+00, v44  }
0x39f: {  	v45 =	vmul.f32 v43, v20;
	(erf) = vrcp.f32 v36  }
0x3a0: {  	v38 =	vmul.f32 v43, v18;
	v36 =	vsub.f32 $0.0e+00, v46;
	(erf) = vrcp.f32 v37  }
0x3a1: {  	[tilespmem:s0+$0xA0] =	vst v45  }
0x3a2: {  	[tilespmem:s0+$0xE0] =	vst v38;
	v36 =	vmul.f32 $1.442695020e+00, v36;
	v37 =	vpop (erf)  }
0x3a3: {  	v39 =	vld [tilespmem:s28+$0xB0];
	v47 =	vpop (erf)  }
0x3a4: {  	v48 =	vld [tilespmem:s24+$0xB0];
	v49 =	vpop (erf)  }
0x3a5: {  	v51 =	vld [tilespmem:s29+$0xD0];
	v38 =	vadd.f32 $1.000000000e+00, v47;
	v50 =	vpop (erf)  }
0x3a6: {  	(erf) = vpow2.f32 v36;
	v36 =	vpop (erf)  }
0x3a7: {  	v42 =	vadd.f32 $1.000000000e+00, v50;
	(erf) = vrcp.f32 v38;
	v52 =	vpop (erf)  }
0x3a8: {  	v44 =	vpop (erf)  }
0x3a9: {  	v39 =	vadd.f32 v48, v39;
	v38 =	vadd.f32 $1.000000000e+00, v52;
	(erf) = vrcp.f32 v42;
	v53 =	vpop (erf)  }
0x3aa: {  	v54 =	vld [tilespmem:s24+$0xFFFFFF60];
	v40 =	vmul.f32 v53, v51  }
0x3ab: {  	v39 =	vsub.f32 $0.0e+00, v39;
	(erf) = vrcp.f32 v38  }
0x3ac: {  	v55 =	vld [tilespmem:s29+$0xFFFFFF50];
	v43 =	vmul.f32 v40, v30  }
0x3ad: {  	v39 =	vmul.f32 $1.442695020e+00, v39;
	v40 =	vmul.f32 v40, v29  }
0x3ae: {  	v56 =	vld [tilespmem:s29+$0xFFFFFFD0];
	[tilespmem:s31+$0x90] =	vst v43  }
0x3af: {  	v57 =	vld [tilespmem:s29+$0x50];
	v41 =	vmul.f32 v49, v54;
	(erf) = vpow2.f32 v39;
	v42 =	vpop (erf);
	[tilespmem:s31+$0xD0] =	vst v40  }
0x3b0: {  	v58 =	vpop (erf);
	v40 =	vld [tilespmem:s2+$0xA0]  }
0x3b1: {  	v59 =	vmul.f32 v41, v22;
	v60 =	vld [tilespmem:s29+$0xA0];
	v38 =	vmul.f32 v58, v55  }
0x3b2: {  	v41 =	vmul.f32 v41, v17;
	v61 =	vpop (erf)  }
0x3b3: {  	[tilespmem:s0+$0xFFFFFF20] =	vst v59;
	v62 =	vmul.f32 v38, v31;
	v45 =	vmul.f32 v61, v56  }
0x3b4: {  	v47 =	vld [tilespmem:s24+$0xFFFFFFE0];
	[tilespmem:s0+$0xFFFFFF60] =	vst v41;
	v38 =	vmul.f32 v38, v25;
	v63 =	vpop (erf)  }
0x3b5: {  	v52 =	vld [tilespmem:s28+$0xFFFFFF30];
	[tilespmem:s31+$0xFFFFFF10] =	vst v62;
	v53 =	vmul.f32 v45, v26;
	v41 =	vmul.f32 v63, v57  }
0x3b6: {  	v54 =	vld [tilespmem:s24+$0xFFFFFF30];
	[tilespmem:s31+$0xFFFFFF50] =	vst v38;
	v55 =	vmul.f32 v45, v27;
	v39 =	vadd.f32 v60, v40  }
0x3b7: {  	v37 =	vadd.f32 $1.000000000e+00, v37;
	v56 =	vld [tilespmem:s2+$0xFFFFFF20];
	[tilespmem:s31+$0xFFFFFF90] =	vst v53;
	v57 =	vmul.f32 v41, v32  }
0x3b8: {  	v42 =	vadd.f32 $1.000000000e+00, v42;
	v49 =	vpop (erf);
	v58 =	vld [tilespmem:s29+$0xFFFFFF20];
	v41 =	vmul.f32 v41, v28;
	[tilespmem:s31+$0xFFFFFFD0] =	vst v55;
	v59 =	vsub.f32 $0.0e+00, v39  }
0x3b9: {  	(erf) = vrcp.f32 v37;
	v60 =	vadd.f32 $1.000000000e+00, v49;
	v61 =	vld [tilespmem:s2+$0xFFFFFFA0];
	[tilespmem:s31+$0x10] =	vst v57  }
0x3ba: {  	(erf) = vrcp.f32 v42;
	v62 =	vld [tilespmem:s29+$0xFFFFFFA0];
	[tilespmem:s31+$0x50] =	vst v41;
	v38 =	vmul.f32 $1.442695020e+00, v59  }
0x3bb: {  	(erf) = vrcp.f32 v60;
	v63 =	vld [tilespmem:s2+$0x20]  }
0x3bc: {  	v45 =	vadd.f32 v54, v52;
	v41 =	vld [tilespmem:s29+$0x20];
	(erf) = vpow2.f32 v38;
	_ =	sdelay $0x1  }
0x3bd: {  	v38 =	vsub.f32 $0.0e+00, v45  }
0x3be: {  	v36 =	vmul.f32 v36, v47;
	v40 =	vadd.f32 v58, v56  }
0x3bf: {  	v39 =	vadd.f32 v62, v61;
	v38 =	vmul.f32 $1.442695020e+00, v38  }
0x3c0: {  	v40 =	vsub.f32 $0.0e+00, v40;
	v41 =	vadd.f32 v41, v63  }
0x3c1: {  	v46 =	vmul.f32 v36, v19;
	v37 =	vpop (erf);
	v39 =	vsub.f32 $0.0e+00, v39  }
0x3c2: {  	v47 =	vmul.f32 v36, v15;
	v36 =	vpop (erf);
	v40 =	vmul.f32 $1.442695020e+00, v40;
	v41 =	vsub.f32 $0.0e+00, v41  }
0x3c3: {  	(erf) = vpow2.f32 v38;
	v38 =	vpop (erf);
	v39 =	vmul.f32 $1.442695020e+00, v39  }
0x3c4: {  	(erf) = vpow2.f32 v40;
	v41 =	vmul.f32 $1.442695020e+00, v41;
	v48 =	vpop (erf)  }
0x3c5: {  	[tilespmem:s0+$0xFFFFFFA0] =	vst v46;
	(erf) = vpow2.f32 v39;
	v49 =	vadd.f32 $1.000000000e+00, v48  }
0x3c6: {  	[tilespmem:s0+$0xFFFFFFE0] =	vst v47;
	(erf) = vpow2.f32 v41  }
0x3c7: {  	v50 =	vld [tilespmem:s28+$0xFFFFFFB0];
	(erf) = vrcp.f32 v49  }
0x3c8: {  	v51 =	vld [tilespmem:s24+$0xFFFFFFB0]  }
0x3c9: {  	v52 =	vld [tilespmem:s24+$0x60];
	_ =	sdelay $0x2  }
0x3ca: {  	v54 =	vld [tilespmem:s29+$0xE0];
	v53 =	vpop (erf)  }
0x3cb: {  	v39 =	vadd.f32 v51, v50;
	v55 =	vpop (erf)  }
0x3cc: {  	v41 =	vmul.f32 v44, v52;
	v56 =	vpop (erf)  }
0x3cd: {  	v39 =	vsub.f32 $0.0e+00, v39;
	v57 =	vpop (erf)  }
0x3ce: {  	v58 =	vmul.f32 v41, v21;
	v42 =	vadd.f32 $1.000000000e+00, v53;
	v59 =	vpop (erf)  }
0x3cf: {  	v39 =	vmul.f32 $1.442695020e+00, v39;
	v43 =	vmul.f32 v59, v54  }
0x3d0: {  	v41 =	vmul.f32 v41, v16;
	(erf) = vrcp.f32 v42;
	v40 =	vadd.f32 $1.000000000e+00, v55  }
0x3d1: {  	[tilespmem:s0+$0x20] =	vst v58;
	(erf) = vpow2.f32 v39;
	v60 =	vmul.f32 v43, v30  }
0x3d2: {  	[tilespmem:s0+$0x60] =	vst v41;
	(erf) = vrcp.f32 v40;
	v61 =	vmul.f32 v43, v29  }
0x3d3: {  	v41 =	vld [tilespmem:s28+$0x30];
	[tilespmem:s31+$0xA0] =	vst v60  }
0x3d4: {  	v62 =	vld [tilespmem:s24+$0x30];
	[tilespmem:s31+$0xE0] =	vst v61  }
0x3d5: {  	v40 =	vld [tilespmem:s2+$0xB0]  }
0x3d6: {  	v63 =	vld [tilespmem:s29+$0xB0]  }
0x3d7: {  	v48 =	vld [tilespmem:s29+$0xFFFFFF60];
	_ =	sdelay $0x1  }
0x3d8: {  	v39 =	vadd.f32 v62, v41;
	v46 =	vpop (erf)  }
0x3d9: {  	v44 =	vadd.f32 $1.000000000e+00, v56;
	v49 =	vpop (erf)  }
0x3da: {  	v39 =	vsub.f32 $0.0e+00, v39;
	v50 =	vpop (erf);
	v40 =	vadd.f32 v63, v40  }
0x3db: {  	v45 =	vadd.f32 $1.000000000e+00, v57;
	v51 =	vmul.f32 v50, v48  }
0x3dc: {  	(erf) = vrcp.f32 v44;
	v39 =	vmul.f32 $1.442695020e+00, v39;
	v40 =	vsub.f32 $0.0e+00, v40  }
0x3dd: {  	(erf) = vrcp.f32 v45;
	v43 =	vmul.f32 v51, v31  }
0x3de: {  	v42 =	vmul.f32 v51, v25;
	v40 =	vmul.f32 $1.442695020e+00, v40  }
0x3df: {  	(erf) = vpow2.f32 v39;
	[tilespmem:s31+$0xFFFFFF20] =	vst v43  }
0x3e0: {  	v52 =	vld [tilespmem:s29+$0xFFFFFFE0];
	[tilespmem:s31+$0xFFFFFF60] =	vst v42;
	(erf) = vpow2.f32 v40  }
0x3e1: {  	v53 =	vld [tilespmem:s2+$0xFFFFFF30]  }
0x3e2: {  	v42 =	vld [tilespmem:s29+$0xFFFFFF30];
	_ =	sdelay $0x2  }
0x3e3: {  	v54 =	vld [tilespmem:s29+$0x60];
	v44 =	vpop (erf)  }
0x3e4: {  	v39 =	vmul.f32 v44, v52  }
0x3e5: {  	v55 =	vpop (erf);
	v40 =	vadd.f32 v42, v53  }
0x3e6: {  	v41 =	vadd.f32 $1.000000000e+00, v49;
	v58 =	vmul.f32 v39, v26;
	v57 =	vpop (erf)  }
0x3e7: {  	v39 =	vmul.f32 v39, v27;
	v43 =	vadd.f32 $1.000000000e+00, v57;
	v40 =	vsub.f32 $0.0e+00, v40;
	v59 =	vpop (erf)  }
0x3e8: {  	v56 =	vmul.f32 v55, v54;
	(erf) = vrcp.f32 v41;
	v60 =	vadd.f32 $1.000000000e+00, v59  }
0x3e9: {  	(erf) = vrcp.f32 v43;
	v40 =	vmul.f32 $1.442695020e+00, v40  }
0x3ea: {  	[tilespmem:s31+$0xFFFFFFA0] =	vst v58;
	(erf) = vrcp.f32 v60  }
0x3eb: {  	v61 =	vld [tilespmem:s20+$0xFFFFFF70];
	[tilespmem:s31+$0xFFFFFFE0] =	vst v39;
	v62 =	vmul.f32 v56, v32;
	(erf) = vpow2.f32 v40  }
0x3ec: {  	v54 =	vld [tilespmem:s29+$0xFFFFFFB0];
	v52 =	vmul.f32 v56, v28  }
0x3ed: {  	v53 =	vld [tilespmem:s2+$0xFFFFFFB0];
	[tilespmem:s31+$0x20] =	vst v62  }
0x3ee: {  	v57 =	vld [tilespmem:s22+$0xF0];
	[tilespmem:s31+$0x60] =	vst v52  }
0x3ef: {  	v55 =	vld [tilespmem:s2+$0x30]  }
0x3f0: {  	v56 =	vld [tilespmem:s29+$0x30]  }
0x3f1: {  	v63 =	vld [tilespmem:s20+$0xFFFFFFF0];
	v45 =	vpop (erf)  }
0x3f2: {  	v23 =	vmul.f32 v23, v61;
	v39 =	vadd.f32 v54, v53;
	v48 =	vpop (erf)  }
0x3f3: {  	v58 =	vld [tilespmem:s20+$0x70];
	v40 =	vpop (erf)  }
0x3f4: {  	v3 =	vmul.f32 v23, v3;
	v39 =	vsub.f32 $0.0e+00, v39;
	v59 =	vpop (erf)  }
0x3f5: {  	v62 =	vld [tilespmem:s22+$0xFFFFFF70];
	v35 =	vmul.f32 v35, v57;
	v42 =	vadd.f32 v56, v55;
	v60 =	vadd.f32 $1.000000000e+00, v59  }
0x3f6: {  	v33 =	vmul.f32 v33, v63;
	v39 =	vmul.f32 $1.442695020e+00, v39  }
0x3f7: {  	[tilespmem:s21+$0xFFFFFF70] =	vst v3;
	v3 =	vmul.f32 v35, v10;
	v61 =	vsub.f32 $0.0e+00, v42;
	(erf) = vrcp.f32 v60  }
0x3f8: {  	v41 =	vld [tilespmem:s22+$0xFFFFFFF0];
	(erf) = vpow2.f32 v39;
	v39 =	vmul.f32 v34, v58  }
0x3f9: {  	v2 =	vmul.f32 v33, v2;
	v43 =	vld [tilespmem:s24+$0xF0];
	v63 =	vmul.f32 $1.442695020e+00, v61  }
0x3fa: {  	v44 =	vmul.f32 v24, v62;
	[tilespmem:s23+$0xF0] =	vst v3;
	v3 =	vmul.f32 v39, v4  }
0x3fb: {  	[tilespmem:s21+$0xFFFFFFF0] =	vst v2;
	v2 =	vld [tilespmem:s22+$0x70];
	(erf) = vpow2.f32 v63;
	v1 =	vmul.f32 v39, v1  }
0x3fc: {  	[tilespmem:s21+$0x30] =	vst v3;
	v3 =	vmul.f32 v35, v14  }
0x3fd: {  	v47 =	vmul.f32 v37, v41;
	[tilespmem:s21+$0x70] =	vst v1;
	v1 =	vmul.f32 v44, v12  }
0x3fe: {  	v50 =	vmul.f32 v38, v43;
	[tilespmem:s23+$0xB0] =	vst v3;
	v3 =	vmul.f32 v44, v9  }
0x3ff: {  	v49 =	vld [tilespmem:s24+$0xFFFFFF70];
	[tilespmem:s23+$0xFFFFFF30] =	vst v1;
	v1 =	vmul.f32 v47, v13  }
0x400: {  	v2 =	vmul.f32 v36, v2;
	[tilespmem:s23+$0xFFFFFF70] =	vst v3;
	v3 =	vmul.f32 v50, v18  }
0x401: {  	v54 =	vld [tilespmem:s29+$0xF0];
	v51 =	vpop (erf);
	[tilespmem:s23+$0xFFFFFFB0] =	vst v1;
	v1 =	vmul.f32 v47, v8  }
0x402: {  	v53 =	vpop (erf);
	[tilespmem:s0+$0xF0] =	vst v3;
	v3 =	vmul.f32 v2, v11  }
0x403: {  	v6 =	vmul.f32 v23, v6;
	v55 =	vadd.f32 $1.000000000e+00, v53;
	[tilespmem:s23+$0xFFFFFFF0] =	vst v1;
	v1 =	vmul.f32 v2, v7;
	v2 =	vld [tilespmem:s24+$0x70]  }
0x404: {  	v52 =	vld [tilespmem:s24+$0xFFFFFFF0];
	v10 =	vmul.f32 v46, v49;
	v56 =	vpop (erf);
	[tilespmem:s23+$0x30] =	vst v3;
	v3 =	vmul.f32 v50, v20  }
0x405: {  	[tilespmem:s21+$0xFFFFFF30] =	vst v6;
	v5 =	vmul.f32 v33, v5;
	v57 =	vadd.f32 $1.000000000e+00, v56;
	(erf) = vrcp.f32 v55  }
0x406: {  	v6 =	vmul.f32 v40, v54;
	[tilespmem:s0+$0xB0] =	vst v3;
	v3 =	vmul.f32 v10, v17  }
0x407: {  	[tilespmem:s21+$0xFFFFFFB0] =	vst v5;
	(erf) = vrcp.f32 v57  }
0x408: {  	v59 =	vld [tilespmem:s29+$0xFFFFFF70];
	v2 =	vmul.f32 v48, v2;
	[tilespmem:s0+$0xFFFFFF70] =	vst v3;
	v3 =	vmul.f32 v6, v29  }
0x409: {  	v58 =	vmul.f32 v10, v22;
	[tilespmem:s23+$0x70] =	vst v1;
	v1 =	vmul.f32 v45, v52  }
0x40a: {  	v61 =	vld [tilespmem:s29+$0xFFFFFFF0];
	[tilespmem:s31+$0xF0] =	vst v3;
	v3 =	vmul.f32 v2, v21  }
0x40b: {  	[tilespmem:s0+$0xFFFFFF30] =	vst v58;
	v60 =	vmul.f32 v1, v19;
	v1 =	vmul.f32 v1, v15  }
0x40c: {  	v62 =	vld [tilespmem:s29+$0x70];
	[tilespmem:s0+$0x30] =	vst v3;
	v3 =	vmul.f32 v6, v30  }
0x40d: {  	[tilespmem:s0+$0xFFFFFFF0] =	vst v1;
	v1 =	vmul.f32 v2, v16;
	v2 =	vmul.f32 v51, v59  }
0x40e: {  	[tilespmem:s0+$0xFFFFFFB0] =	vst v60;
	v63 =	vpop (erf)  }
0x40f: {  	[tilespmem:s0+$0x70] =	vst v1;
	v1 =	vmul.f32 v2, v31;
	v5 =	vmul.f32 v63, v61  }
0x410: {  	v2 =	vmul.f32 v2, v25;
	[tilespmem:s31+$0xB0] =	vst v3;
	v3 =	vpop (erf)  }
0x411: {  	[tilespmem:s31+$0xFFFFFF30] =	vst v1;
	v1 =	vmul.f32 v5, v26;
	v3 =	vmul.f32 v3, v62  }
0x412: {  	[tilespmem:s31+$0xFFFFFF70] =	vst v2;
	v2 =	vmul.f32 v5, v27  }
.Ltmp9:
0x413: {  	[tilespmem:s31+$0xFFFFFFB0] =	vst v1;
	v1 =	vmul.f32 v3, v32;
	(pc) =	sbr.rel .LBB2_11-.Ltmp9, $4  }
0x414: {  	[tilespmem:s31+$0xFFFFFFF0] =	vst v2;
	v2 =	vmul.f32 v3, v28  }
0x415: {  	[tilespmem:s31+$0x30] =	vst v1  }
0x416: {  	[tilespmem:s31+$0x70] =	vst v2  }
0x417: {  	[spmem:s1] =	stream.indirect.scatter.add.f32 [tilespmem:s14], [sflag:$0x6], $0x80, s13, s11, $0xb8;
	[tilespmem:$0x1FE80] =	vst v63  }
.LBB2_13:
0x418: {  	_ =	sfence.sel $0x180000  }
0x419: {  	[bflag:$0x0] =	sbarrier.arrive $0xFFFF  }
0x41a: {  	_ =	strace $0x90000047  }
0x41b: {  	s0 =	stileid.u32;
	[bflag:$0x2] =	sbarrier.arrive $0xFFFF  }
0x41c: {  	p0 =	sne.s32 s0, $0x0;
	s0 =	rddreg [dreg:$0x3]  }
0x41d: {  	s0 =	sadd.s32 @!p0 $0x100000, s0  }
0x41e: {  	[sflag:s0] =	ssyncadd.tile.s32 @!p0 $0x1;
	_ =	shalt  }
.Lfunc_end2:
_tile_overlayer_lowered:
.L_overlay_start_2:
0x41f: {  	(tag) =	ssettag $0x2  }
0x420: {  	s0 =	rddreg [dreg:$0x0];
	s2 =	stileid.u32  }
0x421: {  	s1 =	rddreg [dreg:$0x1];
	p0 =	sne.s32 s2, $0x0  }
0x422: {  	s3 =	rddreg [dreg:$0x2];
	[bflag:$0x3] =	sbarrier.arrive $0xFFFF;
	s2 =	simm.s32 @!p0 $0x1C07  }
0x423: {  	[timem:s3], [sflag:s2] =	dma.local @!p0 [hbm:s0], s1  }
0x424: {  	s0 =	simm.s32 @!p0 $0x7  }
0x425: {  	_ =	swait.ge @!p0 [sflag:s0], s1  }
0x426: {  	s1 =	ssub.s32 @!p0 $0x0, s1;
	[sflag:s0] =	ssyncset.done @!p0 $0x0  }
0x427: {  	[sflag:s0] =	ssyncadd.s32 @!p0 s1  }
0x428: {  	[bflag:$0x3] =	sbarrier.arrive $0xFFFF  }
0x429: {  	_ =	shalt  }

</sc_bundles>
